<compile_context>
chip_gen: v7x
topology: tpu7x:2x2x1
jax: 0.10.2.dev20260603
libtpu: 0.0.44.dev20260713+nightly
codegen_flags: <defaults>
</compile_context>

<pallas_src>
import functools

import jax
import jax.numpy as jnp
from jax import lax
from jax.experimental import pallas as pl
from jax.experimental.pallas import tpu as pltpu
from jax.experimental.pallas import tpu_sc as plsc

N = 10000
NP = 10240
E = 320000
CHUNK = 128
NC, NS = 2, 16
KT = 160
CT = NS * KT + 128
EP = CT * CHUNK
RPT = NP // NS
BLK = 2048
NBUF = 4

SPLIT_DEG = (100, 60)
SPLIT_F64 = (144, 16)
SPLIT_F16 = (112, 48)


def _chunk_starts(c, s, ka, kb):
  return jnp.where(c == 0, s * ka, NS * ka + s * kb)


def _sc_edge_accumulate(table, src_t, dst_t, zeros, f, split):
  mesh = plsc.VectorSubcoreMesh(core_axis_name="c", subcore_axis_name="s")
  ka, kb = split
  kmax = max(ka, kb)

  @functools.partial(
      pl.kernel,
      out_type=[jax.ShapeDtypeStruct((NP, f), jnp.float32),
                jax.ShapeDtypeStruct((NP, f), jnp.float32)],
      mesh=mesh,
      scratch_types=[
          pltpu.VMEM((kmax, CHUNK), jnp.int32),
          pltpu.VMEM((kmax, CHUNK), jnp.int32),
          [pltpu.VMEM((CHUNK, f), jnp.float32)] * NBUF,
          [pltpu.SemaphoreType.DMA] * NBUF,
          pltpu.VMEM_SHARED((NP, f), jnp.float32),
      ],
      compiler_params=pltpu.CompilerParams(use_tc_tiling_on_sc=False),
  )
  def k(table_hbm, src_hbm, dst_hbm, zeros_hbm, out0_hbm, out1_hbm,
        src_v, dst_v, bufs, sems, acc_sh):
    c = lax.axis_index("c")
    s = lax.axis_index("s")
    r0 = s * RPT
    c0 = _chunk_starts(c, s, ka, kb)
    kc = jnp.where(c == 0, ka, kb)

    @pl.when(c == 0)
    def _():
      pltpu.sync_copy(table_hbm.at[pl.ds(r0, RPT)], acc_sh.at[pl.ds(r0, RPT)])

    @pl.when(c != 0)
    def _():
      pltpu.sync_copy(zeros_hbm.at[pl.ds(r0, RPT)], acc_sh.at[pl.ds(r0, RPT)])

    pltpu.sync_copy(src_hbm.at[pl.ds(c0, kmax)], src_v)
    pltpu.sync_copy(dst_hbm.at[pl.ds(c0, kmax)], dst_v)
    plsc.subcore_barrier()

    for u in range(NBUF - 1):
      pltpu.async_copy(table_hbm.at[src_v.at[u]], bufs[u], sems[u])

    @pl.loop(0, kc, step=NBUF)
    def _(j):
      for u in range(NBUF):
        jj = j + u
        pltpu.make_async_copy(
            table_hbm.at[src_v.at[jj]], bufs[u], sems[u]).wait()
        pltpu.sync_copy(bufs[u], acc_sh.at[dst_v.at[jj]], add=True)

        @pl.when(jj + NBUF - 1 < kc)
        def _():
          pltpu.async_copy(table_hbm.at[src_v.at[jj + NBUF - 1]],
                           bufs[(u + NBUF - 1) % NBUF],
                           sems[(u + NBUF - 1) % NBUF])

    plsc.subcore_barrier()

    @pl.when(c == 0)
    def _():
      pltpu.sync_copy(acc_sh.at[pl.ds(r0, RPT)], out0_hbm.at[pl.ds(r0, RPT)])

    @pl.when(c != 0)
    def _():
      pltpu.sync_copy(acc_sh.at[pl.ds(r0, RPT)], out1_hbm.at[pl.ds(r0, RPT)])

  return k(table, src_t, dst_t, zeros)


def _sc_degree_count(src_t, dst_t, ones, zeros):
  mesh = plsc.VectorSubcoreMesh(core_axis_name="c", subcore_axis_name="s")
  ka, kb = SPLIT_DEG
  kmax = max(ka, kb)

  @functools.partial(
      pl.kernel,
      out_type=[jax.ShapeDtypeStruct((NP, 16), jnp.float32),
                jax.ShapeDtypeStruct((NP, 16), jnp.float32)],
      mesh=mesh,
      scratch_types=[
          pltpu.VMEM((kmax, CHUNK), jnp.int32),
          pltpu.VMEM((CHUNK, 16), jnp.float32),
          pltpu.VMEM_SHARED((NP, 16), jnp.float32),
          pltpu.SemaphoreType.DMA,
      ],
      compiler_params=pltpu.CompilerParams(use_tc_tiling_on_sc=False),
  )
  def k(ones_hbm, src_hbm, dst_hbm, zeros_hbm, out0_hbm, out1_hbm,
        dst_v, ones_v, acc_sh, sem):
    c = lax.axis_index("c")
    s = lax.axis_index("s")
    r0 = s * RPT
    c0 = _chunk_starts(c, s, ka, kb)
    kc = jnp.where(c == 0, ka, kb)

    @pl.when(c == 0)
    def _():
      pltpu.sync_copy(ones_hbm.at[pl.ds(r0, RPT)], acc_sh.at[pl.ds(r0, RPT)])

    @pl.when(c != 0)
    def _():
      pltpu.sync_copy(zeros_hbm.at[pl.ds(r0, RPT)], acc_sh.at[pl.ds(r0, RPT)])

    pltpu.sync_copy(ones_hbm.at[pl.ds(0, CHUNK)], ones_v)
    pltpu.sync_copy(dst_hbm.at[pl.ds(c0, kmax)], dst_v)
    plsc.subcore_barrier()

    @pl.loop(0, kc, step=4)
    def _(j):
      for u in range(4):
        pltpu.async_copy(ones_v, acc_sh.at[dst_v.at[j + u]], sem, add=True)
      for u in range(4):
        pltpu.make_async_copy(ones_v, acc_sh.at[dst_v.at[j + u]], sem).wait()

    plsc.subcore_barrier()

    @pl.when(c == 0)
    def _():
      pltpu.sync_copy(acc_sh.at[pl.ds(r0, RPT)], out0_hbm.at[pl.ds(r0, RPT)])

    @pl.when(c != 0)
    def _():
      pltpu.sync_copy(acc_sh.at[pl.ds(r0, RPT)], out1_hbm.at[pl.ds(r0, RPT)])

  return k(ones, src_t, dst_t, zeros)


def _silu(v):
  return v * jax.nn.sigmoid(v)


def _tc_mm1(xp, w1, p1, pb1):
  def body(x_ref, w1_ref, p1_ref, pb1_ref, h1_ref, xr1_ref):
    xb = x_ref[...]
    h1_ref[...] = jnp.dot(xb, w1_ref[...], preferred_element_type=jnp.float32)
    xr1_ref[...] = _silu(
        jnp.dot(xb, p1_ref[...], preferred_element_type=jnp.float32)
        + pb1_ref[...])

  full = lambda shape: pl.BlockSpec(shape, lambda i: (0, 0))
  blk = lambda w: pl.BlockSpec((BLK, w), lambda i: (i, 0))
  return pl.pallas_call(
      body,
      grid=(NP // BLK,),
      in_specs=[blk(128), full((128, 64)), full((128, 64)), full((1, 64))],
      out_specs=[blk(64), blk(64)],
      out_shape=[jax.ShapeDtypeStruct((NP, 64), jnp.float32),
                 jax.ShapeDtypeStruct((NP, 64), jnp.float32)],
  )(xp, w1, p1, pb1)


def _tc_scale1(h1, cnt0, cnt1):
  def body(h1_ref, c0_ref, c1_ref, s1_ref):
    dinv = lax.rsqrt(c0_ref[:, 0:1] + c1_ref[:, 0:1])
    s1_ref[...] = h1_ref[...] * dinv

  blk = lambda w: pl.BlockSpec((BLK, w), lambda i: (i, 0))
  return pl.pallas_call(
      body,
      grid=(NP // BLK,),
      in_specs=[blk(64), blk(16), blk(16)],
      out_specs=blk(64),
      out_shape=jax.ShapeDtypeStruct((NP, 64), jnp.float32),
  )(h1, cnt0, cnt1)


def _tc_mid(a0, a1, cnt0, cnt1, b1, xr1, al1, w2, p2, pb2):
  def body(a0_ref, a1_ref, c0_ref, c1_ref, b1_ref, xr1_ref, al1_ref,
           w2_ref, p2_ref, pb2_ref, s2_ref, xr2_ref):
    dinv = lax.rsqrt(c0_ref[:, 0:1] + c1_ref[:, 0:1])
    out1 = (a0_ref[...] + a1_ref[...]) * dinv + b1_ref[...]
    h = _silu(out1) + al1_ref[0, 0] * xr1_ref[...]
    s2_ref[...] = jnp.dot(
        h, w2_ref[...], preferred_element_type=jnp.float32) * dinv
    xr2_ref[...] = _silu(
        jnp.dot(h, p2_ref[...], preferred_element_type=jnp.float32)
        + pb2_ref[...])

  full = lambda shape: pl.BlockSpec(shape, lambda i: (0, 0))
  blk = lambda w: pl.BlockSpec((BLK, w), lambda i: (i, 0))
  return pl.pallas_call(
      body,
      grid=(NP // BLK,),
      in_specs=[blk(64), blk(64), blk(16), blk(16), full((1, 64)), blk(64),
                full((1, 1)), full((64, 16)), full((64, 16)), full((1, 16))],
      out_specs=[blk(16), blk(16)],
      out_shape=[jax.ShapeDtypeStruct((NP, 16), jnp.float32),
                 jax.ShapeDtypeStruct((NP, 16), jnp.float32)],
  )(a0, a1, cnt0, cnt1, b1, xr1, al1, w2, p2, pb2)


def _tc_post(a0, a1, cnt0, cnt1, b2, xr2, al2):
  def body(a0_ref, a1_ref, c0_ref, c1_ref, b2_ref, xr2_ref, al2_ref, z_ref):
    dinv = lax.rsqrt(c0_ref[:, 0:1] + c1_ref[:, 0:1])
    z_ref[...] = ((a0_ref[...] + a1_ref[...]) * dinv + b2_ref[...]
                  + al2_ref[0, 0] * xr2_ref[...])

  full = lambda shape: pl.BlockSpec(shape, lambda i: (0, 0))
  blk = lambda w: pl.BlockSpec((BLK, w), lambda i: (i, 0))
  return pl.pallas_call(
      body,
      grid=(NP // BLK,),
      in_specs=[blk(16), blk(16), blk(16), blk(16), full((1, 16)), blk(16),
                full((1, 1))],
      out_specs=blk(16),
      out_shape=jax.ShapeDtypeStruct((NP, 16), jnp.float32),
  )(a0, a1, cnt0, cnt1, b2, xr2, al2)


def kernel(x, edge_index, W1, b1, W2, b2, P1, pb1, P2, pb2, alpha1, alpha2):
  ei = edge_index.astype(jnp.int32)
  pad = jnp.full((EP - E,), N, jnp.int32)
  src_t = jnp.concatenate([ei[0], pad]).reshape(CT, CHUNK)
  dst_t = jnp.concatenate([ei[1], pad]).reshape(CT, CHUNK)

  xp = jnp.pad(x, ((0, NP - N), (0, 0)))
  zeros16 = jnp.zeros((NP, 16), jnp.float32)
  zeros64 = jnp.zeros((NP, 64), jnp.float32)
  ones16 = jnp.ones((NP, 16), jnp.float32)

  cnt0, cnt1 = _sc_degree_count(src_t, dst_t, ones16, zeros16)

  h1, xr1 = _tc_mm1(xp, W1, P1, pb1.reshape(1, 64))
  s1 = _tc_scale1(h1, cnt0, cnt1)

  a10, a11 = _sc_edge_accumulate(s1, src_t, dst_t, zeros64, 64, SPLIT_F64)

  s2, xr2 = _tc_mid(a10, a11, cnt0, cnt1, b1.reshape(1, 64),
                    xr1, alpha1.reshape(1, 1), W2, P2, pb2.reshape(1, 16))

  a20, a21 = _sc_edge_accumulate(s2, src_t, dst_t, zeros16, 16, SPLIT_F16)

  z = _tc_post(a20, a21, cnt0, cnt1, b2.reshape(1, 16),
               xr2, alpha2.reshape(1, 1))
  return z[:N]

# --- scband reference (transcript-rebuilt; emitter-appended) ---
"""Pipeline reference for scband-gcnencoder-2680059592841 (READ-ONLY COPY).

The authoritative reference and input builder live on the scoring server;
editing this copy changes nothing except your own understanding.
"""

import jax, jax.numpy as jnp
import numpy as np

N_NODES = 10000


def gcn_conv(x, edge_index, W, b):
    # PyG GCNConv: h = x @ W, add self-loops, symmetric normalization, scatter-add, + bias
    h = x @ W
    src = edge_index[0]
    dst = edge_index[1]
    loop = jnp.arange(N_NODES, dtype=edge_index.dtype)
    src = jnp.concatenate([src, loop])
    dst = jnp.concatenate([dst, loop])
    deg = jnp.zeros((N_NODES,), dtype=h.dtype).at[dst].add(1.0)
    deg_inv_sqrt = jnp.where(deg > 0, 1.0 / jnp.sqrt(deg), 0.0)
    norm = deg_inv_sqrt[src] * deg_inv_sqrt[dst]
    msg = h[src] * norm[:, None]
    out = jnp.zeros((N_NODES, h.shape[1]), dtype=h.dtype).at[dst].add(msg)
    return out + b


def setup_inputs(seed: int = 0) -> dict:
    key = jax.random.key(seed)
    ks = jax.random.split(key, 12)
    x = jax.random.normal(ks[0], (N_NODES, 128), dtype=jnp.float32)
    edge_index = jax.random.randint(ks[1], (2, 320000), 0, N_NODES, dtype=jnp.int64)
    W1 = jax.random.normal(ks[2], (128, 64), dtype=jnp.float32) * (1.0 / np.sqrt(128))
    b1 = jnp.zeros((64,), dtype=jnp.float32)
    W2 = jax.random.normal(ks[3], (64, 16), dtype=jnp.float32) * (1.0 / np.sqrt(64))
    b2 = jnp.zeros((16,), dtype=jnp.float32)
    P1 = jax.random.normal(ks[4], (128, 64), dtype=jnp.float32) * (1.0 / np.sqrt(128))
    pb1 = jax.random.normal(ks[5], (64,), dtype=jnp.float32) * 0.01
    P2 = jax.random.normal(ks[6], (64, 16), dtype=jnp.float32) * (1.0 / np.sqrt(64))
    pb2 = jax.random.normal(ks[7], (16,), dtype=jnp.float32) * 0.01
    alpha1 = jnp.asarray(0.5, dtype=jnp.float32)
    alpha2 = jnp.asarray(0.5, dtype=jnp.float32)
    return {"x": x, "edge_index": edge_index, "W1": W1, "b1": b1, "W2": W2, "b2": b2,
            "P1": P1, "pb1": pb1, "P2": P2, "pb2": pb2, "alpha1": alpha1, "alpha2": alpha2}


def reference(x, edge_index, W1, b1, W2, b2, P1, pb1, P2, pb2, alpha1, alpha2):
    x_res1 = jax.nn.silu(x @ P1 + pb1)
    h = jax.nn.silu(gcn_conv(x, edge_index, W1, b1))
    h = h + x_res1 * alpha1
    x_res2 = jax.nn.silu(h @ P2 + pb2)
    z = gcn_conv(h, edge_index, W2, b2)
    z = z + x_res2 * alpha2
    return z

if __name__ == "__main__":
    import jax
    _d = setup_inputs()
    print(jax.jit(kernel)(*tuple(_d.values())))

</pallas_src>

<mosaic_0001>
#map = affine_map<(d0, d1) -> (0, 0)>
module attributes {stable_mosaic.version = 14 : i64} {
  func.func @k(%arg0: i32, %arg1: i32, %arg2: memref<10240x16xf32, #tpu.memory_space<hbm>>, %arg3: memref<2688x128xi32, #tpu.memory_space<hbm>>, %arg4: memref<2688x128xi32, #tpu.memory_space<hbm>>, %arg5: memref<10240x16xf32, #tpu.memory_space<hbm>>, %arg6: memref<10240x16xf32, #tpu.memory_space<hbm>>, %arg7: memref<10240x16xf32, #tpu.memory_space<hbm>>, %arg8: memref<112x128xi32, #tpu.memory_space<vmem>>, %arg9: memref<112x128xi32, #tpu.memory_space<vmem>>, %arg10: memref<128x16xf32, #tpu.memory_space<vmem>>, %arg11: memref<128x16xf32, #tpu.memory_space<vmem>>, %arg12: memref<128x16xf32, #tpu.memory_space<vmem>>, %arg13: memref<128x16xf32, #tpu.memory_space<vmem>>, %arg14: memref<!tpu.dma_semaphore, #tpu.memory_space<semaphore_mem>>, %arg15: memref<!tpu.dma_semaphore, #tpu.memory_space<semaphore_mem>>, %arg16: memref<!tpu.dma_semaphore, #tpu.memory_space<semaphore_mem>>, %arg17: memref<!tpu.dma_semaphore, #tpu.memory_space<semaphore_mem>>, %arg18: memref<10240x16xf32, #tpu.memory_space<vmem_shared>>) attributes {dimension_semantics = [#tpu.dimension_semantics<core_parallel>, #tpu.dimension_semantics<subcore_parallel>], iteration_bounds = array<i64: 2, 16>, scalar_prefetch = 0 : i64, scratch_operands = 11 : i64, tpu.core_type = #tpu.core_type<sc_vector_subcore>, window_params = [{transform_indices = #map}, {transform_indices = #map}, {transform_indices = #map}, {transform_indices = #map}, {transform_indices = #map}, {transform_indices = #map}]} {
    %mul3A = arith.constant 640 : i32
    %mul3A_0 = arith.muli %arg1, %mul3A : i32
    %eq3A = arith.constant 0 : i32
    %eq3A_1 = arith.cmpi eq, %arg0, %eq3A : i32
    %mul3A_2 = arith.constant 112 : i32
    %mul3A_3 = arith.muli %arg1, %mul3A_2 : i32
    %mul3A_4 = arith.constant 48 : i32
    %mul3A_5 = arith.muli %arg1, %mul3A_4 : i32
    %add3A = arith.constant 1792 : i32
    %add3A_6 = arith.addi %add3A, %mul3A_5 : i32
    %select_n3A = arith.select %eq3A_1, %mul3A_3, %add3A_6 : i32
    %eq3A_7 = arith.constant 0 : i32
    %eq3A_8 = arith.cmpi eq, %arg0, %eq3A_7 : i32
    %jit3A = arith.constant 112 : i32
    %jit3A_9 = arith.constant 48 : i32
    %select_n3A_10 = arith.select %eq3A_8, %jit3A, %jit3A_9 : i32
    %eq3A_11 = arith.constant 0 : i32
    %eq3A_12 = arith.cmpi eq, %arg0, %eq3A_11 : i32
    %convert_element_type3A = arith.extui %eq3A_12 : i1 to i32
    %cond3A = arith.constant 0 : i32
    %cond3A_13 = arith.cmpi ne, %convert_element_type3A, %cond3A : i32
    scf.if %cond3A_13 {
      "tpu.region"() ({
        %run_scoped3A = tpu.sem_alloc : memref<!tpu.dma_semaphore, #tpu.memory_space<semaphore_mem>>
        %dma_start3A_65 = arith.constant 0 : i32
        %dma_start3A_66 = tpu.memref_slice %arg18[%mul3A_0, %dma_start3A_65] : memref<10240x16xf32, #tpu.memory_space<vmem_shared>> -> memref<640x16xf32, #tpu.memory_space<vmem_shared>>
        %dma_start3A_67 = arith.constant 0 : i32
        %dma_start3A_68 = tpu.memref_slice %arg2[%mul3A_0, %dma_start3A_67] : memref<10240x16xf32, #tpu.memory_space<hbm>> -> memref<640x16xf32, #tpu.memory_space<hbm>>
        tpu.enqueue_dma source(%dma_start3A_68 : memref<640x16xf32, #tpu.memory_space<hbm>>) target(%dma_start3A_66 : memref<640x16xf32, #tpu.memory_space<vmem_shared>>) target_semaphore(%run_scoped3A : memref<!tpu.dma_semaphore, #tpu.memory_space<semaphore_mem>>)
        %dma_wait3A = arith.constant 0 : i32
        %dma_wait3A_69 = tpu.memref_slice %arg18[%mul3A_0, %dma_wait3A] : memref<10240x16xf32, #tpu.memory_space<vmem_shared>> -> memref<640x16xf32, #tpu.memory_space<vmem_shared>>
        %dma_wait3A_70 = arith.constant 0 : i32
        %dma_wait3A_71 = tpu.memref_slice %arg2[%mul3A_0, %dma_wait3A_70] : memref<10240x16xf32, #tpu.memory_space<hbm>> -> memref<640x16xf32, #tpu.memory_space<hbm>>
        tpu.wait_dma2 semaphore(%run_scoped3A : memref<!tpu.dma_semaphore, #tpu.memory_space<semaphore_mem>>) src(%dma_wait3A_71 : memref<640x16xf32, #tpu.memory_space<hbm>>) dst(%dma_wait3A_69 : memref<640x16xf32, #tpu.memory_space<vmem_shared>>)
        tpu.yield
      }) : () -> ()
    } else {
    }
    %ne3A = arith.constant 0 : i32
    %ne3A_14 = arith.cmpi ne, %arg0, %ne3A : i32
    %convert_element_type3A_15 = arith.extui %ne3A_14 : i1 to i32
    %cond3A_16 = arith.constant 0 : i32
    %cond3A_17 = arith.cmpi ne, %convert_element_type3A_15, %cond3A_16 : i32
    scf.if %cond3A_17 {
      "tpu.region"() ({
        %run_scoped3A = tpu.sem_alloc : memref<!tpu.dma_semaphore, #tpu.memory_space<semaphore_mem>>
        %dma_start3A_65 = arith.constant 0 : i32
        %dma_start3A_66 = tpu.memref_slice %arg18[%mul3A_0, %dma_start3A_65] : memref<10240x16xf32, #tpu.memory_space<vmem_shared>> -> memref<640x16xf32, #tpu.memory_space<vmem_shared>>
        %dma_start3A_67 = arith.constant 0 : i32
        %dma_start3A_68 = tpu.memref_slice %arg5[%mul3A_0, %dma_start3A_67] : memref<10240x16xf32, #tpu.memory_space<hbm>> -> memref<640x16xf32, #tpu.memory_space<hbm>>
        tpu.enqueue_dma source(%dma_start3A_68 : memref<640x16xf32, #tpu.memory_space<hbm>>) target(%dma_start3A_66 : memref<640x16xf32, #tpu.memory_space<vmem_shared>>) target_semaphore(%run_scoped3A : memref<!tpu.dma_semaphore, #tpu.memory_space<semaphore_mem>>)
        %dma_wait3A = arith.constant 0 : i32
        %dma_wait3A_69 = tpu.memref_slice %arg18[%mul3A_0, %dma_wait3A] : memref<10240x16xf32, #tpu.memory_space<vmem_shared>> -> memref<640x16xf32, #tpu.memory_space<vmem_shared>>
        %dma_wait3A_70 = arith.constant 0 : i32
        %dma_wait3A_71 = tpu.memref_slice %arg5[%mul3A_0, %dma_wait3A_70] : memref<10240x16xf32, #tpu.memory_space<hbm>> -> memref<640x16xf32, #tpu.memory_space<hbm>>
        tpu.wait_dma2 semaphore(%run_scoped3A : memref<!tpu.dma_semaphore, #tpu.memory_space<semaphore_mem>>) src(%dma_wait3A_71 : memref<640x16xf32, #tpu.memory_space<hbm>>) dst(%dma_wait3A_69 : memref<640x16xf32, #tpu.memory_space<vmem_shared>>)
        tpu.yield
      }) : () -> ()
    } else {
    }
    "tpu.region"() ({
      %run_scoped3A = tpu.sem_alloc : memref<!tpu.dma_semaphore, #tpu.memory_space<semaphore_mem>>
      %dma_start3A_65 = arith.constant 0 : i32
      %dma_start3A_66 = tpu.memref_slice %arg3[%select_n3A, %dma_start3A_65] : memref<2688x128xi32, #tpu.memory_space<hbm>> -> memref<112x128xi32, #tpu.memory_space<hbm>>
      %dma_start3A_67 = arith.constant 0 : i32
      %dma_start3A_68 = tpu.memref_slice %arg3[%select_n3A, %dma_start3A_67] : memref<2688x128xi32, #tpu.memory_space<hbm>> -> memref<112x128xi32, #tpu.memory_space<hbm>>
      tpu.enqueue_dma source(%dma_start3A_68 : memref<112x128xi32, #tpu.memory_space<hbm>>) target(%arg8 : memref<112x128xi32, #tpu.memory_space<vmem>>) target_semaphore(%run_scoped3A : memref<!tpu.dma_semaphore, #tpu.memory_space<semaphore_mem>>)
      %dma_wait3A = arith.constant 0 : i32
      %dma_wait3A_69 = tpu.memref_slice %arg3[%select_n3A, %dma_wait3A] : memref<2688x128xi32, #tpu.memory_space<hbm>> -> memref<112x128xi32, #tpu.memory_space<hbm>>
      %dma_wait3A_70 = arith.constant 0 : i32
      %dma_wait3A_71 = tpu.memref_slice %arg3[%select_n3A, %dma_wait3A_70] : memref<2688x128xi32, #tpu.memory_space<hbm>> -> memref<112x128xi32, #tpu.memory_space<hbm>>
      tpu.wait_dma2 semaphore(%run_scoped3A : memref<!tpu.dma_semaphore, #tpu.memory_space<semaphore_mem>>) src(%dma_wait3A_71 : memref<112x128xi32, #tpu.memory_space<hbm>>) dst(%arg8 : memref<112x128xi32, #tpu.memory_space<vmem>>)
      tpu.yield
    }) : () -> ()
    "tpu.region"() ({
      %run_scoped3A = tpu.sem_alloc : memref<!tpu.dma_semaphore, #tpu.memory_space<semaphore_mem>>
      %dma_start3A_65 = arith.constant 0 : i32
      %dma_start3A_66 = tpu.memref_slice %arg4[%select_n3A, %dma_start3A_65] : memref<2688x128xi32, #tpu.memory_space<hbm>> -> memref<112x128xi32, #tpu.memory_space<hbm>>
      %dma_start3A_67 = arith.constant 0 : i32
      %dma_start3A_68 = tpu.memref_slice %arg4[%select_n3A, %dma_start3A_67] : memref<2688x128xi32, #tpu.memory_space<hbm>> -> memref<112x128xi32, #tpu.memory_space<hbm>>
      tpu.enqueue_dma source(%dma_start3A_68 : memref<112x128xi32, #tpu.memory_space<hbm>>) target(%arg9 : memref<112x128xi32, #tpu.memory_space<vmem>>) target_semaphore(%run_scoped3A : memref<!tpu.dma_semaphore, #tpu.memory_space<semaphore_mem>>)
      %dma_wait3A = arith.constant 0 : i32
      %dma_wait3A_69 = tpu.memref_slice %arg4[%select_n3A, %dma_wait3A] : memref<2688x128xi32, #tpu.memory_space<hbm>> -> memref<112x128xi32, #tpu.memory_space<hbm>>
      %dma_wait3A_70 = arith.constant 0 : i32
      %dma_wait3A_71 = tpu.memref_slice %arg4[%select_n3A, %dma_wait3A_70] : memref<2688x128xi32, #tpu.memory_space<hbm>> -> memref<112x128xi32, #tpu.memory_space<hbm>>
      tpu.wait_dma2 semaphore(%run_scoped3A : memref<!tpu.dma_semaphore, #tpu.memory_space<semaphore_mem>>) src(%dma_wait3A_71 : memref<112x128xi32, #tpu.memory_space<hbm>>) dst(%arg9 : memref<112x128xi32, #tpu.memory_space<vmem>>)
      tpu.yield
    }) : () -> ()
    %barrier3A = arith.constant 0 : index
    tpu.barrier barrier_id(%barrier3A)
    %dma_start3A = arith.constant 0 : i32
    %dma_start3A_18 = arith.constant 0 : i32
    %dma_start3A_19 = tpu.memref_slice %arg8[%dma_start3A, %dma_start3A_18] : memref<112x128xi32, #tpu.memory_space<vmem>> -> memref<1x128xi32, #tpu.memory_space<vmem>>
    %dma_start3A_20 = tpu.memref_squeeze %dma_start3A_19 : memref<1x128xi32, #tpu.memory_space<vmem>> -> memref<128xi32, #tpu.memory_space<vmem>>
    %dma_start3A_21 = arith.constant 0 : i32
    %dma_start3A_22 = arith.constant 0 : i32
    %dma_start3A_23 = tpu.memref_slice %arg2[%dma_start3A_21, %dma_start3A_22] : memref<10240x16xf32, #tpu.memory_space<hbm>> -> memref<10240x16xf32, #tpu.memory_space<hbm>>
    tpu.enqueue_indirect_dma source(%dma_start3A_23 : memref<10240x16xf32, #tpu.memory_space<hbm>>) target(%arg10 : memref<128x16xf32, #tpu.memory_space<vmem>>) offsets(%dma_start3A_20 : memref<128xi32, #tpu.memory_space<vmem>>) semaphore(%arg14 : memref<!tpu.dma_semaphore, #tpu.memory_space<semaphore_mem>>)
    %dma_start3A_24 = arith.constant 1 : i32
    %dma_start3A_25 = arith.constant 0 : i32
    %dma_start3A_26 = tpu.memref_slice %arg8[%dma_start3A_24, %dma_start3A_25] : memref<112x128xi32, #tpu.memory_space<vmem>> -> memref<1x128xi32, #tpu.memory_space<vmem>>
    %dma_start3A_27 = tpu.memref_squeeze %dma_start3A_26 : memref<1x128xi32, #tpu.memory_space<vmem>> -> memref<128xi32, #tpu.memory_space<vmem>>
    %dma_start3A_28 = arith.constant 0 : i32
    %dma_start3A_29 = arith.constant 0 : i32
    %dma_start3A_30 = tpu.memref_slice %arg2[%dma_start3A_28, %dma_start3A_29] : memref<10240x16xf32, #tpu.memory_space<hbm>> -> memref<10240x16xf32, #tpu.memory_space<hbm>>
    tpu.enqueue_indirect_dma source(%dma_start3A_30 : memref<10240x16xf32, #tpu.memory_space<hbm>>) target(%arg11 : memref<128x16xf32, #tpu.memory_space<vmem>>) offsets(%dma_start3A_27 : memref<128xi32, #tpu.memory_space<vmem>>) semaphore(%arg15 : memref<!tpu.dma_semaphore, #tpu.memory_space<semaphore_mem>>)
    %dma_start3A_31 = arith.constant 2 : i32
    %dma_start3A_32 = arith.constant 0 : i32
    %dma_start3A_33 = tpu.memref_slice %arg8[%dma_start3A_31, %dma_start3A_32] : memref<112x128xi32, #tpu.memory_space<vmem>> -> memref<1x128xi32, #tpu.memory_space<vmem>>
    %dma_start3A_34 = tpu.memref_squeeze %dma_start3A_33 : memref<1x128xi32, #tpu.memory_space<vmem>> -> memref<128xi32, #tpu.memory_space<vmem>>
    %dma_start3A_35 = arith.constant 0 : i32
    %dma_start3A_36 = arith.constant 0 : i32
    %dma_start3A_37 = tpu.memref_slice %arg2[%dma_start3A_35, %dma_start3A_36] : memref<10240x16xf32, #tpu.memory_space<hbm>> -> memref<10240x16xf32, #tpu.memory_space<hbm>>
    tpu.enqueue_indirect_dma source(%dma_start3A_37 : memref<10240x16xf32, #tpu.memory_space<hbm>>) target(%arg12 : memref<128x16xf32, #tpu.memory_space<vmem>>) offsets(%dma_start3A_34 : memref<128xi32, #tpu.memory_space<vmem>>) semaphore(%arg16 : memref<!tpu.dma_semaphore, #tpu.memory_space<semaphore_mem>>)
    %sub3A = arith.constant 0 : i32
    %sub3A_38 = arith.subi %select_n3A_10, %sub3A : i32
    %sub3A_39 = arith.constant 4 : i32
    %sub3A_40 = arith.constant 1 : i32
    %sub3A_41 = arith.subi %sub3A_39, %sub3A_40 : i32
    %add3A_42 = arith.addi %sub3A_38, %sub3A_41 : i32
    %div3A = arith.constant 4 : i32
    %div3A_43 = arith.divsi %add3A_42, %div3A : i32
    %while3A = arith.constant 4 : i32
    %while3A_44 = arith.constant 0 : i32
    %while3A_45 = arith.constant 0 : i32
    %while3A_46 = arith.subi %div3A_43, %while3A_45 : i32
    %while3A_47 = arith.addi %while3A_45, %while3A_46 : i32
    %while3A_48 = arith.constant 1 : i32
    %while3A_49 = arith.divsi %while3A_46, %while3A_48 : i32
    %while3A_50 = arith.muli %while3A_49, %while3A_48 : i32
    %while3A_51 = arith.addi %while3A_45, %while3A_50 : i32
    %while3A_52 = arith.constant 1 : i32
    scf.for %while3A_65 = %while3A_45 to %while3A_51 step %while3A_52  : i32 {
      %mul3A_66 = arith.muli %while3A_65, %while3A : i32
      %add3A_67 = arith.addi %while3A_44, %mul3A_66 : i32
      %add3A_68 = arith.constant 0 : i32
      %add3A_69 = arith.addi %add3A_67, %add3A_68 : i32
      %dma_wait3A = arith.constant 0 : i32
      %dma_wait3A_70 = tpu.memref_slice %arg8[%add3A_69, %dma_wait3A] : memref<112x128xi32, #tpu.memory_space<vmem>> -> memref<1x128xi32, #tpu.memory_space<vmem>>
      %dma_wait3A_71 = tpu.memref_squeeze %dma_wait3A_70 : memref<1x128xi32, #tpu.memory_space<vmem>> -> memref<128xi32, #tpu.memory_space<vmem>>
      %dma_wait3A_72 = arith.constant 0 : i32
      %dma_wait3A_73 = arith.constant 0 : i32
      %dma_wait3A_74 = tpu.memref_slice %arg2[%dma_wait3A_72, %dma_wait3A_73] : memref<10240x16xf32, #tpu.memory_space<hbm>> -> memref<10240x16xf32, #tpu.memory_space<hbm>>
      tpu.wait_indirect_dma semaphore(%arg14 : memref<!tpu.dma_semaphore, #tpu.memory_space<semaphore_mem>>) src(%dma_wait3A_74 : memref<10240x16xf32, #tpu.memory_space<hbm>>) dst(%arg10 : memref<128x16xf32, #tpu.memory_space<vmem>>)
      "tpu.region"() ({
        %run_scoped3A = tpu.sem_alloc : memref<!tpu.dma_semaphore, #tpu.memory_space<semaphore_mem>>
        %dma_start3A_130 = arith.constant 0 : i32
        %dma_start3A_131 = tpu.memref_slice %arg9[%add3A_69, %dma_start3A_130] : memref<112x128xi32, #tpu.memory_space<vmem>> -> memref<1x128xi32, #tpu.memory_space<vmem>>
        %dma_start3A_132 = tpu.memref_squeeze %dma_start3A_131 : memref<1x128xi32, #tpu.memory_space<vmem>> -> memref<128xi32, #tpu.memory_space<vmem>>
        %dma_start3A_133 = arith.constant 0 : i32
        %dma_start3A_134 = arith.constant 0 : i32
        %dma_start3A_135 = tpu.memref_slice %arg18[%dma_start3A_133, %dma_start3A_134] : memref<10240x16xf32, #tpu.memory_space<vmem_shared>> -> memref<10240x16xf32, #tpu.memory_space<vmem_shared>>
        tpu.enqueue_indirect_dma source(%arg10 : memref<128x16xf32, #tpu.memory_space<vmem>>) target(%dma_start3A_135 : memref<10240x16xf32, #tpu.memory_space<vmem_shared>>) offsets(%dma_start3A_132 : memref<128xi32, #tpu.memory_space<vmem>>) semaphore(%run_scoped3A : memref<!tpu.dma_semaphore, #tpu.memory_space<semaphore_mem>>) {add = true}
        %dma_wait3A_136 = arith.constant 0 : i32
        %dma_wait3A_137 = tpu.memref_slice %arg9[%add3A_69, %dma_wait3A_136] : memref<112x128xi32, #tpu.memory_space<vmem>> -> memref<1x128xi32, #tpu.memory_space<vmem>>
        %dma_wait3A_138 = tpu.memref_squeeze %dma_wait3A_137 : memref<1x128xi32, #tpu.memory_space<vmem>> -> memref<128xi32, #tpu.memory_space<vmem>>
        %dma_wait3A_139 = arith.constant 0 : i32
        %dma_wait3A_140 = arith.constant 0 : i32
        %dma_wait3A_141 = tpu.memref_slice %arg18[%dma_wait3A_139, %dma_wait3A_140] : memref<10240x16xf32, #tpu.memory_space<vmem_shared>> -> memref<10240x16xf32, #tpu.memory_space<vmem_shared>>
        tpu.wait_indirect_dma semaphore(%run_scoped3A : memref<!tpu.dma_semaphore, #tpu.memory_space<semaphore_mem>>) src(%arg10 : memref<128x16xf32, #tpu.memory_space<vmem>>) dst(%dma_wait3A_141 : memref<10240x16xf32, #tpu.memory_space<vmem_shared>>)
        tpu.yield
      }) : () -> ()
      %add3A_75 = arith.constant 4 : i32
      %add3A_76 = arith.addi %add3A_69, %add3A_75 : i32
      %sub3A_77 = arith.constant 1 : i32
      %sub3A_78 = arith.subi %add3A_76, %sub3A_77 : i32
      %lt3A = arith.cmpi slt, %sub3A_78, %select_n3A_10 : i32
      %convert_element_type3A_79 = arith.extui %lt3A : i1 to i32
      %cond3A_80 = arith.constant 0 : i32
      %cond3A_81 = arith.cmpi ne, %convert_element_type3A_79, %cond3A_80 : i32
      scf.if %cond3A_81 {
        %add3A_130 = arith.constant 4 : i32
        %add3A_131 = arith.addi %add3A_69, %add3A_130 : i32
        %sub3A_132 = arith.constant 1 : i32
        %sub3A_133 = arith.subi %add3A_131, %sub3A_132 : i32
        %dma_start3A_134 = arith.constant 0 : i32
        %dma_start3A_135 = tpu.memref_slice %arg8[%sub3A_133, %dma_start3A_134] : memref<112x128xi32, #tpu.memory_space<vmem>> -> memref<1x128xi32, #tpu.memory_space<vmem>>
        %dma_start3A_136 = tpu.memref_squeeze %dma_start3A_135 : memref<1x128xi32, #tpu.memory_space<vmem>> -> memref<128xi32, #tpu.memory_space<vmem>>
        %dma_start3A_137 = arith.constant 0 : i32
        %dma_start3A_138 = arith.constant 0 : i32
        %dma_start3A_139 = tpu.memref_slice %arg2[%dma_start3A_137, %dma_start3A_138] : memref<10240x16xf32, #tpu.memory_space<hbm>> -> memref<10240x16xf32, #tpu.memory_space<hbm>>
        tpu.enqueue_indirect_dma source(%dma_start3A_139 : memref<10240x16xf32, #tpu.memory_space<hbm>>) target(%arg13 : memref<128x16xf32, #tpu.memory_space<vmem>>) offsets(%dma_start3A_136 : memref<128xi32, #tpu.memory_space<vmem>>) semaphore(%arg17 : memref<!tpu.dma_semaphore, #tpu.memory_space<semaphore_mem>>)
      } else {
      }
      %add3A_82 = arith.constant 1 : i32
      %add3A_83 = arith.addi %add3A_67, %add3A_82 : i32
      %dma_wait3A_84 = arith.constant 0 : i32
      %dma_wait3A_85 = tpu.memref_slice %arg8[%add3A_83, %dma_wait3A_84] : memref<112x128xi32, #tpu.memory_space<vmem>> -> memref<1x128xi32, #tpu.memory_space<vmem>>
      %dma_wait3A_86 = tpu.memref_squeeze %dma_wait3A_85 : memref<1x128xi32, #tpu.memory_space<vmem>> -> memref<128xi32, #tpu.memory_space<vmem>>
      %dma_wait3A_87 = arith.constant 0 : i32
      %dma_wait3A_88 = arith.constant 0 : i32
      %dma_wait3A_89 = tpu.memref_slice %arg2[%dma_wait3A_87, %dma_wait3A_88] : memref<10240x16xf32, #tpu.memory_space<hbm>> -> memref<10240x16xf32, #tpu.memory_space<hbm>>
      tpu.wait_indirect_dma semaphore(%arg15 : memref<!tpu.dma_semaphore, #tpu.memory_space<semaphore_mem>>) src(%dma_wait3A_89 : memref<10240x16xf32, #tpu.memory_space<hbm>>) dst(%arg11 : memref<128x16xf32, #tpu.memory_space<vmem>>)
      "tpu.region"() ({
        %run_scoped3A = tpu.sem_alloc : memref<!tpu.dma_semaphore, #tpu.memory_space<semaphore_mem>>
        %dma_start3A_130 = arith.constant 0 : i32
        %dma_start3A_131 = tpu.memref_slice %arg9[%add3A_83, %dma_start3A_130] : memref<112x128xi32, #tpu.memory_space<vmem>> -> memref<1x128xi32, #tpu.memory_space<vmem>>
        %dma_start3A_132 = tpu.memref_squeeze %dma_start3A_131 : memref<1x128xi32, #tpu.memory_space<vmem>> -> memref<128xi32, #tpu.memory_space<vmem>>
        %dma_start3A_133 = arith.constant 0 : i32
        %dma_start3A_134 = arith.constant 0 : i32
        %dma_start3A_135 = tpu.memref_slice %arg18[%dma_start3A_133, %dma_start3A_134] : memref<10240x16xf32, #tpu.memory_space<vmem_shared>> -> memref<10240x16xf32, #tpu.memory_space<vmem_shared>>
        tpu.enqueue_indirect_dma source(%arg11 : memref<128x16xf32, #tpu.memory_space<vmem>>) target(%dma_start3A_135 : memref<10240x16xf32, #tpu.memory_space<vmem_shared>>) offsets(%dma_start3A_132 : memref<128xi32, #tpu.memory_space<vmem>>) semaphore(%run_scoped3A : memref<!tpu.dma_semaphore, #tpu.memory_space<semaphore_mem>>) {add = true}
        %dma_wait3A_136 = arith.constant 0 : i32
        %dma_wait3A_137 = tpu.memref_slice %arg9[%add3A_83, %dma_wait3A_136] : memref<112x128xi32, #tpu.memory_space<vmem>> -> memref<1x128xi32, #tpu.memory_space<vmem>>
        %dma_wait3A_138 = tpu.memref_squeeze %dma_wait3A_137 : memref<1x128xi32, #tpu.memory_space<vmem>> -> memref<128xi32, #tpu.memory_space<vmem>>
        %dma_wait3A_139 = arith.constant 0 : i32
        %dma_wait3A_140 = arith.constant 0 : i32
        %dma_wait3A_141 = tpu.memref_slice %arg18[%dma_wait3A_139, %dma_wait3A_140] : memref<10240x16xf32, #tpu.memory_space<vmem_shared>> -> memref<10240x16xf32, #tpu.memory_space<vmem_shared>>
        tpu.wait_indirect_dma semaphore(%run_scoped3A : memref<!tpu.dma_semaphore, #tpu.memory_space<semaphore_mem>>) src(%arg11 : memref<128x16xf32, #tpu.memory_space<vmem>>) dst(%dma_wait3A_141 : memref<10240x16xf32, #tpu.memory_space<vmem_shared>>)
        tpu.yield
      }) : () -> ()
      %add3A_90 = arith.constant 4 : i32
      %add3A_91 = arith.addi %add3A_83, %add3A_90 : i32
      %sub3A_92 = arith.constant 1 : i32
      %sub3A_93 = arith.subi %add3A_91, %sub3A_92 : i32
      %lt3A_94 = arith.cmpi slt, %sub3A_93, %select_n3A_10 : i32
      %convert_element_type3A_95 = arith.extui %lt3A_94 : i1 to i32
      %cond3A_96 = arith.constant 0 : i32
      %cond3A_97 = arith.cmpi ne, %convert_element_type3A_95, %cond3A_96 : i32
      scf.if %cond3A_97 {
        %add3A_130 = arith.constant 4 : i32
        %add3A_131 = arith.addi %add3A_83, %add3A_130 : i32
        %sub3A_132 = arith.constant 1 : i32
        %sub3A_133 = arith.subi %add3A_131, %sub3A_132 : i32
        %dma_start3A_134 = arith.constant 0 : i32
        %dma_start3A_135 = tpu.memref_slice %arg8[%sub3A_133, %dma_start3A_134] : memref<112x128xi32, #tpu.memory_space<vmem>> -> memref<1x128xi32, #tpu.memory_space<vmem>>
        %dma_start3A_136 = tpu.memref_squeeze %dma_start3A_135 : memref<1x128xi32, #tpu.memory_space<vmem>> -> memref<128xi32, #tpu.memory_space<vmem>>
        %dma_start3A_137 = arith.constant 0 : i32
        %dma_start3A_138 = arith.constant 0 : i32
        %dma_start3A_139 = tpu.memref_slice %arg2[%dma_start3A_137, %dma_start3A_138] : memref<10240x16xf32, #tpu.memory_space<hbm>> -> memref<10240x16xf32, #tpu.memory_space<hbm>>
        tpu.enqueue_indirect_dma source(%dma_start3A_139 : memref<10240x16xf32, #tpu.memory_space<hbm>>) target(%arg10 : memref<128x16xf32, #tpu.memory_space<vmem>>) offsets(%dma_start3A_136 : memref<128xi32, #tpu.memory_space<vmem>>) semaphore(%arg14 : memref<!tpu.dma_semaphore, #tpu.memory_space<semaphore_mem>>)
      } else {
      }
      %add3A_98 = arith.constant 2 : i32
      %add3A_99 = arith.addi %add3A_67, %add3A_98 : i32
      %dma_wait3A_100 = arith.constant 0 : i32
      %dma_wait3A_101 = tpu.memref_slice %arg8[%add3A_99, %dma_wait3A_100] : memref<112x128xi32, #tpu.memory_space<vmem>> -> memref<1x128xi32, #tpu.memory_space<vmem>>
      %dma_wait3A_102 = tpu.memref_squeeze %dma_wait3A_101 : memref<1x128xi32, #tpu.memory_space<vmem>> -> memref<128xi32, #tpu.memory_space<vmem>>
      %dma_wait3A_103 = arith.constant 0 : i32
      %dma_wait3A_104 = arith.constant 0 : i32
      %dma_wait3A_105 = tpu.memref_slice %arg2[%dma_wait3A_103, %dma_wait3A_104] : memref<10240x16xf32, #tpu.memory_space<hbm>> -> memref<10240x16xf32, #tpu.memory_space<hbm>>
      tpu.wait_indirect_dma semaphore(%arg16 : memref<!tpu.dma_semaphore, #tpu.memory_space<semaphore_mem>>) src(%dma_wait3A_105 : memref<10240x16xf32, #tpu.memory_space<hbm>>) dst(%arg12 : memref<128x16xf32, #tpu.memory_space<vmem>>)
      "tpu.region"() ({
        %run_scoped3A = tpu.sem_alloc : memref<!tpu.dma_semaphore, #tpu.memory_space<semaphore_mem>>
        %dma_start3A_130 = arith.constant 0 : i32
        %dma_start3A_131 = tpu.memref_slice %arg9[%add3A_99, %dma_start3A_130] : memref<112x128xi32, #tpu.memory_space<vmem>> -> memref<1x128xi32, #tpu.memory_space<vmem>>
        %dma_start3A_132 = tpu.memref_squeeze %dma_start3A_131 : memref<1x128xi32, #tpu.memory_space<vmem>> -> memref<128xi32, #tpu.memory_space<vmem>>
        %dma_start3A_133 = arith.constant 0 : i32
        %dma_start3A_134 = arith.constant 0 : i32
        %dma_start3A_135 = tpu.memref_slice %arg18[%dma_start3A_133, %dma_start3A_134] : memref<10240x16xf32, #tpu.memory_space<vmem_shared>> -> memref<10240x16xf32, #tpu.memory_space<vmem_shared>>
        tpu.enqueue_indirect_dma source(%arg12 : memref<128x16xf32, #tpu.memory_space<vmem>>) target(%dma_start3A_135 : memref<10240x16xf32, #tpu.memory_space<vmem_shared>>) offsets(%dma_start3A_132 : memref<128xi32, #tpu.memory_space<vmem>>) semaphore(%run_scoped3A : memref<!tpu.dma_semaphore, #tpu.memory_space<semaphore_mem>>) {add = true}
        %dma_wait3A_136 = arith.constant 0 : i32
        %dma_wait3A_137 = tpu.memref_slice %arg9[%add3A_99, %dma_wait3A_136] : memref<112x128xi32, #tpu.memory_space<vmem>> -> memref<1x128xi32, #tpu.memory_space<vmem>>
        %dma_wait3A_138 = tpu.memref_squeeze %dma_wait3A_137 : memref<1x128xi32, #tpu.memory_space<vmem>> -> memref<128xi32, #tpu.memory_space<vmem>>
        %dma_wait3A_139 = arith.constant 0 : i32
        %dma_wait3A_140 = arith.constant 0 : i32
        %dma_wait3A_141 = tpu.memref_slice %arg18[%dma_wait3A_139, %dma_wait3A_140] : memref<10240x16xf32, #tpu.memory_space<vmem_shared>> -> memref<10240x16xf32, #tpu.memory_space<vmem_shared>>
        tpu.wait_indirect_dma semaphore(%run_scoped3A : memref<!tpu.dma_semaphore, #tpu.memory_space<semaphore_mem>>) src(%arg12 : memref<128x16xf32, #tpu.memory_space<vmem>>) dst(%dma_wait3A_141 : memref<10240x16xf32, #tpu.memory_space<vmem_shared>>)
        tpu.yield
      }) : () -> ()
      %add3A_106 = arith.constant 4 : i32
      %add3A_107 = arith.addi %add3A_99, %add3A_106 : i32
      %sub3A_108 = arith.constant 1 : i32
      %sub3A_109 = arith.subi %add3A_107, %sub3A_108 : i32
      %lt3A_110 = arith.cmpi slt, %sub3A_109, %select_n3A_10 : i32
      %convert_element_type3A_111 = arith.extui %lt3A_110 : i1 to i32
      %cond3A_112 = arith.constant 0 : i32
      %cond3A_113 = arith.cmpi ne, %convert_element_type3A_111, %cond3A_112 : i32
      scf.if %cond3A_113 {
        %add3A_130 = arith.constant 4 : i32
        %add3A_131 = arith.addi %add3A_99, %add3A_130 : i32
        %sub3A_132 = arith.constant 1 : i32
        %sub3A_133 = arith.subi %add3A_131, %sub3A_132 : i32
        %dma_start3A_134 = arith.constant 0 : i32
        %dma_start3A_135 = tpu.memref_slice %arg8[%sub3A_133, %dma_start3A_134] : memref<112x128xi32, #tpu.memory_space<vmem>> -> memref<1x128xi32, #tpu.memory_space<vmem>>
        %dma_start3A_136 = tpu.memref_squeeze %dma_start3A_135 : memref<1x128xi32, #tpu.memory_space<vmem>> -> memref<128xi32, #tpu.memory_space<vmem>>
        %dma_start3A_137 = arith.constant 0 : i32
        %dma_start3A_138 = arith.constant 0 : i32
        %dma_start3A_139 = tpu.memref_slice %arg2[%dma_start3A_137, %dma_start3A_138] : memref<10240x16xf32, #tpu.memory_space<hbm>> -> memref<10240x16xf32, #tpu.memory_space<hbm>>
        tpu.enqueue_indirect_dma source(%dma_start3A_139 : memref<10240x16xf32, #tpu.memory_space<hbm>>) target(%arg11 : memref<128x16xf32, #tpu.memory_space<vmem>>) offsets(%dma_start3A_136 : memref<128xi32, #tpu.memory_space<vmem>>) semaphore(%arg15 : memref<!tpu.dma_semaphore, #tpu.memory_space<semaphore_mem>>)
      } else {
      }
      %add3A_114 = arith.constant 3 : i32
      %add3A_115 = arith.addi %add3A_67, %add3A_114 : i32
      %dma_wait3A_116 = arith.constant 0 : i32
      %dma_wait3A_117 = tpu.memref_slice %arg8[%add3A_115, %dma_wait3A_116] : memref<112x128xi32, #tpu.memory_space<vmem>> -> memref<1x128xi32, #tpu.memory_space<vmem>>
      %dma_wait3A_118 = tpu.memref_squeeze %dma_wait3A_117 : memref<1x128xi32, #tpu.memory_space<vmem>> -> memref<128xi32, #tpu.memory_space<vmem>>
      %dma_wait3A_119 = arith.constant 0 : i32
      %dma_wait3A_120 = arith.constant 0 : i32
      %dma_wait3A_121 = tpu.memref_slice %arg2[%dma_wait3A_119, %dma_wait3A_120] : memref<10240x16xf32, #tpu.memory_space<hbm>> -> memref<10240x16xf32, #tpu.memory_space<hbm>>
      tpu.wait_indirect_dma semaphore(%arg17 : memref<!tpu.dma_semaphore, #tpu.memory_space<semaphore_mem>>) src(%dma_wait3A_121 : memref<10240x16xf32, #tpu.memory_space<hbm>>) dst(%arg13 : memref<128x16xf32, #tpu.memory_space<vmem>>)
      "tpu.region"() ({
        %run_scoped3A = tpu.sem_alloc : memref<!tpu.dma_semaphore, #tpu.memory_space<semaphore_mem>>
        %dma_start3A_130 = arith.constant 0 : i32
        %dma_start3A_131 = tpu.memref_slice %arg9[%add3A_115, %dma_start3A_130] : memref<112x128xi32, #tpu.memory_space<vmem>> -> memref<1x128xi32, #tpu.memory_space<vmem>>
        %dma_start3A_132 = tpu.memref_squeeze %dma_start3A_131 : memref<1x128xi32, #tpu.memory_space<vmem>> -> memref<128xi32, #tpu.memory_space<vmem>>
        %dma_start3A_133 = arith.constant 0 : i32
        %dma_start3A_134 = arith.constant 0 : i32
        %dma_start3A_135 = tpu.memref_slice %arg18[%dma_start3A_133, %dma_start3A_134] : memref<10240x16xf32, #tpu.memory_space<vmem_shared>> -> memref<10240x16xf32, #tpu.memory_space<vmem_shared>>
        tpu.enqueue_indirect_dma source(%arg13 : memref<128x16xf32, #tpu.memory_space<vmem>>) target(%dma_start3A_135 : memref<10240x16xf32, #tpu.memory_space<vmem_shared>>) offsets(%dma_start3A_132 : memref<128xi32, #tpu.memory_space<vmem>>) semaphore(%run_scoped3A : memref<!tpu.dma_semaphore, #tpu.memory_space<semaphore_mem>>) {add = true}
        %dma_wait3A_136 = arith.constant 0 : i32
        %dma_wait3A_137 = tpu.memref_slice %arg9[%add3A_115, %dma_wait3A_136] : memref<112x128xi32, #tpu.memory_space<vmem>> -> memref<1x128xi32, #tpu.memory_space<vmem>>
        %dma_wait3A_138 = tpu.memref_squeeze %dma_wait3A_137 : memref<1x128xi32, #tpu.memory_space<vmem>> -> memref<128xi32, #tpu.memory_space<vmem>>
        %dma_wait3A_139 = arith.constant 0 : i32
        %dma_wait3A_140 = arith.constant 0 : i32
        %dma_wait3A_141 = tpu.memref_slice %arg18[%dma_wait3A_139, %dma_wait3A_140] : memref<10240x16xf32, #tpu.memory_space<vmem_shared>> -> memref<10240x16xf32, #tpu.memory_space<vmem_shared>>
        tpu.wait_indirect_dma semaphore(%run_scoped3A : memref<!tpu.dma_semaphore, #tpu.memory_space<semaphore_mem>>) src(%arg13 : memref<128x16xf32, #tpu.memory_space<vmem>>) dst(%dma_wait3A_141 : memref<10240x16xf32, #tpu.memory_space<vmem_shared>>)
        tpu.yield
      }) : () -> ()
      %add3A_122 = arith.constant 4 : i32
      %add3A_123 = arith.addi %add3A_115, %add3A_122 : i32
      %sub3A_124 = arith.constant 1 : i32
      %sub3A_125 = arith.subi %add3A_123, %sub3A_124 : i32
      %lt3A_126 = arith.cmpi slt, %sub3A_125, %select_n3A_10 : i32
      %convert_element_type3A_127 = arith.extui %lt3A_126 : i1 to i32
      %cond3A_128 = arith.constant 0 : i32
      %cond3A_129 = arith.cmpi ne, %convert_element_type3A_127, %cond3A_128 : i32
      scf.if %cond3A_129 {
        %add3A_130 = arith.constant 4 : i32
        %add3A_131 = arith.addi %add3A_115, %add3A_130 : i32
        %sub3A_132 = arith.constant 1 : i32
        %sub3A_133 = arith.subi %add3A_131, %sub3A_132 : i32
        %dma_start3A_134 = arith.constant 0 : i32
        %dma_start3A_135 = tpu.memref_slice %arg8[%sub3A_133, %dma_start3A_134] : memref<112x128xi32, #tpu.memory_space<vmem>> -> memref<1x128xi32, #tpu.memory_space<vmem>>
        %dma_start3A_136 = tpu.memref_squeeze %dma_start3A_135 : memref<1x128xi32, #tpu.memory_space<vmem>> -> memref<128xi32, #tpu.memory_space<vmem>>
        %dma_start3A_137 = arith.constant 0 : i32
        %dma_start3A_138 = arith.constant 0 : i32
        %dma_start3A_139 = tpu.memref_slice %arg2[%dma_start3A_137, %dma_start3A_138] : memref<10240x16xf32, #tpu.memory_space<hbm>> -> memref<10240x16xf32, #tpu.memory_space<hbm>>
        tpu.enqueue_indirect_dma source(%dma_start3A_139 : memref<10240x16xf32, #tpu.memory_space<hbm>>) target(%arg12 : memref<128x16xf32, #tpu.memory_space<vmem>>) offsets(%dma_start3A_136 : memref<128xi32, #tpu.memory_space<vmem>>) semaphore(%arg16 : memref<!tpu.dma_semaphore, #tpu.memory_space<semaphore_mem>>)
      } else {
      }
    }
    %while3A_53 = arith.constant 1 : i32
    scf.for %while3A_65 = %while3A_51 to %while3A_47 step %while3A_53  : i32 {
      %mul3A_66 = arith.muli %while3A_65, %while3A : i32
      %add3A_67 = arith.addi %while3A_44, %mul3A_66 : i32
      %add3A_68 = arith.constant 0 : i32
      %add3A_69 = arith.addi %add3A_67, %add3A_68 : i32
      %dma_wait3A = arith.constant 0 : i32
      %dma_wait3A_70 = tpu.memref_slice %arg8[%add3A_69, %dma_wait3A] : memref<112x128xi32, #tpu.memory_space<vmem>> -> memref<1x128xi32, #tpu.memory_space<vmem>>
      %dma_wait3A_71 = tpu.memref_squeeze %dma_wait3A_70 : memref<1x128xi32, #tpu.memory_space<vmem>> -> memref<128xi32, #tpu.memory_space<vmem>>
      %dma_wait3A_72 = arith.constant 0 : i32
      %dma_wait3A_73 = arith.constant 0 : i32
      %dma_wait3A_74 = tpu.memref_slice %arg2[%dma_wait3A_72, %dma_wait3A_73] : memref<10240x16xf32, #tpu.memory_space<hbm>> -> memref<10240x16xf32, #tpu.memory_space<hbm>>
      tpu.wait_indirect_dma semaphore(%arg14 : memref<!tpu.dma_semaphore, #tpu.memory_space<semaphore_mem>>) src(%dma_wait3A_74 : memref<10240x16xf32, #tpu.memory_space<hbm>>) dst(%arg10 : memref<128x16xf32, #tpu.memory_space<vmem>>)
      "tpu.region"() ({
        %run_scoped3A = tpu.sem_alloc : memref<!tpu.dma_semaphore, #tpu.memory_space<semaphore_mem>>
        %dma_start3A_130 = arith.constant 0 : i32
        %dma_start3A_131 = tpu.memref_slice %arg9[%add3A_69, %dma_start3A_130] : memref<112x128xi32, #tpu.memory_space<vmem>> -> memref<1x128xi32, #tpu.memory_space<vmem>>
        %dma_start3A_132 = tpu.memref_squeeze %dma_start3A_131 : memref<1x128xi32, #tpu.memory_space<vmem>> -> memref<128xi32, #tpu.memory_space<vmem>>
        %dma_start3A_133 = arith.constant 0 : i32
        %dma_start3A_134 = arith.constant 0 : i32
        %dma_start3A_135 = tpu.memref_slice %arg18[%dma_start3A_133, %dma_start3A_134] : memref<10240x16xf32, #tpu.memory_space<vmem_shared>> -> memref<10240x16xf32, #tpu.memory_space<vmem_shared>>
        tpu.enqueue_indirect_dma source(%arg10 : memref<128x16xf32, #tpu.memory_space<vmem>>) target(%dma_start3A_135 : memref<10240x16xf32, #tpu.memory_space<vmem_shared>>) offsets(%dma_start3A_132 : memref<128xi32, #tpu.memory_space<vmem>>) semaphore(%run_scoped3A : memref<!tpu.dma_semaphore, #tpu.memory_space<semaphore_mem>>) {add = true}
        %dma_wait3A_136 = arith.constant 0 : i32
        %dma_wait3A_137 = tpu.memref_slice %arg9[%add3A_69, %dma_wait3A_136] : memref<112x128xi32, #tpu.memory_space<vmem>> -> memref<1x128xi32, #tpu.memory_space<vmem>>
        %dma_wait3A_138 = tpu.memref_squeeze %dma_wait3A_137 : memref<1x128xi32, #tpu.memory_space<vmem>> -> memref<128xi32, #tpu.memory_space<vmem>>
        %dma_wait3A_139 = arith.constant 0 : i32
        %dma_wait3A_140 = arith.constant 0 : i32
        %dma_wait3A_141 = tpu.memref_slice %arg18[%dma_wait3A_139, %dma_wait3A_140] : memref<10240x16xf32, #tpu.memory_space<vmem_shared>> -> memref<10240x16xf32, #tpu.memory_space<vmem_shared>>
        tpu.wait_indirect_dma semaphore(%run_scoped3A : memref<!tpu.dma_semaphore, #tpu.memory_space<semaphore_mem>>) src(%arg10 : memref<128x16xf32, #tpu.memory_space<vmem>>) dst(%dma_wait3A_141 : memref<10240x16xf32, #tpu.memory_space<vmem_shared>>)
        tpu.yield
      }) : () -> ()
      %add3A_75 = arith.constant 4 : i32
      %add3A_76 = arith.addi %add3A_69, %add3A_75 : i32
      %sub3A_77 = arith.constant 1 : i32
      %sub3A_78 = arith.subi %add3A_76, %sub3A_77 : i32
      %lt3A = arith.cmpi slt, %sub3A_78, %select_n3A_10 : i32
      %convert_element_type3A_79 = arith.extui %lt3A : i1 to i32
      %cond3A_80 = arith.constant 0 : i32
      %cond3A_81 = arith.cmpi ne, %convert_element_type3A_79, %cond3A_80 : i32
      scf.if %cond3A_81 {
        %add3A_130 = arith.constant 4 : i32
        %add3A_131 = arith.addi %add3A_69, %add3A_130 : i32
        %sub3A_132 = arith.constant 1 : i32
        %sub3A_133 = arith.subi %add3A_131, %sub3A_132 : i32
        %dma_start3A_134 = arith.constant 0 : i32
        %dma_start3A_135 = tpu.memref_slice %arg8[%sub3A_133, %dma_start3A_134] : memref<112x128xi32, #tpu.memory_space<vmem>> -> memref<1x128xi32, #tpu.memory_space<vmem>>
        %dma_start3A_136 = tpu.memref_squeeze %dma_start3A_135 : memref<1x128xi32, #tpu.memory_space<vmem>> -> memref<128xi32, #tpu.memory_space<vmem>>
        %dma_start3A_137 = arith.constant 0 : i32
        %dma_start3A_138 = arith.constant 0 : i32
        %dma_start3A_139 = tpu.memref_slice %arg2[%dma_start3A_137, %dma_start3A_138] : memref<10240x16xf32, #tpu.memory_space<hbm>> -> memref<10240x16xf32, #tpu.memory_space<hbm>>
        tpu.enqueue_indirect_dma source(%dma_start3A_139 : memref<10240x16xf32, #tpu.memory_space<hbm>>) target(%arg13 : memref<128x16xf32, #tpu.memory_space<vmem>>) offsets(%dma_start3A_136 : memref<128xi32, #tpu.memory_space<vmem>>) semaphore(%arg17 : memref<!tpu.dma_semaphore, #tpu.memory_space<semaphore_mem>>)
      } else {
      }
      %add3A_82 = arith.constant 1 : i32
      %add3A_83 = arith.addi %add3A_67, %add3A_82 : i32
      %dma_wait3A_84 = arith.constant 0 : i32
      %dma_wait3A_85 = tpu.memref_slice %arg8[%add3A_83, %dma_wait3A_84] : memref<112x128xi32, #tpu.memory_space<vmem>> -> memref<1x128xi32, #tpu.memory_space<vmem>>
      %dma_wait3A_86 = tpu.memref_squeeze %dma_wait3A_85 : memref<1x128xi32, #tpu.memory_space<vmem>> -> memref<128xi32, #tpu.memory_space<vmem>>
      %dma_wait3A_87 = arith.constant 0 : i32
      %dma_wait3A_88 = arith.constant 0 : i32
      %dma_wait3A_89 = tpu.memref_slice %arg2[%dma_wait3A_87, %dma_wait3A_88] : memref<10240x16xf32, #tpu.memory_space<hbm>> -> memref<10240x16xf32, #tpu.memory_space<hbm>>
      tpu.wait_indirect_dma semaphore(%arg15 : memref<!tpu.dma_semaphore, #tpu.memory_space<semaphore_mem>>) src(%dma_wait3A_89 : memref<10240x16xf32, #tpu.memory_space<hbm>>) dst(%arg11 : memref<128x16xf32, #tpu.memory_space<vmem>>)
      "tpu.region"() ({
        %run_scoped3A = tpu.sem_alloc : memref<!tpu.dma_semaphore, #tpu.memory_space<semaphore_mem>>
        %dma_start3A_130 = arith.constant 0 : i32
        %dma_start3A_131 = tpu.memref_slice %arg9[%add3A_83, %dma_start3A_130] : memref<112x128xi32, #tpu.memory_space<vmem>> -> memref<1x128xi32, #tpu.memory_space<vmem>>
        %dma_start3A_132 = tpu.memref_squeeze %dma_start3A_131 : memref<1x128xi32, #tpu.memory_space<vmem>> -> memref<128xi32, #tpu.memory_space<vmem>>
        %dma_start3A_133 = arith.constant 0 : i32
        %dma_start3A_134 = arith.constant 0 : i32
        %dma_start3A_135 = tpu.memref_slice %arg18[%dma_start3A_133, %dma_start3A_134] : memref<10240x16xf32, #tpu.memory_space<vmem_shared>> -> memref<10240x16xf32, #tpu.memory_space<vmem_shared>>
        tpu.enqueue_indirect_dma source(%arg11 : memref<128x16xf32, #tpu.memory_space<vmem>>) target(%dma_start3A_135 : memref<10240x16xf32, #tpu.memory_space<vmem_shared>>) offsets(%dma_start3A_132 : memref<128xi32, #tpu.memory_space<vmem>>) semaphore(%run_scoped3A : memref<!tpu.dma_semaphore, #tpu.memory_space<semaphore_mem>>) {add = true}
        %dma_wait3A_136 = arith.constant 0 : i32
        %dma_wait3A_137 = tpu.memref_slice %arg9[%add3A_83, %dma_wait3A_136] : memref<112x128xi32, #tpu.memory_space<vmem>> -> memref<1x128xi32, #tpu.memory_space<vmem>>
        %dma_wait3A_138 = tpu.memref_squeeze %dma_wait3A_137 : memref<1x128xi32, #tpu.memory_space<vmem>> -> memref<128xi32, #tpu.memory_space<vmem>>
        %dma_wait3A_139 = arith.constant 0 : i32
        %dma_wait3A_140 = arith.constant 0 : i32
        %dma_wait3A_141 = tpu.memref_slice %arg18[%dma_wait3A_139, %dma_wait3A_140] : memref<10240x16xf32, #tpu.memory_space<vmem_shared>> -> memref<10240x16xf32, #tpu.memory_space<vmem_shared>>
        tpu.wait_indirect_dma semaphore(%run_scoped3A : memref<!tpu.dma_semaphore, #tpu.memory_space<semaphore_mem>>) src(%arg11 : memref<128x16xf32, #tpu.memory_space<vmem>>) dst(%dma_wait3A_141 : memref<10240x16xf32, #tpu.memory_space<vmem_shared>>)
        tpu.yield
      }) : () -> ()
      %add3A_90 = arith.constant 4 : i32
      %add3A_91 = arith.addi %add3A_83, %add3A_90 : i32
      %sub3A_92 = arith.constant 1 : i32
      %sub3A_93 = arith.subi %add3A_91, %sub3A_92 : i32
      %lt3A_94 = arith.cmpi slt, %sub3A_93, %select_n3A_10 : i32
      %convert_element_type3A_95 = arith.extui %lt3A_94 : i1 to i32
      %cond3A_96 = arith.constant 0 : i32
      %cond3A_97 = arith.cmpi ne, %convert_element_type3A_95, %cond3A_96 : i32
      scf.if %cond3A_97 {
        %add3A_130 = arith.constant 4 : i32
        %add3A_131 = arith.addi %add3A_83, %add3A_130 : i32
        %sub3A_132 = arith.constant 1 : i32
        %sub3A_133 = arith.subi %add3A_131, %sub3A_132 : i32
        %dma_start3A_134 = arith.constant 0 : i32
        %dma_start3A_135 = tpu.memref_slice %arg8[%sub3A_133, %dma_start3A_134] : memref<112x128xi32, #tpu.memory_space<vmem>> -> memref<1x128xi32, #tpu.memory_space<vmem>>
        %dma_start3A_136 = tpu.memref_squeeze %dma_start3A_135 : memref<1x128xi32, #tpu.memory_space<vmem>> -> memref<128xi32, #tpu.memory_space<vmem>>
        %dma_start3A_137 = arith.constant 0 : i32
        %dma_start3A_138 = arith.constant 0 : i32
        %dma_start3A_139 = tpu.memref_slice %arg2[%dma_start3A_137, %dma_start3A_138] : memref<10240x16xf32, #tpu.memory_space<hbm>> -> memref<10240x16xf32, #tpu.memory_space<hbm>>
        tpu.enqueue_indirect_dma source(%dma_start3A_139 : memref<10240x16xf32, #tpu.memory_space<hbm>>) target(%arg10 : memref<128x16xf32, #tpu.memory_space<vmem>>) offsets(%dma_start3A_136 : memref<128xi32, #tpu.memory_space<vmem>>) semaphore(%arg14 : memref<!tpu.dma_semaphore, #tpu.memory_space<semaphore_mem>>)
      } else {
      }
      %add3A_98 = arith.constant 2 : i32
      %add3A_99 = arith.addi %add3A_67, %add3A_98 : i32
      %dma_wait3A_100 = arith.constant 0 : i32
      %dma_wait3A_101 = tpu.memref_slice %arg8[%add3A_99, %dma_wait3A_100] : memref<112x128xi32, #tpu.memory_space<vmem>> -> memref<1x128xi32, #tpu.memory_space<vmem>>
      %dma_wait3A_102 = tpu.memref_squeeze %dma_wait3A_101 : memref<1x128xi32, #tpu.memory_space<vmem>> -> memref<128xi32, #tpu.memory_space<vmem>>
      %dma_wait3A_103 = arith.constant 0 : i32
      %dma_wait3A_104 = arith.constant 0 : i32
      %dma_wait3A_105 = tpu.memref_slice %arg2[%dma_wait3A_103, %dma_wait3A_104] : memref<10240x16xf32, #tpu.memory_space<hbm>> -> memref<10240x16xf32, #tpu.memory_space<hbm>>
      tpu.wait_indirect_dma semaphore(%arg16 : memref<!tpu.dma_semaphore, #tpu.memory_space<semaphore_mem>>) src(%dma_wait3A_105 : memref<10240x16xf32, #tpu.memory_space<hbm>>) dst(%arg12 : memref<128x16xf32, #tpu.memory_space<vmem>>)
      "tpu.region"() ({
        %run_scoped3A = tpu.sem_alloc : memref<!tpu.dma_semaphore, #tpu.memory_space<semaphore_mem>>
        %dma_start3A_130 = arith.constant 0 : i32
        %dma_start3A_131 = tpu.memref_slice %arg9[%add3A_99, %dma_start3A_130] : memref<112x128xi32, #tpu.memory_space<vmem>> -> memref<1x128xi32, #tpu.memory_space<vmem>>
        %dma_start3A_132 = tpu.memref_squeeze %dma_start3A_131 : memref<1x128xi32, #tpu.memory_space<vmem>> -> memref<128xi32, #tpu.memory_space<vmem>>
        %dma_start3A_133 = arith.constant 0 : i32
        %dma_start3A_134 = arith.constant 0 : i32
        %dma_start3A_135 = tpu.memref_slice %arg18[%dma_start3A_133, %dma_start3A_134] : memref<10240x16xf32, #tpu.memory_space<vmem_shared>> -> memref<10240x16xf32, #tpu.memory_space<vmem_shared>>
        tpu.enqueue_indirect_dma source(%arg12 : memref<128x16xf32, #tpu.memory_space<vmem>>) target(%dma_start3A_135 : memref<10240x16xf32, #tpu.memory_space<vmem_shared>>) offsets(%dma_start3A_132 : memref<128xi32, #tpu.memory_space<vmem>>) semaphore(%run_scoped3A : memref<!tpu.dma_semaphore, #tpu.memory_space<semaphore_mem>>) {add = true}
        %dma_wait3A_136 = arith.constant 0 : i32
        %dma_wait3A_137 = tpu.memref_slice %arg9[%add3A_99, %dma_wait3A_136] : memref<112x128xi32, #tpu.memory_space<vmem>> -> memref<1x128xi32, #tpu.memory_space<vmem>>
        %dma_wait3A_138 = tpu.memref_squeeze %dma_wait3A_137 : memref<1x128xi32, #tpu.memory_space<vmem>> -> memref<128xi32, #tpu.memory_space<vmem>>
        %dma_wait3A_139 = arith.constant 0 : i32
        %dma_wait3A_140 = arith.constant 0 : i32
        %dma_wait3A_141 = tpu.memref_slice %arg18[%dma_wait3A_139, %dma_wait3A_140] : memref<10240x16xf32, #tpu.memory_space<vmem_shared>> -> memref<10240x16xf32, #tpu.memory_space<vmem_shared>>
        tpu.wait_indirect_dma semaphore(%run_scoped3A : memref<!tpu.dma_semaphore, #tpu.memory_space<semaphore_mem>>) src(%arg12 : memref<128x16xf32, #tpu.memory_space<vmem>>) dst(%dma_wait3A_141 : memref<10240x16xf32, #tpu.memory_space<vmem_shared>>)
        tpu.yield
      }) : () -> ()
      %add3A_106 = arith.constant 4 : i32
      %add3A_107 = arith.addi %add3A_99, %add3A_106 : i32
      %sub3A_108 = arith.constant 1 : i32
      %sub3A_109 = arith.subi %add3A_107, %sub3A_108 : i32
      %lt3A_110 = arith.cmpi slt, %sub3A_109, %select_n3A_10 : i32
      %convert_element_type3A_111 = arith.extui %lt3A_110 : i1 to i32
      %cond3A_112 = arith.constant 0 : i32
      %cond3A_113 = arith.cmpi ne, %convert_element_type3A_111, %cond3A_112 : i32
      scf.if %cond3A_113 {
        %add3A_130 = arith.constant 4 : i32
        %add3A_131 = arith.addi %add3A_99, %add3A_130 : i32
        %sub3A_132 = arith.constant 1 : i32
        %sub3A_133 = arith.subi %add3A_131, %sub3A_132 : i32
        %dma_start3A_134 = arith.constant 0 : i32
        %dma_start3A_135 = tpu.memref_slice %arg8[%sub3A_133, %dma_start3A_134] : memref<112x128xi32, #tpu.memory_space<vmem>> -> memref<1x128xi32, #tpu.memory_space<vmem>>
        %dma_start3A_136 = tpu.memref_squeeze %dma_start3A_135 : memref<1x128xi32, #tpu.memory_space<vmem>> -> memref<128xi32, #tpu.memory_space<vmem>>
        %dma_start3A_137 = arith.constant 0 : i32
        %dma_start3A_138 = arith.constant 0 : i32
        %dma_start3A_139 = tpu.memref_slice %arg2[%dma_start3A_137, %dma_start3A_138] : memref<10240x16xf32, #tpu.memory_space<hbm>> -> memref<10240x16xf32, #tpu.memory_space<hbm>>
        tpu.enqueue_indirect_dma source(%dma_start3A_139 : memref<10240x16xf32, #tpu.memory_space<hbm>>) target(%arg11 : memref<128x16xf32, #tpu.memory_space<vmem>>) offsets(%dma_start3A_136 : memref<128xi32, #tpu.memory_space<vmem>>) semaphore(%arg15 : memref<!tpu.dma_semaphore, #tpu.memory_space<semaphore_mem>>)
      } else {
      }
      %add3A_114 = arith.constant 3 : i32
      %add3A_115 = arith.addi %add3A_67, %add3A_114 : i32
      %dma_wait3A_116 = arith.constant 0 : i32
      %dma_wait3A_117 = tpu.memref_slice %arg8[%add3A_115, %dma_wait3A_116] : memref<112x128xi32, #tpu.memory_space<vmem>> -> memref<1x128xi32, #tpu.memory_space<vmem>>
      %dma_wait3A_118 = tpu.memref_squeeze %dma_wait3A_117 : memref<1x128xi32, #tpu.memory_space<vmem>> -> memref<128xi32, #tpu.memory_space<vmem>>
      %dma_wait3A_119 = arith.constant 0 : i32
      %dma_wait3A_120 = arith.constant 0 : i32
      %dma_wait3A_121 = tpu.memref_slice %arg2[%dma_wait3A_119, %dma_wait3A_120] : memref<10240x16xf32, #tpu.memory_space<hbm>> -> memref<10240x16xf32, #tpu.memory_space<hbm>>
      tpu.wait_indirect_dma semaphore(%arg17 : memref<!tpu.dma_semaphore, #tpu.memory_space<semaphore_mem>>) src(%dma_wait3A_121 : memref<10240x16xf32, #tpu.memory_space<hbm>>) dst(%arg13 : memref<128x16xf32, #tpu.memory_space<vmem>>)
      "tpu.region"() ({
        %run_scoped3A = tpu.sem_alloc : memref<!tpu.dma_semaphore, #tpu.memory_space<semaphore_mem>>
        %dma_start3A_130 = arith.constant 0 : i32
        %dma_start3A_131 = tpu.memref_slice %arg9[%add3A_115, %dma_start3A_130] : memref<112x128xi32, #tpu.memory_space<vmem>> -> memref<1x128xi32, #tpu.memory_space<vmem>>
        %dma_start3A_132 = tpu.memref_squeeze %dma_start3A_131 : memref<1x128xi32, #tpu.memory_space<vmem>> -> memref<128xi32, #tpu.memory_space<vmem>>
        %dma_start3A_133 = arith.constant 0 : i32
        %dma_start3A_134 = arith.constant 0 : i32
        %dma_start3A_135 = tpu.memref_slice %arg18[%dma_start3A_133, %dma_start3A_134] : memref<10240x16xf32, #tpu.memory_space<vmem_shared>> -> memref<10240x16xf32, #tpu.memory_space<vmem_shared>>
        tpu.enqueue_indirect_dma source(%arg13 : memref<128x16xf32, #tpu.memory_space<vmem>>) target(%dma_start3A_135 : memref<10240x16xf32, #tpu.memory_space<vmem_shared>>) offsets(%dma_start3A_132 : memref<128xi32, #tpu.memory_space<vmem>>) semaphore(%run_scoped3A : memref<!tpu.dma_semaphore, #tpu.memory_space<semaphore_mem>>) {add = true}
        %dma_wait3A_136 = arith.constant 0 : i32
        %dma_wait3A_137 = tpu.memref_slice %arg9[%add3A_115, %dma_wait3A_136] : memref<112x128xi32, #tpu.memory_space<vmem>> -> memref<1x128xi32, #tpu.memory_space<vmem>>
        %dma_wait3A_138 = tpu.memref_squeeze %dma_wait3A_137 : memref<1x128xi32, #tpu.memory_space<vmem>> -> memref<128xi32, #tpu.memory_space<vmem>>
        %dma_wait3A_139 = arith.constant 0 : i32
        %dma_wait3A_140 = arith.constant 0 : i32
        %dma_wait3A_141 = tpu.memref_slice %arg18[%dma_wait3A_139, %dma_wait3A_140] : memref<10240x16xf32, #tpu.memory_space<vmem_shared>> -> memref<10240x16xf32, #tpu.memory_space<vmem_shared>>
        tpu.wait_indirect_dma semaphore(%run_scoped3A : memref<!tpu.dma_semaphore, #tpu.memory_space<semaphore_mem>>) src(%arg13 : memref<128x16xf32, #tpu.memory_space<vmem>>) dst(%dma_wait3A_141 : memref<10240x16xf32, #tpu.memory_space<vmem_shared>>)
        tpu.yield
      }) : () -> ()
      %add3A_122 = arith.constant 4 : i32
      %add3A_123 = arith.addi %add3A_115, %add3A_122 : i32
      %sub3A_124 = arith.constant 1 : i32
      %sub3A_125 = arith.subi %add3A_123, %sub3A_124 : i32
      %lt3A_126 = arith.cmpi slt, %sub3A_125, %select_n3A_10 : i32
      %convert_element_type3A_127 = arith.extui %lt3A_126 : i1 to i32
      %cond3A_128 = arith.constant 0 : i32
      %cond3A_129 = arith.cmpi ne, %convert_element_type3A_127, %cond3A_128 : i32
      scf.if %cond3A_129 {
        %add3A_130 = arith.constant 4 : i32
        %add3A_131 = arith.addi %add3A_115, %add3A_130 : i32
        %sub3A_132 = arith.constant 1 : i32
        %sub3A_133 = arith.subi %add3A_131, %sub3A_132 : i32
        %dma_start3A_134 = arith.constant 0 : i32
        %dma_start3A_135 = tpu.memref_slice %arg8[%sub3A_133, %dma_start3A_134] : memref<112x128xi32, #tpu.memory_space<vmem>> -> memref<1x128xi32, #tpu.memory_space<vmem>>
        %dma_start3A_136 = tpu.memref_squeeze %dma_start3A_135 : memref<1x128xi32, #tpu.memory_space<vmem>> -> memref<128xi32, #tpu.memory_space<vmem>>
        %dma_start3A_137 = arith.constant 0 : i32
        %dma_start3A_138 = arith.constant 0 : i32
        %dma_start3A_139 = tpu.memref_slice %arg2[%dma_start3A_137, %dma_start3A_138] : memref<10240x16xf32, #tpu.memory_space<hbm>> -> memref<10240x16xf32, #tpu.memory_space<hbm>>
        tpu.enqueue_indirect_dma source(%dma_start3A_139 : memref<10240x16xf32, #tpu.memory_space<hbm>>) target(%arg12 : memref<128x16xf32, #tpu.memory_space<vmem>>) offsets(%dma_start3A_136 : memref<128xi32, #tpu.memory_space<vmem>>) semaphore(%arg16 : memref<!tpu.dma_semaphore, #tpu.memory_space<semaphore_mem>>)
      } else {
      }
    }
    %barrier3A_54 = arith.constant 0 : index
    tpu.barrier barrier_id(%barrier3A_54)
    %eq3A_55 = arith.constant 0 : i32
    %eq3A_56 = arith.cmpi eq, %arg0, %eq3A_55 : i32
    %convert_element_type3A_57 = arith.extui %eq3A_56 : i1 to i32
    %cond3A_58 = arith.constant 0 : i32
    %cond3A_59 = arith.cmpi ne, %convert_element_type3A_57, %cond3A_58 : i32
    scf.if %cond3A_59 {
      "tpu.region"() ({
        %run_scoped3A = tpu.sem_alloc : memref<!tpu.dma_semaphore, #tpu.memory_space<semaphore_mem>>
        %dma_start3A_65 = arith.constant 0 : i32
        %dma_start3A_66 = tpu.memref_slice %arg6[%mul3A_0, %dma_start3A_65] : memref<10240x16xf32, #tpu.memory_space<hbm>> -> memref<640x16xf32, #tpu.memory_space<hbm>>
        %dma_start3A_67 = arith.constant 0 : i32
        %dma_start3A_68 = tpu.memref_slice %arg18[%mul3A_0, %dma_start3A_67] : memref<10240x16xf32, #tpu.memory_space<vmem_shared>> -> memref<640x16xf32, #tpu.memory_space<vmem_shared>>
        tpu.enqueue_dma source(%dma_start3A_68 : memref<640x16xf32, #tpu.memory_space<vmem_shared>>) target(%dma_start3A_66 : memref<640x16xf32, #tpu.memory_space<hbm>>) target_semaphore(%run_scoped3A : memref<!tpu.dma_semaphore, #tpu.memory_space<semaphore_mem>>)
        %dma_wait3A = arith.constant 0 : i32
        %dma_wait3A_69 = tpu.memref_slice %arg6[%mul3A_0, %dma_wait3A] : memref<10240x16xf32, #tpu.memory_space<hbm>> -> memref<640x16xf32, #tpu.memory_space<hbm>>
        %dma_wait3A_70 = arith.constant 0 : i32
        %dma_wait3A_71 = tpu.memref_slice %arg18[%mul3A_0, %dma_wait3A_70] : memref<10240x16xf32, #tpu.memory_space<vmem_shared>> -> memref<640x16xf32, #tpu.memory_space<vmem_shared>>
        tpu.wait_dma2 semaphore(%run_scoped3A : memref<!tpu.dma_semaphore, #tpu.memory_space<semaphore_mem>>) src(%dma_wait3A_71 : memref<640x16xf32, #tpu.memory_space<vmem_shared>>) dst(%dma_wait3A_69 : memref<640x16xf32, #tpu.memory_space<hbm>>)
        tpu.yield
      }) : () -> ()
    } else {
    }
    %ne3A_60 = arith.constant 0 : i32
    %ne3A_61 = arith.cmpi ne, %arg0, %ne3A_60 : i32
    %convert_element_type3A_62 = arith.extui %ne3A_61 : i1 to i32
    %cond3A_63 = arith.constant 0 : i32
    %cond3A_64 = arith.cmpi ne, %convert_element_type3A_62, %cond3A_63 : i32
    scf.if %cond3A_64 {
      "tpu.region"() ({
        %run_scoped3A = tpu.sem_alloc : memref<!tpu.dma_semaphore, #tpu.memory_space<semaphore_mem>>
        %dma_start3A_65 = arith.constant 0 : i32
        %dma_start3A_66 = tpu.memref_slice %arg7[%mul3A_0, %dma_start3A_65] : memref<10240x16xf32, #tpu.memory_space<hbm>> -> memref<640x16xf32, #tpu.memory_space<hbm>>
        %dma_start3A_67 = arith.constant 0 : i32
        %dma_start3A_68 = tpu.memref_slice %arg18[%mul3A_0, %dma_start3A_67] : memref<10240x16xf32, #tpu.memory_space<vmem_shared>> -> memref<640x16xf32, #tpu.memory_space<vmem_shared>>
        tpu.enqueue_dma source(%dma_start3A_68 : memref<640x16xf32, #tpu.memory_space<vmem_shared>>) target(%dma_start3A_66 : memref<640x16xf32, #tpu.memory_space<hbm>>) target_semaphore(%run_scoped3A : memref<!tpu.dma_semaphore, #tpu.memory_space<semaphore_mem>>)
        %dma_wait3A = arith.constant 0 : i32
        %dma_wait3A_69 = tpu.memref_slice %arg7[%mul3A_0, %dma_wait3A] : memref<10240x16xf32, #tpu.memory_space<hbm>> -> memref<640x16xf32, #tpu.memory_space<hbm>>
        %dma_wait3A_70 = arith.constant 0 : i32
        %dma_wait3A_71 = tpu.memref_slice %arg18[%mul3A_0, %dma_wait3A_70] : memref<10240x16xf32, #tpu.memory_space<vmem_shared>> -> memref<640x16xf32, #tpu.memory_space<vmem_shared>>
        tpu.wait_dma2 semaphore(%run_scoped3A : memref<!tpu.dma_semaphore, #tpu.memory_space<semaphore_mem>>) src(%dma_wait3A_71 : memref<640x16xf32, #tpu.memory_space<vmem_shared>>) dst(%dma_wait3A_69 : memref<640x16xf32, #tpu.memory_space<hbm>>)
        tpu.yield
      }) : () -> ()
    } else {
    }
    return
  }
}

#map = affine_map<(d0, d1) -> (0, 0)>
module attributes {stable_mosaic.version = 14 : i64} {
  func.func @k(%arg0: i32, %arg1: i32, %arg2: memref<10240x16xf32, #tpu.memory_space<hbm>>, %arg3: memref<2688x128xi32, #tpu.memory_space<hbm>>, %arg4: memref<2688x128xi32, #tpu.memory_space<hbm>>, %arg5: memref<10240x16xf32, #tpu.memory_space<hbm>>, %arg6: memref<10240x16xf32, #tpu.memory_space<hbm>>, %arg7: memref<10240x16xf32, #tpu.memory_space<hbm>>, %arg8: memref<100x128xi32, #tpu.memory_space<vmem>>, %arg9: memref<128x16xf32, #tpu.memory_space<vmem>>, %arg10: memref<10240x16xf32, #tpu.memory_space<vmem_shared>>, %arg11: memref<!tpu.dma_semaphore, #tpu.memory_space<semaphore_mem>>) attributes {dimension_semantics = [#tpu.dimension_semantics<core_parallel>, #tpu.dimension_semantics<subcore_parallel>], iteration_bounds = array<i64: 2, 16>, scalar_prefetch = 0 : i64, scratch_operands = 4 : i64, tpu.core_type = #tpu.core_type<sc_vector_subcore>, window_params = [{transform_indices = #map}, {transform_indices = #map}, {transform_indices = #map}, {transform_indices = #map}, {transform_indices = #map}, {transform_indices = #map}]} {
    %mul3A = arith.constant 640 : i32
    %mul3A_0 = arith.muli %arg1, %mul3A : i32
    %eq3A = arith.constant 0 : i32
    %eq3A_1 = arith.cmpi eq, %arg0, %eq3A : i32
    %mul3A_2 = arith.constant 100 : i32
    %mul3A_3 = arith.muli %arg1, %mul3A_2 : i32
    %mul3A_4 = arith.constant 60 : i32
    %mul3A_5 = arith.muli %arg1, %mul3A_4 : i32
    %add3A = arith.constant 1600 : i32
    %add3A_6 = arith.addi %add3A, %mul3A_5 : i32
    %select_n3A = arith.select %eq3A_1, %mul3A_3, %add3A_6 : i32
    %eq3A_7 = arith.constant 0 : i32
    %eq3A_8 = arith.cmpi eq, %arg0, %eq3A_7 : i32
    %jit3A = arith.constant 100 : i32
    %jit3A_9 = arith.constant 60 : i32
    %select_n3A_10 = arith.select %eq3A_8, %jit3A, %jit3A_9 : i32
    %eq3A_11 = arith.constant 0 : i32
    %eq3A_12 = arith.cmpi eq, %arg0, %eq3A_11 : i32
    %convert_element_type3A = arith.extui %eq3A_12 : i1 to i32
    %cond3A = arith.constant 0 : i32
    %cond3A_13 = arith.cmpi ne, %convert_element_type3A, %cond3A : i32
    scf.if %cond3A_13 {
      "tpu.region"() ({
        %run_scoped3A = tpu.sem_alloc : memref<!tpu.dma_semaphore, #tpu.memory_space<semaphore_mem>>
        %dma_start3A = arith.constant 0 : i32
        %dma_start3A_45 = tpu.memref_slice %arg10[%mul3A_0, %dma_start3A] : memref<10240x16xf32, #tpu.memory_space<vmem_shared>> -> memref<640x16xf32, #tpu.memory_space<vmem_shared>>
        %dma_start3A_46 = arith.constant 0 : i32
        %dma_start3A_47 = tpu.memref_slice %arg2[%mul3A_0, %dma_start3A_46] : memref<10240x16xf32, #tpu.memory_space<hbm>> -> memref<640x16xf32, #tpu.memory_space<hbm>>
        tpu.enqueue_dma source(%dma_start3A_47 : memref<640x16xf32, #tpu.memory_space<hbm>>) target(%dma_start3A_45 : memref<640x16xf32, #tpu.memory_space<vmem_shared>>) target_semaphore(%run_scoped3A : memref<!tpu.dma_semaphore, #tpu.memory_space<semaphore_mem>>)
        %dma_wait3A = arith.constant 0 : i32
        %dma_wait3A_48 = tpu.memref_slice %arg10[%mul3A_0, %dma_wait3A] : memref<10240x16xf32, #tpu.memory_space<vmem_shared>> -> memref<640x16xf32, #tpu.memory_space<vmem_shared>>
        %dma_wait3A_49 = arith.constant 0 : i32
        %dma_wait3A_50 = tpu.memref_slice %arg2[%mul3A_0, %dma_wait3A_49] : memref<10240x16xf32, #tpu.memory_space<hbm>> -> memref<640x16xf32, #tpu.memory_space<hbm>>
        tpu.wait_dma2 semaphore(%run_scoped3A : memref<!tpu.dma_semaphore, #tpu.memory_space<semaphore_mem>>) src(%dma_wait3A_50 : memref<640x16xf32, #tpu.memory_space<hbm>>) dst(%dma_wait3A_48 : memref<640x16xf32, #tpu.memory_space<vmem_shared>>)
        tpu.yield
      }) : () -> ()
    } else {
    }
    %ne3A = arith.constant 0 : i32
    %ne3A_14 = arith.cmpi ne, %arg0, %ne3A : i32
    %convert_element_type3A_15 = arith.extui %ne3A_14 : i1 to i32
    %cond3A_16 = arith.constant 0 : i32
    %cond3A_17 = arith.cmpi ne, %convert_element_type3A_15, %cond3A_16 : i32
    scf.if %cond3A_17 {
      "tpu.region"() ({
        %run_scoped3A = tpu.sem_alloc : memref<!tpu.dma_semaphore, #tpu.memory_space<semaphore_mem>>
        %dma_start3A = arith.constant 0 : i32
        %dma_start3A_45 = tpu.memref_slice %arg10[%mul3A_0, %dma_start3A] : memref<10240x16xf32, #tpu.memory_space<vmem_shared>> -> memref<640x16xf32, #tpu.memory_space<vmem_shared>>
        %dma_start3A_46 = arith.constant 0 : i32
        %dma_start3A_47 = tpu.memref_slice %arg5[%mul3A_0, %dma_start3A_46] : memref<10240x16xf32, #tpu.memory_space<hbm>> -> memref<640x16xf32, #tpu.memory_space<hbm>>
        tpu.enqueue_dma source(%dma_start3A_47 : memref<640x16xf32, #tpu.memory_space<hbm>>) target(%dma_start3A_45 : memref<640x16xf32, #tpu.memory_space<vmem_shared>>) target_semaphore(%run_scoped3A : memref<!tpu.dma_semaphore, #tpu.memory_space<semaphore_mem>>)
        %dma_wait3A = arith.constant 0 : i32
        %dma_wait3A_48 = tpu.memref_slice %arg10[%mul3A_0, %dma_wait3A] : memref<10240x16xf32, #tpu.memory_space<vmem_shared>> -> memref<640x16xf32, #tpu.memory_space<vmem_shared>>
        %dma_wait3A_49 = arith.constant 0 : i32
        %dma_wait3A_50 = tpu.memref_slice %arg5[%mul3A_0, %dma_wait3A_49] : memref<10240x16xf32, #tpu.memory_space<hbm>> -> memref<640x16xf32, #tpu.memory_space<hbm>>
        tpu.wait_dma2 semaphore(%run_scoped3A : memref<!tpu.dma_semaphore, #tpu.memory_space<semaphore_mem>>) src(%dma_wait3A_50 : memref<640x16xf32, #tpu.memory_space<hbm>>) dst(%dma_wait3A_48 : memref<640x16xf32, #tpu.memory_space<vmem_shared>>)
        tpu.yield
      }) : () -> ()
    } else {
    }
    "tpu.region"() ({
      %run_scoped3A = tpu.sem_alloc : memref<!tpu.dma_semaphore, #tpu.memory_space<semaphore_mem>>
      %dma_start3A = arith.constant 0 : i32
      %dma_start3A_45 = arith.constant 0 : i32
      %dma_start3A_46 = tpu.memref_slice %arg2[%dma_start3A, %dma_start3A_45] : memref<10240x16xf32, #tpu.memory_space<hbm>> -> memref<128x16xf32, #tpu.memory_space<hbm>>
      %dma_start3A_47 = arith.constant 0 : i32
      %dma_start3A_48 = arith.constant 0 : i32
      %dma_start3A_49 = tpu.memref_slice %arg2[%dma_start3A_47, %dma_start3A_48] : memref<10240x16xf32, #tpu.memory_space<hbm>> -> memref<128x16xf32, #tpu.memory_space<hbm>>
      tpu.enqueue_dma source(%dma_start3A_49 : memref<128x16xf32, #tpu.memory_space<hbm>>) target(%arg9 : memref<128x16xf32, #tpu.memory_space<vmem>>) target_semaphore(%run_scoped3A : memref<!tpu.dma_semaphore, #tpu.memory_space<semaphore_mem>>)
      %dma_wait3A = arith.constant 0 : i32
      %dma_wait3A_50 = arith.constant 0 : i32
      %dma_wait3A_51 = tpu.memref_slice %arg2[%dma_wait3A, %dma_wait3A_50] : memref<10240x16xf32, #tpu.memory_space<hbm>> -> memref<128x16xf32, #tpu.memory_space<hbm>>
      %dma_wait3A_52 = arith.constant 0 : i32
      %dma_wait3A_53 = arith.constant 0 : i32
      %dma_wait3A_54 = tpu.memref_slice %arg2[%dma_wait3A_52, %dma_wait3A_53] : memref<10240x16xf32, #tpu.memory_space<hbm>> -> memref<128x16xf32, #tpu.memory_space<hbm>>
      tpu.wait_dma2 semaphore(%run_scoped3A : memref<!tpu.dma_semaphore, #tpu.memory_space<semaphore_mem>>) src(%dma_wait3A_54 : memref<128x16xf32, #tpu.memory_space<hbm>>) dst(%arg9 : memref<128x16xf32, #tpu.memory_space<vmem>>)
      tpu.yield
    }) : () -> ()
    "tpu.region"() ({
      %run_scoped3A = tpu.sem_alloc : memref<!tpu.dma_semaphore, #tpu.memory_space<semaphore_mem>>
      %dma_start3A = arith.constant 0 : i32
      %dma_start3A_45 = tpu.memref_slice %arg4[%select_n3A, %dma_start3A] : memref<2688x128xi32, #tpu.memory_space<hbm>> -> memref<100x128xi32, #tpu.memory_space<hbm>>
      %dma_start3A_46 = arith.constant 0 : i32
      %dma_start3A_47 = tpu.memref_slice %arg4[%select_n3A, %dma_start3A_46] : memref<2688x128xi32, #tpu.memory_space<hbm>> -> memref<100x128xi32, #tpu.memory_space<hbm>>
      tpu.enqueue_dma source(%dma_start3A_47 : memref<100x128xi32, #tpu.memory_space<hbm>>) target(%arg8 : memref<100x128xi32, #tpu.memory_space<vmem>>) target_semaphore(%run_scoped3A : memref<!tpu.dma_semaphore, #tpu.memory_space<semaphore_mem>>)
      %dma_wait3A = arith.constant 0 : i32
      %dma_wait3A_48 = tpu.memref_slice %arg4[%select_n3A, %dma_wait3A] : memref<2688x128xi32, #tpu.memory_space<hbm>> -> memref<100x128xi32, #tpu.memory_space<hbm>>
      %dma_wait3A_49 = arith.constant 0 : i32
      %dma_wait3A_50 = tpu.memref_slice %arg4[%select_n3A, %dma_wait3A_49] : memref<2688x128xi32, #tpu.memory_space<hbm>> -> memref<100x128xi32, #tpu.memory_space<hbm>>
      tpu.wait_dma2 semaphore(%run_scoped3A : memref<!tpu.dma_semaphore, #tpu.memory_space<semaphore_mem>>) src(%dma_wait3A_50 : memref<100x128xi32, #tpu.memory_space<hbm>>) dst(%arg8 : memref<100x128xi32, #tpu.memory_space<vmem>>)
      tpu.yield
    }) : () -> ()
    %barrier3A = arith.constant 0 : index
    tpu.barrier barrier_id(%barrier3A)
    %sub3A = arith.constant 0 : i32
    %sub3A_18 = arith.subi %select_n3A_10, %sub3A : i32
    %sub3A_19 = arith.constant 4 : i32
    %sub3A_20 = arith.constant 1 : i32
    %sub3A_21 = arith.subi %sub3A_19, %sub3A_20 : i32
    %add3A_22 = arith.addi %sub3A_18, %sub3A_21 : i32
    %div3A = arith.constant 4 : i32
    %div3A_23 = arith.divsi %add3A_22, %div3A : i32
    %while3A = arith.constant 4 : i32
    %while3A_24 = arith.constant 0 : i32
    %while3A_25 = arith.constant 0 : i32
    %while3A_26 = arith.subi %div3A_23, %while3A_25 : i32
    %while3A_27 = arith.addi %while3A_25, %while3A_26 : i32
    %while3A_28 = arith.constant 1 : i32
    %while3A_29 = arith.divsi %while3A_26, %while3A_28 : i32
    %while3A_30 = arith.muli %while3A_29, %while3A_28 : i32
    %while3A_31 = arith.addi %while3A_25, %while3A_30 : i32
    %while3A_32 = arith.constant 1 : i32
    scf.for %while3A_45 = %while3A_25 to %while3A_31 step %while3A_32  : i32 {
      %mul3A_46 = arith.muli %while3A_45, %while3A : i32
      %add3A_47 = arith.addi %while3A_24, %mul3A_46 : i32
      %add3A_48 = arith.constant 0 : i32
      %add3A_49 = arith.addi %add3A_47, %add3A_48 : i32
      %dma_start3A = arith.constant 0 : i32
      %dma_start3A_50 = tpu.memref_slice %arg8[%add3A_49, %dma_start3A] : memref<100x128xi32, #tpu.memory_space<vmem>> -> memref<1x128xi32, #tpu.memory_space<vmem>>
      %dma_start3A_51 = tpu.memref_squeeze %dma_start3A_50 : memref<1x128xi32, #tpu.memory_space<vmem>> -> memref<128xi32, #tpu.memory_space<vmem>>
      %dma_start3A_52 = arith.constant 0 : i32
      %dma_start3A_53 = arith.constant 0 : i32
      %dma_start3A_54 = tpu.memref_slice %arg10[%dma_start3A_52, %dma_start3A_53] : memref<10240x16xf32, #tpu.memory_space<vmem_shared>> -> memref<10240x16xf32, #tpu.memory_space<vmem_shared>>
      tpu.enqueue_indirect_dma source(%arg9 : memref<128x16xf32, #tpu.memory_space<vmem>>) target(%dma_start3A_54 : memref<10240x16xf32, #tpu.memory_space<vmem_shared>>) offsets(%dma_start3A_51 : memref<128xi32, #tpu.memory_space<vmem>>) semaphore(%arg11 : memref<!tpu.dma_semaphore, #tpu.memory_space<semaphore_mem>>) {add = true}
      %add3A_55 = arith.constant 1 : i32
      %add3A_56 = arith.addi %add3A_47, %add3A_55 : i32
      %dma_start3A_57 = arith.constant 0 : i32
      %dma_start3A_58 = tpu.memref_slice %arg8[%add3A_56, %dma_start3A_57] : memref<100x128xi32, #tpu.memory_space<vmem>> -> memref<1x128xi32, #tpu.memory_space<vmem>>
      %dma_start3A_59 = tpu.memref_squeeze %dma_start3A_58 : memref<1x128xi32, #tpu.memory_space<vmem>> -> memref<128xi32, #tpu.memory_space<vmem>>
      %dma_start3A_60 = arith.constant 0 : i32
      %dma_start3A_61 = arith.constant 0 : i32
      %dma_start3A_62 = tpu.memref_slice %arg10[%dma_start3A_60, %dma_start3A_61] : memref<10240x16xf32, #tpu.memory_space<vmem_shared>> -> memref<10240x16xf32, #tpu.memory_space<vmem_shared>>
      tpu.enqueue_indirect_dma source(%arg9 : memref<128x16xf32, #tpu.memory_space<vmem>>) target(%dma_start3A_62 : memref<10240x16xf32, #tpu.memory_space<vmem_shared>>) offsets(%dma_start3A_59 : memref<128xi32, #tpu.memory_space<vmem>>) semaphore(%arg11 : memref<!tpu.dma_semaphore, #tpu.memory_space<semaphore_mem>>) {add = true}
      %add3A_63 = arith.constant 2 : i32
      %add3A_64 = arith.addi %add3A_47, %add3A_63 : i32
      %dma_start3A_65 = arith.constant 0 : i32
      %dma_start3A_66 = tpu.memref_slice %arg8[%add3A_64, %dma_start3A_65] : memref<100x128xi32, #tpu.memory_space<vmem>> -> memref<1x128xi32, #tpu.memory_space<vmem>>
      %dma_start3A_67 = tpu.memref_squeeze %dma_start3A_66 : memref<1x128xi32, #tpu.memory_space<vmem>> -> memref<128xi32, #tpu.memory_space<vmem>>
      %dma_start3A_68 = arith.constant 0 : i32
      %dma_start3A_69 = arith.constant 0 : i32
      %dma_start3A_70 = tpu.memref_slice %arg10[%dma_start3A_68, %dma_start3A_69] : memref<10240x16xf32, #tpu.memory_space<vmem_shared>> -> memref<10240x16xf32, #tpu.memory_space<vmem_shared>>
      tpu.enqueue_indirect_dma source(%arg9 : memref<128x16xf32, #tpu.memory_space<vmem>>) target(%dma_start3A_70 : memref<10240x16xf32, #tpu.memory_space<vmem_shared>>) offsets(%dma_start3A_67 : memref<128xi32, #tpu.memory_space<vmem>>) semaphore(%arg11 : memref<!tpu.dma_semaphore, #tpu.memory_space<semaphore_mem>>) {add = true}
      %add3A_71 = arith.constant 3 : i32
      %add3A_72 = arith.addi %add3A_47, %add3A_71 : i32
      %dma_start3A_73 = arith.constant 0 : i32
      %dma_start3A_74 = tpu.memref_slice %arg8[%add3A_72, %dma_start3A_73] : memref<100x128xi32, #tpu.memory_space<vmem>> -> memref<1x128xi32, #tpu.memory_space<vmem>>
      %dma_start3A_75 = tpu.memref_squeeze %dma_start3A_74 : memref<1x128xi32, #tpu.memory_space<vmem>> -> memref<128xi32, #tpu.memory_space<vmem>>
      %dma_start3A_76 = arith.constant 0 : i32
      %dma_start3A_77 = arith.constant 0 : i32
      %dma_start3A_78 = tpu.memref_slice %arg10[%dma_start3A_76, %dma_start3A_77] : memref<10240x16xf32, #tpu.memory_space<vmem_shared>> -> memref<10240x16xf32, #tpu.memory_space<vmem_shared>>
      tpu.enqueue_indirect_dma source(%arg9 : memref<128x16xf32, #tpu.memory_space<vmem>>) target(%dma_start3A_78 : memref<10240x16xf32, #tpu.memory_space<vmem_shared>>) offsets(%dma_start3A_75 : memref<128xi32, #tpu.memory_space<vmem>>) semaphore(%arg11 : memref<!tpu.dma_semaphore, #tpu.memory_space<semaphore_mem>>) {add = true}
      %add3A_79 = arith.constant 0 : i32
      %add3A_80 = arith.addi %add3A_47, %add3A_79 : i32
      %dma_wait3A = arith.constant 0 : i32
      %dma_wait3A_81 = tpu.memref_slice %arg8[%add3A_80, %dma_wait3A] : memref<100x128xi32, #tpu.memory_space<vmem>> -> memref<1x128xi32, #tpu.memory_space<vmem>>
      %dma_wait3A_82 = tpu.memref_squeeze %dma_wait3A_81 : memref<1x128xi32, #tpu.memory_space<vmem>> -> memref<128xi32, #tpu.memory_space<vmem>>
      %dma_wait3A_83 = arith.constant 0 : i32
      %dma_wait3A_84 = arith.constant 0 : i32
      %dma_wait3A_85 = tpu.memref_slice %arg10[%dma_wait3A_83, %dma_wait3A_84] : memref<10240x16xf32, #tpu.memory_space<vmem_shared>> -> memref<10240x16xf32, #tpu.memory_space<vmem_shared>>
      tpu.wait_indirect_dma semaphore(%arg11 : memref<!tpu.dma_semaphore, #tpu.memory_space<semaphore_mem>>) src(%arg9 : memref<128x16xf32, #tpu.memory_space<vmem>>) dst(%dma_wait3A_85 : memref<10240x16xf32, #tpu.memory_space<vmem_shared>>)
      %add3A_86 = arith.constant 1 : i32
      %add3A_87 = arith.addi %add3A_47, %add3A_86 : i32
      %dma_wait3A_88 = arith.constant 0 : i32
      %dma_wait3A_89 = tpu.memref_slice %arg8[%add3A_87, %dma_wait3A_88] : memref<100x128xi32, #tpu.memory_space<vmem>> -> memref<1x128xi32, #tpu.memory_space<vmem>>
      %dma_wait3A_90 = tpu.memref_squeeze %dma_wait3A_89 : memref<1x128xi32, #tpu.memory_space<vmem>> -> memref<128xi32, #tpu.memory_space<vmem>>
      %dma_wait3A_91 = arith.constant 0 : i32
      %dma_wait3A_92 = arith.constant 0 : i32
      %dma_wait3A_93 = tpu.memref_slice %arg10[%dma_wait3A_91, %dma_wait3A_92] : memref<10240x16xf32, #tpu.memory_space<vmem_shared>> -> memref<10240x16xf32, #tpu.memory_space<vmem_shared>>
      tpu.wait_indirect_dma semaphore(%arg11 : memref<!tpu.dma_semaphore, #tpu.memory_space<semaphore_mem>>) src(%arg9 : memref<128x16xf32, #tpu.memory_space<vmem>>) dst(%dma_wait3A_93 : memref<10240x16xf32, #tpu.memory_space<vmem_shared>>)
      %add3A_94 = arith.constant 2 : i32
      %add3A_95 = arith.addi %add3A_47, %add3A_94 : i32
      %dma_wait3A_96 = arith.constant 0 : i32
      %dma_wait3A_97 = tpu.memref_slice %arg8[%add3A_95, %dma_wait3A_96] : memref<100x128xi32, #tpu.memory_space<vmem>> -> memref<1x128xi32, #tpu.memory_space<vmem>>
      %dma_wait3A_98 = tpu.memref_squeeze %dma_wait3A_97 : memref<1x128xi32, #tpu.memory_space<vmem>> -> memref<128xi32, #tpu.memory_space<vmem>>
      %dma_wait3A_99 = arith.constant 0 : i32
      %dma_wait3A_100 = arith.constant 0 : i32
      %dma_wait3A_101 = tpu.memref_slice %arg10[%dma_wait3A_99, %dma_wait3A_100] : memref<10240x16xf32, #tpu.memory_space<vmem_shared>> -> memref<10240x16xf32, #tpu.memory_space<vmem_shared>>
      tpu.wait_indirect_dma semaphore(%arg11 : memref<!tpu.dma_semaphore, #tpu.memory_space<semaphore_mem>>) src(%arg9 : memref<128x16xf32, #tpu.memory_space<vmem>>) dst(%dma_wait3A_101 : memref<10240x16xf32, #tpu.memory_space<vmem_shared>>)
      %add3A_102 = arith.constant 3 : i32
      %add3A_103 = arith.addi %add3A_47, %add3A_102 : i32
      %dma_wait3A_104 = arith.constant 0 : i32
      %dma_wait3A_105 = tpu.memref_slice %arg8[%add3A_103, %dma_wait3A_104] : memref<100x128xi32, #tpu.memory_space<vmem>> -> memref<1x128xi32, #tpu.memory_space<vmem>>
      %dma_wait3A_106 = tpu.memref_squeeze %dma_wait3A_105 : memref<1x128xi32, #tpu.memory_space<vmem>> -> memref<128xi32, #tpu.memory_space<vmem>>
      %dma_wait3A_107 = arith.constant 0 : i32
      %dma_wait3A_108 = arith.constant 0 : i32
      %dma_wait3A_109 = tpu.memref_slice %arg10[%dma_wait3A_107, %dma_wait3A_108] : memref<10240x16xf32, #tpu.memory_space<vmem_shared>> -> memref<10240x16xf32, #tpu.memory_space<vmem_shared>>
      tpu.wait_indirect_dma semaphore(%arg11 : memref<!tpu.dma_semaphore, #tpu.memory_space<semaphore_mem>>) src(%arg9 : memref<128x16xf32, #tpu.memory_space<vmem>>) dst(%dma_wait3A_109 : memref<10240x16xf32, #tpu.memory_space<vmem_shared>>)
    }
    %while3A_33 = arith.constant 1 : i32
    scf.for %while3A_45 = %while3A_31 to %while3A_27 step %while3A_33  : i32 {
      %mul3A_46 = arith.muli %while3A_45, %while3A : i32
      %add3A_47 = arith.addi %while3A_24, %mul3A_46 : i32
      %add3A_48 = arith.constant 0 : i32
      %add3A_49 = arith.addi %add3A_47, %add3A_48 : i32
      %dma_start3A = arith.constant 0 : i32
      %dma_start3A_50 = tpu.memref_slice %arg8[%add3A_49, %dma_start3A] : memref<100x128xi32, #tpu.memory_space<vmem>> -> memref<1x128xi32, #tpu.memory_space<vmem>>
      %dma_start3A_51 = tpu.memref_squeeze %dma_start3A_50 : memref<1x128xi32, #tpu.memory_space<vmem>> -> memref<128xi32, #tpu.memory_space<vmem>>
      %dma_start3A_52 = arith.constant 0 : i32
      %dma_start3A_53 = arith.constant 0 : i32
      %dma_start3A_54 = tpu.memref_slice %arg10[%dma_start3A_52, %dma_start3A_53] : memref<10240x16xf32, #tpu.memory_space<vmem_shared>> -> memref<10240x16xf32, #tpu.memory_space<vmem_shared>>
      tpu.enqueue_indirect_dma source(%arg9 : memref<128x16xf32, #tpu.memory_space<vmem>>) target(%dma_start3A_54 : memref<10240x16xf32, #tpu.memory_space<vmem_shared>>) offsets(%dma_start3A_51 : memref<128xi32, #tpu.memory_space<vmem>>) semaphore(%arg11 : memref<!tpu.dma_semaphore, #tpu.memory_space<semaphore_mem>>) {add = true}
      %add3A_55 = arith.constant 1 : i32
      %add3A_56 = arith.addi %add3A_47, %add3A_55 : i32
      %dma_start3A_57 = arith.constant 0 : i32
      %dma_start3A_58 = tpu.memref_slice %arg8[%add3A_56, %dma_start3A_57] : memref<100x128xi32, #tpu.memory_space<vmem>> -> memref<1x128xi32, #tpu.memory_space<vmem>>
      %dma_start3A_59 = tpu.memref_squeeze %dma_start3A_58 : memref<1x128xi32, #tpu.memory_space<vmem>> -> memref<128xi32, #tpu.memory_space<vmem>>
      %dma_start3A_60 = arith.constant 0 : i32
      %dma_start3A_61 = arith.constant 0 : i32
      %dma_start3A_62 = tpu.memref_slice %arg10[%dma_start3A_60, %dma_start3A_61] : memref<10240x16xf32, #tpu.memory_space<vmem_shared>> -> memref<10240x16xf32, #tpu.memory_space<vmem_shared>>
      tpu.enqueue_indirect_dma source(%arg9 : memref<128x16xf32, #tpu.memory_space<vmem>>) target(%dma_start3A_62 : memref<10240x16xf32, #tpu.memory_space<vmem_shared>>) offsets(%dma_start3A_59 : memref<128xi32, #tpu.memory_space<vmem>>) semaphore(%arg11 : memref<!tpu.dma_semaphore, #tpu.memory_space<semaphore_mem>>) {add = true}
      %add3A_63 = arith.constant 2 : i32
      %add3A_64 = arith.addi %add3A_47, %add3A_63 : i32
      %dma_start3A_65 = arith.constant 0 : i32
      %dma_start3A_66 = tpu.memref_slice %arg8[%add3A_64, %dma_start3A_65] : memref<100x128xi32, #tpu.memory_space<vmem>> -> memref<1x128xi32, #tpu.memory_space<vmem>>
      %dma_start3A_67 = tpu.memref_squeeze %dma_start3A_66 : memref<1x128xi32, #tpu.memory_space<vmem>> -> memref<128xi32, #tpu.memory_space<vmem>>
      %dma_start3A_68 = arith.constant 0 : i32
      %dma_start3A_69 = arith.constant 0 : i32
      %dma_start3A_70 = tpu.memref_slice %arg10[%dma_start3A_68, %dma_start3A_69] : memref<10240x16xf32, #tpu.memory_space<vmem_shared>> -> memref<10240x16xf32, #tpu.memory_space<vmem_shared>>
      tpu.enqueue_indirect_dma source(%arg9 : memref<128x16xf32, #tpu.memory_space<vmem>>) target(%dma_start3A_70 : memref<10240x16xf32, #tpu.memory_space<vmem_shared>>) offsets(%dma_start3A_67 : memref<128xi32, #tpu.memory_space<vmem>>) semaphore(%arg11 : memref<!tpu.dma_semaphore, #tpu.memory_space<semaphore_mem>>) {add = true}
      %add3A_71 = arith.constant 3 : i32
      %add3A_72 = arith.addi %add3A_47, %add3A_71 : i32
      %dma_start3A_73 = arith.constant 0 : i32
      %dma_start3A_74 = tpu.memref_slice %arg8[%add3A_72, %dma_start3A_73] : memref<100x128xi32, #tpu.memory_space<vmem>> -> memref<1x128xi32, #tpu.memory_space<vmem>>
      %dma_start3A_75 = tpu.memref_squeeze %dma_start3A_74 : memref<1x128xi32, #tpu.memory_space<vmem>> -> memref<128xi32, #tpu.memory_space<vmem>>
      %dma_start3A_76 = arith.constant 0 : i32
      %dma_start3A_77 = arith.constant 0 : i32
      %dma_start3A_78 = tpu.memref_slice %arg10[%dma_start3A_76, %dma_start3A_77] : memref<10240x16xf32, #tpu.memory_space<vmem_shared>> -> memref<10240x16xf32, #tpu.memory_space<vmem_shared>>
      tpu.enqueue_indirect_dma source(%arg9 : memref<128x16xf32, #tpu.memory_space<vmem>>) target(%dma_start3A_78 : memref<10240x16xf32, #tpu.memory_space<vmem_shared>>) offsets(%dma_start3A_75 : memref<128xi32, #tpu.memory_space<vmem>>) semaphore(%arg11 : memref<!tpu.dma_semaphore, #tpu.memory_space<semaphore_mem>>) {add = true}
      %add3A_79 = arith.constant 0 : i32
      %add3A_80 = arith.addi %add3A_47, %add3A_79 : i32
      %dma_wait3A = arith.constant 0 : i32
      %dma_wait3A_81 = tpu.memref_slice %arg8[%add3A_80, %dma_wait3A] : memref<100x128xi32, #tpu.memory_space<vmem>> -> memref<1x128xi32, #tpu.memory_space<vmem>>
      %dma_wait3A_82 = tpu.memref_squeeze %dma_wait3A_81 : memref<1x128xi32, #tpu.memory_space<vmem>> -> memref<128xi32, #tpu.memory_space<vmem>>
      %dma_wait3A_83 = arith.constant 0 : i32
      %dma_wait3A_84 = arith.constant 0 : i32
      %dma_wait3A_85 = tpu.memref_slice %arg10[%dma_wait3A_83, %dma_wait3A_84] : memref<10240x16xf32, #tpu.memory_space<vmem_shared>> -> memref<10240x16xf32, #tpu.memory_space<vmem_shared>>
      tpu.wait_indirect_dma semaphore(%arg11 : memref<!tpu.dma_semaphore, #tpu.memory_space<semaphore_mem>>) src(%arg9 : memref<128x16xf32, #tpu.memory_space<vmem>>) dst(%dma_wait3A_85 : memref<10240x16xf32, #tpu.memory_space<vmem_shared>>)
      %add3A_86 = arith.constant 1 : i32
      %add3A_87 = arith.addi %add3A_47, %add3A_86 : i32
      %dma_wait3A_88 = arith.constant 0 : i32
      %dma_wait3A_89 = tpu.memref_slice %arg8[%add3A_87, %dma_wait3A_88] : memref<100x128xi32, #tpu.memory_space<vmem>> -> memref<1x128xi32, #tpu.memory_space<vmem>>
      %dma_wait3A_90 = tpu.memref_squeeze %dma_wait3A_89 : memref<1x128xi32, #tpu.memory_space<vmem>> -> memref<128xi32, #tpu.memory_space<vmem>>
      %dma_wait3A_91 = arith.constant 0 : i32
      %dma_wait3A_92 = arith.constant 0 : i32
      %dma_wait3A_93 = tpu.memref_slice %arg10[%dma_wait3A_91, %dma_wait3A_92] : memref<10240x16xf32, #tpu.memory_space<vmem_shared>> -> memref<10240x16xf32, #tpu.memory_space<vmem_shared>>
      tpu.wait_indirect_dma semaphore(%arg11 : memref<!tpu.dma_semaphore, #tpu.memory_space<semaphore_mem>>) src(%arg9 : memref<128x16xf32, #tpu.memory_space<vmem>>) dst(%dma_wait3A_93 : memref<10240x16xf32, #tpu.memory_space<vmem_shared>>)
      %add3A_94 = arith.constant 2 : i32
      %add3A_95 = arith.addi %add3A_47, %add3A_94 : i32
      %dma_wait3A_96 = arith.constant 0 : i32
      %dma_wait3A_97 = tpu.memref_slice %arg8[%add3A_95, %dma_wait3A_96] : memref<100x128xi32, #tpu.memory_space<vmem>> -> memref<1x128xi32, #tpu.memory_space<vmem>>
      %dma_wait3A_98 = tpu.memref_squeeze %dma_wait3A_97 : memref<1x128xi32, #tpu.memory_space<vmem>> -> memref<128xi32, #tpu.memory_space<vmem>>
      %dma_wait3A_99 = arith.constant 0 : i32
      %dma_wait3A_100 = arith.constant 0 : i32
      %dma_wait3A_101 = tpu.memref_slice %arg10[%dma_wait3A_99, %dma_wait3A_100] : memref<10240x16xf32, #tpu.memory_space<vmem_shared>> -> memref<10240x16xf32, #tpu.memory_space<vmem_shared>>
      tpu.wait_indirect_dma semaphore(%arg11 : memref<!tpu.dma_semaphore, #tpu.memory_space<semaphore_mem>>) src(%arg9 : memref<128x16xf32, #tpu.memory_space<vmem>>) dst(%dma_wait3A_101 : memref<10240x16xf32, #tpu.memory_space<vmem_shared>>)
      %add3A_102 = arith.constant 3 : i32
      %add3A_103 = arith.addi %add3A_47, %add3A_102 : i32
      %dma_wait3A_104 = arith.constant 0 : i32
      %dma_wait3A_105 = tpu.memref_slice %arg8[%add3A_103, %dma_wait3A_104] : memref<100x128xi32, #tpu.memory_space<vmem>> -> memref<1x128xi32, #tpu.memory_space<vmem>>
      %dma_wait3A_106 = tpu.memref_squeeze %dma_wait3A_105 : memref<1x128xi32, #tpu.memory_space<vmem>> -> memref<128xi32, #tpu.memory_space<vmem>>
      %dma_wait3A_107 = arith.constant 0 : i32
      %dma_wait3A_108 = arith.constant 0 : i32
      %dma_wait3A_109 = tpu.memref_slice %arg10[%dma_wait3A_107, %dma_wait3A_108] : memref<10240x16xf32, #tpu.memory_space<vmem_shared>> -> memref<10240x16xf32, #tpu.memory_space<vmem_shared>>
      tpu.wait_indirect_dma semaphore(%arg11 : memref<!tpu.dma_semaphore, #tpu.memory_space<semaphore_mem>>) src(%arg9 : memref<128x16xf32, #tpu.memory_space<vmem>>) dst(%dma_wait3A_109 : memref<10240x16xf32, #tpu.memory_space<vmem_shared>>)
    }
    %barrier3A_34 = arith.constant 0 : index
    tpu.barrier barrier_id(%barrier3A_34)
    %eq3A_35 = arith.constant 0 : i32
    %eq3A_36 = arith.cmpi eq, %arg0, %eq3A_35 : i32
    %convert_element_type3A_37 = arith.extui %eq3A_36 : i1 to i32
    %cond3A_38 = arith.constant 0 : i32
    %cond3A_39 = arith.cmpi ne, %convert_element_type3A_37, %cond3A_38 : i32
    scf.if %cond3A_39 {
      "tpu.region"() ({
        %run_scoped3A = tpu.sem_alloc : memref<!tpu.dma_semaphore, #tpu.memory_space<semaphore_mem>>
        %dma_start3A = arith.constant 0 : i32
        %dma_start3A_45 = tpu.memref_slice %arg6[%mul3A_0, %dma_start3A] : memref<10240x16xf32, #tpu.memory_space<hbm>> -> memref<640x16xf32, #tpu.memory_space<hbm>>
        %dma_start3A_46 = arith.constant 0 : i32
        %dma_start3A_47 = tpu.memref_slice %arg10[%mul3A_0, %dma_start3A_46] : memref<10240x16xf32, #tpu.memory_space<vmem_shared>> -> memref<640x16xf32, #tpu.memory_space<vmem_shared>>
        tpu.enqueue_dma source(%dma_start3A_47 : memref<640x16xf32, #tpu.memory_space<vmem_shared>>) target(%dma_start3A_45 : memref<640x16xf32, #tpu.memory_space<hbm>>) target_semaphore(%run_scoped3A : memref<!tpu.dma_semaphore, #tpu.memory_space<semaphore_mem>>)
        %dma_wait3A = arith.constant 0 : i32
        %dma_wait3A_48 = tpu.memref_slice %arg6[%mul3A_0, %dma_wait3A] : memref<10240x16xf32, #tpu.memory_space<hbm>> -> memref<640x16xf32, #tpu.memory_space<hbm>>
        %dma_wait3A_49 = arith.constant 0 : i32
        %dma_wait3A_50 = tpu.memref_slice %arg10[%mul3A_0, %dma_wait3A_49] : memref<10240x16xf32, #tpu.memory_space<vmem_shared>> -> memref<640x16xf32, #tpu.memory_space<vmem_shared>>
        tpu.wait_dma2 semaphore(%run_scoped3A : memref<!tpu.dma_semaphore, #tpu.memory_space<semaphore_mem>>) src(%dma_wait3A_50 : memref<640x16xf32, #tpu.memory_space<vmem_shared>>) dst(%dma_wait3A_48 : memref<640x16xf32, #tpu.memory_space<hbm>>)
        tpu.yield
      }) : () -> ()
    } else {
    }
    %ne3A_40 = arith.constant 0 : i32
    %ne3A_41 = arith.cmpi ne, %arg0, %ne3A_40 : i32
    %convert_element_type3A_42 = arith.extui %ne3A_41 : i1 to i32
    %cond3A_43 = arith.constant 0 : i32
    %cond3A_44 = arith.cmpi ne, %convert_element_type3A_42, %cond3A_43 : i32
    scf.if %cond3A_44 {
      "tpu.region"() ({
        %run_scoped3A = tpu.sem_alloc : memref<!tpu.dma_semaphore, #tpu.memory_space<semaphore_mem>>
        %dma_start3A = arith.constant 0 : i32
        %dma_start3A_45 = tpu.memref_slice %arg7[%mul3A_0, %dma_start3A] : memref<10240x16xf32, #tpu.memory_space<hbm>> -> memref<640x16xf32, #tpu.memory_space<hbm>>
        %dma_start3A_46 = arith.constant 0 : i32
        %dma_start3A_47 = tpu.memref_slice %arg10[%mul3A_0, %dma_start3A_46] : memref<10240x16xf32, #tpu.memory_space<vmem_shared>> -> memref<640x16xf32, #tpu.memory_space<vmem_shared>>
        tpu.enqueue_dma source(%dma_start3A_47 : memref<640x16xf32, #tpu.memory_space<vmem_shared>>) target(%dma_start3A_45 : memref<640x16xf32, #tpu.memory_space<hbm>>) target_semaphore(%run_scoped3A : memref<!tpu.dma_semaphore, #tpu.memory_space<semaphore_mem>>)
        %dma_wait3A = arith.constant 0 : i32
        %dma_wait3A_48 = tpu.memref_slice %arg7[%mul3A_0, %dma_wait3A] : memref<10240x16xf32, #tpu.memory_space<hbm>> -> memref<640x16xf32, #tpu.memory_space<hbm>>
        %dma_wait3A_49 = arith.constant 0 : i32
        %dma_wait3A_50 = tpu.memref_slice %arg10[%mul3A_0, %dma_wait3A_49] : memref<10240x16xf32, #tpu.memory_space<vmem_shared>> -> memref<640x16xf32, #tpu.memory_space<vmem_shared>>
        tpu.wait_dma2 semaphore(%run_scoped3A : memref<!tpu.dma_semaphore, #tpu.memory_space<semaphore_mem>>) src(%dma_wait3A_50 : memref<640x16xf32, #tpu.memory_space<vmem_shared>>) dst(%dma_wait3A_48 : memref<640x16xf32, #tpu.memory_space<hbm>>)
        tpu.yield
      }) : () -> ()
    } else {
    }
    return
  }
}

#map = affine_map<(d0, d1) -> (0, 0)>
module attributes {stable_mosaic.version = 14 : i64} {
  func.func @k(%arg0: i32, %arg1: i32, %arg2: memref<10240x64xf32, #tpu.memory_space<hbm>>, %arg3: memref<2688x128xi32, #tpu.memory_space<hbm>>, %arg4: memref<2688x128xi32, #tpu.memory_space<hbm>>, %arg5: memref<10240x64xf32, #tpu.memory_space<hbm>>, %arg6: memref<10240x64xf32, #tpu.memory_space<hbm>>, %arg7: memref<10240x64xf32, #tpu.memory_space<hbm>>, %arg8: memref<144x128xi32, #tpu.memory_space<vmem>>, %arg9: memref<144x128xi32, #tpu.memory_space<vmem>>, %arg10: memref<128x64xf32, #tpu.memory_space<vmem>>, %arg11: memref<128x64xf32, #tpu.memory_space<vmem>>, %arg12: memref<128x64xf32, #tpu.memory_space<vmem>>, %arg13: memref<128x64xf32, #tpu.memory_space<vmem>>, %arg14: memref<!tpu.dma_semaphore, #tpu.memory_space<semaphore_mem>>, %arg15: memref<!tpu.dma_semaphore, #tpu.memory_space<semaphore_mem>>, %arg16: memref<!tpu.dma_semaphore, #tpu.memory_space<semaphore_mem>>, %arg17: memref<!tpu.dma_semaphore, #tpu.memory_space<semaphore_mem>>, %arg18: memref<10240x64xf32, #tpu.memory_space<vmem_shared>>) attributes {dimension_semantics = [#tpu.dimension_semantics<core_parallel>, #tpu.dimension_semantics<subcore_parallel>], iteration_bounds = array<i64: 2, 16>, scalar_prefetch = 0 : i64, scratch_operands = 11 : i64, tpu.core_type = #tpu.core_type<sc_vector_subcore>, window_params = [{transform_indices = #map}, {transform_indices = #map}, {transform_indices = #map}, {transform_indices = #map}, {transform_indices = #map}, {transform_indices = #map}]} {
    %mul3A = arith.constant 640 : i32
    %mul3A_0 = arith.muli %arg1, %mul3A : i32
    %eq3A = arith.constant 0 : i32
    %eq3A_1 = arith.cmpi eq, %arg0, %eq3A : i32
    %mul3A_2 = arith.constant 144 : i32
    %mul3A_3 = arith.muli %arg1, %mul3A_2 : i32
    %mul3A_4 = arith.constant 16 : i32
    %mul3A_5 = arith.muli %arg1, %mul3A_4 : i32
    %add3A = arith.constant 2304 : i32
    %add3A_6 = arith.addi %add3A, %mul3A_5 : i32
    %select_n3A = arith.select %eq3A_1, %mul3A_3, %add3A_6 : i32
    %eq3A_7 = arith.constant 0 : i32
    %eq3A_8 = arith.cmpi eq, %arg0, %eq3A_7 : i32
    %jit3A = arith.constant 144 : i32
    %jit3A_9 = arith.constant 16 : i32
    %select_n3A_10 = arith.select %eq3A_8, %jit3A, %jit3A_9 : i32
    %eq3A_11 = arith.constant 0 : i32
    %eq3A_12 = arith.cmpi eq, %arg0, %eq3A_11 : i32
    %convert_element_type3A = arith.extui %eq3A_12 : i1 to i32
    %cond3A = arith.constant 0 : i32
    %cond3A_13 = arith.cmpi ne, %convert_element_type3A, %cond3A : i32
    scf.if %cond3A_13 {
      "tpu.region"() ({
        %run_scoped3A = tpu.sem_alloc : memref<!tpu.dma_semaphore, #tpu.memory_space<semaphore_mem>>
        %dma_start3A_65 = arith.constant 0 : i32
        %dma_start3A_66 = tpu.memref_slice %arg18[%mul3A_0, %dma_start3A_65] : memref<10240x64xf32, #tpu.memory_space<vmem_shared>> -> memref<640x64xf32, #tpu.memory_space<vmem_shared>>
        %dma_start3A_67 = arith.constant 0 : i32
        %dma_start3A_68 = tpu.memref_slice %arg2[%mul3A_0, %dma_start3A_67] : memref<10240x64xf32, #tpu.memory_space<hbm>> -> memref<640x64xf32, #tpu.memory_space<hbm>>
        tpu.enqueue_dma source(%dma_start3A_68 : memref<640x64xf32, #tpu.memory_space<hbm>>) target(%dma_start3A_66 : memref<640x64xf32, #tpu.memory_space<vmem_shared>>) target_semaphore(%run_scoped3A : memref<!tpu.dma_semaphore, #tpu.memory_space<semaphore_mem>>)
        %dma_wait3A = arith.constant 0 : i32
        %dma_wait3A_69 = tpu.memref_slice %arg18[%mul3A_0, %dma_wait3A] : memref<10240x64xf32, #tpu.memory_space<vmem_shared>> -> memref<640x64xf32, #tpu.memory_space<vmem_shared>>
        %dma_wait3A_70 = arith.constant 0 : i32
        %dma_wait3A_71 = tpu.memref_slice %arg2[%mul3A_0, %dma_wait3A_70] : memref<10240x64xf32, #tpu.memory_space<hbm>> -> memref<640x64xf32, #tpu.memory_space<hbm>>
        tpu.wait_dma2 semaphore(%run_scoped3A : memref<!tpu.dma_semaphore, #tpu.memory_space<semaphore_mem>>) src(%dma_wait3A_71 : memref<640x64xf32, #tpu.memory_space<hbm>>) dst(%dma_wait3A_69 : memref<640x64xf32, #tpu.memory_space<vmem_shared>>)
        tpu.yield
      }) : () -> ()
    } else {
    }
    %ne3A = arith.constant 0 : i32
    %ne3A_14 = arith.cmpi ne, %arg0, %ne3A : i32
    %convert_element_type3A_15 = arith.extui %ne3A_14 : i1 to i32
    %cond3A_16 = arith.constant 0 : i32
    %cond3A_17 = arith.cmpi ne, %convert_element_type3A_15, %cond3A_16 : i32
    scf.if %cond3A_17 {
      "tpu.region"() ({
        %run_scoped3A = tpu.sem_alloc : memref<!tpu.dma_semaphore, #tpu.memory_space<semaphore_mem>>
        %dma_start3A_65 = arith.constant 0 : i32
        %dma_start3A_66 = tpu.memref_slice %arg18[%mul3A_0, %dma_start3A_65] : memref<10240x64xf32, #tpu.memory_space<vmem_shared>> -> memref<640x64xf32, #tpu.memory_space<vmem_shared>>
        %dma_start3A_67 = arith.constant 0 : i32
        %dma_start3A_68 = tpu.memref_slice %arg5[%mul3A_0, %dma_start3A_67] : memref<10240x64xf32, #tpu.memory_space<hbm>> -> memref<640x64xf32, #tpu.memory_space<hbm>>
        tpu.enqueue_dma source(%dma_start3A_68 : memref<640x64xf32, #tpu.memory_space<hbm>>) target(%dma_start3A_66 : memref<640x64xf32, #tpu.memory_space<vmem_shared>>) target_semaphore(%run_scoped3A : memref<!tpu.dma_semaphore, #tpu.memory_space<semaphore_mem>>)
        %dma_wait3A = arith.constant 0 : i32
        %dma_wait3A_69 = tpu.memref_slice %arg18[%mul3A_0, %dma_wait3A] : memref<10240x64xf32, #tpu.memory_space<vmem_shared>> -> memref<640x64xf32, #tpu.memory_space<vmem_shared>>
        %dma_wait3A_70 = arith.constant 0 : i32
        %dma_wait3A_71 = tpu.memref_slice %arg5[%mul3A_0, %dma_wait3A_70] : memref<10240x64xf32, #tpu.memory_space<hbm>> -> memref<640x64xf32, #tpu.memory_space<hbm>>
        tpu.wait_dma2 semaphore(%run_scoped3A : memref<!tpu.dma_semaphore, #tpu.memory_space<semaphore_mem>>) src(%dma_wait3A_71 : memref<640x64xf32, #tpu.memory_space<hbm>>) dst(%dma_wait3A_69 : memref<640x64xf32, #tpu.memory_space<vmem_shared>>)
        tpu.yield
      }) : () -> ()
    } else {
    }
    "tpu.region"() ({
      %run_scoped3A = tpu.sem_alloc : memref<!tpu.dma_semaphore, #tpu.memory_space<semaphore_mem>>
      %dma_start3A_65 = arith.constant 0 : i32
      %dma_start3A_66 = tpu.memref_slice %arg3[%select_n3A, %dma_start3A_65] : memref<2688x128xi32, #tpu.memory_space<hbm>> -> memref<144x128xi32, #tpu.memory_space<hbm>>
      %dma_start3A_67 = arith.constant 0 : i32
      %dma_start3A_68 = tpu.memref_slice %arg3[%select_n3A, %dma_start3A_67] : memref<2688x128xi32, #tpu.memory_space<hbm>> -> memref<144x128xi32, #tpu.memory_space<hbm>>
      tpu.enqueue_dma source(%dma_start3A_68 : memref<144x128xi32, #tpu.memory_space<hbm>>) target(%arg8 : memref<144x128xi32, #tpu.memory_space<vmem>>) target_semaphore(%run_scoped3A : memref<!tpu.dma_semaphore, #tpu.memory_space<semaphore_mem>>)
      %dma_wait3A = arith.constant 0 : i32
      %dma_wait3A_69 = tpu.memref_slice %arg3[%select_n3A, %dma_wait3A] : memref<2688x128xi32, #tpu.memory_space<hbm>> -> memref<144x128xi32, #tpu.memory_space<hbm>>
      %dma_wait3A_70 = arith.constant 0 : i32
      %dma_wait3A_71 = tpu.memref_slice %arg3[%select_n3A, %dma_wait3A_70] : memref<2688x128xi32, #tpu.memory_space<hbm>> -> memref<144x128xi32, #tpu.memory_space<hbm>>
      tpu.wait_dma2 semaphore(%run_scoped3A : memref<!tpu.dma_semaphore, #tpu.memory_space<semaphore_mem>>) src(%dma_wait3A_71 : memref<144x128xi32, #tpu.memory_space<hbm>>) dst(%arg8 : memref<144x128xi32, #tpu.memory_space<vmem>>)
      tpu.yield
    }) : () -> ()
    "tpu.region"() ({
      %run_scoped3A = tpu.sem_alloc : memref<!tpu.dma_semaphore, #tpu.memory_space<semaphore_mem>>
      %dma_start3A_65 = arith.constant 0 : i32
      %dma_start3A_66 = tpu.memref_slice %arg4[%select_n3A, %dma_start3A_65] : memref<2688x128xi32, #tpu.memory_space<hbm>> -> memref<144x128xi32, #tpu.memory_space<hbm>>
      %dma_start3A_67 = arith.constant 0 : i32
      %dma_start3A_68 = tpu.memref_slice %arg4[%select_n3A, %dma_start3A_67] : memref<2688x128xi32, #tpu.memory_space<hbm>> -> memref<144x128xi32, #tpu.memory_space<hbm>>
      tpu.enqueue_dma source(%dma_start3A_68 : memref<144x128xi32, #tpu.memory_space<hbm>>) target(%arg9 : memref<144x128xi32, #tpu.memory_space<vmem>>) target_semaphore(%run_scoped3A : memref<!tpu.dma_semaphore, #tpu.memory_space<semaphore_mem>>)
      %dma_wait3A = arith.constant 0 : i32
      %dma_wait3A_69 = tpu.memref_slice %arg4[%select_n3A, %dma_wait3A] : memref<2688x128xi32, #tpu.memory_space<hbm>> -> memref<144x128xi32, #tpu.memory_space<hbm>>
      %dma_wait3A_70 = arith.constant 0 : i32
      %dma_wait3A_71 = tpu.memref_slice %arg4[%select_n3A, %dma_wait3A_70] : memref<2688x128xi32, #tpu.memory_space<hbm>> -> memref<144x128xi32, #tpu.memory_space<hbm>>
      tpu.wait_dma2 semaphore(%run_scoped3A : memref<!tpu.dma_semaphore, #tpu.memory_space<semaphore_mem>>) src(%dma_wait3A_71 : memref<144x128xi32, #tpu.memory_space<hbm>>) dst(%arg9 : memref<144x128xi32, #tpu.memory_space<vmem>>)
      tpu.yield
    }) : () -> ()
    %barrier3A = arith.constant 0 : index
    tpu.barrier barrier_id(%barrier3A)
    %dma_start3A = arith.constant 0 : i32
    %dma_start3A_18 = arith.constant 0 : i32
    %dma_start3A_19 = tpu.memref_slice %arg8[%dma_start3A, %dma_start3A_18] : memref<144x128xi32, #tpu.memory_space<vmem>> -> memref<1x128xi32, #tpu.memory_space<vmem>>
    %dma_start3A_20 = tpu.memref_squeeze %dma_start3A_19 : memref<1x128xi32, #tpu.memory_space<vmem>> -> memref<128xi32, #tpu.memory_space<vmem>>
    %dma_start3A_21 = arith.constant 0 : i32
    %dma_start3A_22 = arith.constant 0 : i32
    %dma_start3A_23 = tpu.memref_slice %arg2[%dma_start3A_21, %dma_start3A_22] : memref<10240x64xf32, #tpu.memory_space<hbm>> -> memref<10240x64xf32, #tpu.memory_space<hbm>>
    tpu.enqueue_indirect_dma source(%dma_start3A_23 : memref<10240x64xf32, #tpu.memory_space<hbm>>) target(%arg10 : memref<128x64xf32, #tpu.memory_space<vmem>>) offsets(%dma_start3A_20 : memref<128xi32, #tpu.memory_space<vmem>>) semaphore(%arg14 : memref<!tpu.dma_semaphore, #tpu.memory_space<semaphore_mem>>)
    %dma_start3A_24 = arith.constant 1 : i32
    %dma_start3A_25 = arith.constant 0 : i32
    %dma_start3A_26 = tpu.memref_slice %arg8[%dma_start3A_24, %dma_start3A_25] : memref<144x128xi32, #tpu.memory_space<vmem>> -> memref<1x128xi32, #tpu.memory_space<vmem>>
    %dma_start3A_27 = tpu.memref_squeeze %dma_start3A_26 : memref<1x128xi32, #tpu.memory_space<vmem>> -> memref<128xi32, #tpu.memory_space<vmem>>
    %dma_start3A_28 = arith.constant 0 : i32
    %dma_start3A_29 = arith.constant 0 : i32
    %dma_start3A_30 = tpu.memref_slice %arg2[%dma_start3A_28, %dma_start3A_29] : memref<10240x64xf32, #tpu.memory_space<hbm>> -> memref<10240x64xf32, #tpu.memory_space<hbm>>
    tpu.enqueue_indirect_dma source(%dma_start3A_30 : memref<10240x64xf32, #tpu.memory_space<hbm>>) target(%arg11 : memref<128x64xf32, #tpu.memory_space<vmem>>) offsets(%dma_start3A_27 : memref<128xi32, #tpu.memory_space<vmem>>) semaphore(%arg15 : memref<!tpu.dma_semaphore, #tpu.memory_space<semaphore_mem>>)
    %dma_start3A_31 = arith.constant 2 : i32
    %dma_start3A_32 = arith.constant 0 : i32
    %dma_start3A_33 = tpu.memref_slice %arg8[%dma_start3A_31, %dma_start3A_32] : memref<144x128xi32, #tpu.memory_space<vmem>> -> memref<1x128xi32, #tpu.memory_space<vmem>>
    %dma_start3A_34 = tpu.memref_squeeze %dma_start3A_33 : memref<1x128xi32, #tpu.memory_space<vmem>> -> memref<128xi32, #tpu.memory_space<vmem>>
    %dma_start3A_35 = arith.constant 0 : i32
    %dma_start3A_36 = arith.constant 0 : i32
    %dma_start3A_37 = tpu.memref_slice %arg2[%dma_start3A_35, %dma_start3A_36] : memref<10240x64xf32, #tpu.memory_space<hbm>> -> memref<10240x64xf32, #tpu.memory_space<hbm>>
    tpu.enqueue_indirect_dma source(%dma_start3A_37 : memref<10240x64xf32, #tpu.memory_space<hbm>>) target(%arg12 : memref<128x64xf32, #tpu.memory_space<vmem>>) offsets(%dma_start3A_34 : memref<128xi32, #tpu.memory_space<vmem>>) semaphore(%arg16 : memref<!tpu.dma_semaphore, #tpu.memory_space<semaphore_mem>>)
    %sub3A = arith.constant 0 : i32
    %sub3A_38 = arith.subi %select_n3A_10, %sub3A : i32
    %sub3A_39 = arith.constant 4 : i32
    %sub3A_40 = arith.constant 1 : i32
    %sub3A_41 = arith.subi %sub3A_39, %sub3A_40 : i32
    %add3A_42 = arith.addi %sub3A_38, %sub3A_41 : i32
    %div3A = arith.constant 4 : i32
    %div3A_43 = arith.divsi %add3A_42, %div3A : i32
    %while3A = arith.constant 4 : i32
    %while3A_44 = arith.constant 0 : i32
    %while3A_45 = arith.constant 0 : i32
    %while3A_46 = arith.subi %div3A_43, %while3A_45 : i32
    %while3A_47 = arith.addi %while3A_45, %while3A_46 : i32
    %while3A_48 = arith.constant 1 : i32
    %while3A_49 = arith.divsi %while3A_46, %while3A_48 : i32
    %while3A_50 = arith.muli %while3A_49, %while3A_48 : i32
    %while3A_51 = arith.addi %while3A_45, %while3A_50 : i32
    %while3A_52 = arith.constant 1 : i32
    scf.for %while3A_65 = %while3A_45 to %while3A_51 step %while3A_52  : i32 {
      %mul3A_66 = arith.muli %while3A_65, %while3A : i32
      %add3A_67 = arith.addi %while3A_44, %mul3A_66 : i32
      %add3A_68 = arith.constant 0 : i32
      %add3A_69 = arith.addi %add3A_67, %add3A_68 : i32
      %dma_wait3A = arith.constant 0 : i32
      %dma_wait3A_70 = tpu.memref_slice %arg8[%add3A_69, %dma_wait3A] : memref<144x128xi32, #tpu.memory_space<vmem>> -> memref<1x128xi32, #tpu.memory_space<vmem>>
      %dma_wait3A_71 = tpu.memref_squeeze %dma_wait3A_70 : memref<1x128xi32, #tpu.memory_space<vmem>> -> memref<128xi32, #tpu.memory_space<vmem>>
      %dma_wait3A_72 = arith.constant 0 : i32
      %dma_wait3A_73 = arith.constant 0 : i32
      %dma_wait3A_74 = tpu.memref_slice %arg2[%dma_wait3A_72, %dma_wait3A_73] : memref<10240x64xf32, #tpu.memory_space<hbm>> -> memref<10240x64xf32, #tpu.memory_space<hbm>>
      tpu.wait_indirect_dma semaphore(%arg14 : memref<!tpu.dma_semaphore, #tpu.memory_space<semaphore_mem>>) src(%dma_wait3A_74 : memref<10240x64xf32, #tpu.memory_space<hbm>>) dst(%arg10 : memref<128x64xf32, #tpu.memory_space<vmem>>)
      "tpu.region"() ({
        %run_scoped3A = tpu.sem_alloc : memref<!tpu.dma_semaphore, #tpu.memory_space<semaphore_mem>>
        %dma_start3A_130 = arith.constant 0 : i32
        %dma_start3A_131 = tpu.memref_slice %arg9[%add3A_69, %dma_start3A_130] : memref<144x128xi32, #tpu.memory_space<vmem>> -> memref<1x128xi32, #tpu.memory_space<vmem>>
        %dma_start3A_132 = tpu.memref_squeeze %dma_start3A_131 : memref<1x128xi32, #tpu.memory_space<vmem>> -> memref<128xi32, #tpu.memory_space<vmem>>
        %dma_start3A_133 = arith.constant 0 : i32
        %dma_start3A_134 = arith.constant 0 : i32
        %dma_start3A_135 = tpu.memref_slice %arg18[%dma_start3A_133, %dma_start3A_134] : memref<10240x64xf32, #tpu.memory_space<vmem_shared>> -> memref<10240x64xf32, #tpu.memory_space<vmem_shared>>
        tpu.enqueue_indirect_dma source(%arg10 : memref<128x64xf32, #tpu.memory_space<vmem>>) target(%dma_start3A_135 : memref<10240x64xf32, #tpu.memory_space<vmem_shared>>) offsets(%dma_start3A_132 : memref<128xi32, #tpu.memory_space<vmem>>) semaphore(%run_scoped3A : memref<!tpu.dma_semaphore, #tpu.memory_space<semaphore_mem>>) {add = true}
        %dma_wait3A_136 = arith.constant 0 : i32
        %dma_wait3A_137 = tpu.memref_slice %arg9[%add3A_69, %dma_wait3A_136] : memref<144x128xi32, #tpu.memory_space<vmem>> -> memref<1x128xi32, #tpu.memory_space<vmem>>
        %dma_wait3A_138 = tpu.memref_squeeze %dma_wait3A_137 : memref<1x128xi32, #tpu.memory_space<vmem>> -> memref<128xi32, #tpu.memory_space<vmem>>
        %dma_wait3A_139 = arith.constant 0 : i32
        %dma_wait3A_140 = arith.constant 0 : i32
        %dma_wait3A_141 = tpu.memref_slice %arg18[%dma_wait3A_139, %dma_wait3A_140] : memref<10240x64xf32, #tpu.memory_space<vmem_shared>> -> memref<10240x64xf32, #tpu.memory_space<vmem_shared>>
        tpu.wait_indirect_dma semaphore(%run_scoped3A : memref<!tpu.dma_semaphore, #tpu.memory_space<semaphore_mem>>) src(%arg10 : memref<128x64xf32, #tpu.memory_space<vmem>>) dst(%dma_wait3A_141 : memref<10240x64xf32, #tpu.memory_space<vmem_shared>>)
        tpu.yield
      }) : () -> ()
      %add3A_75 = arith.constant 4 : i32
      %add3A_76 = arith.addi %add3A_69, %add3A_75 : i32
      %sub3A_77 = arith.constant 1 : i32
      %sub3A_78 = arith.subi %add3A_76, %sub3A_77 : i32
      %lt3A = arith.cmpi slt, %sub3A_78, %select_n3A_10 : i32
      %convert_element_type3A_79 = arith.extui %lt3A : i1 to i32
      %cond3A_80 = arith.constant 0 : i32
      %cond3A_81 = arith.cmpi ne, %convert_element_type3A_79, %cond3A_80 : i32
      scf.if %cond3A_81 {
        %add3A_130 = arith.constant 4 : i32
        %add3A_131 = arith.addi %add3A_69, %add3A_130 : i32
        %sub3A_132 = arith.constant 1 : i32
        %sub3A_133 = arith.subi %add3A_131, %sub3A_132 : i32
        %dma_start3A_134 = arith.constant 0 : i32
        %dma_start3A_135 = tpu.memref_slice %arg8[%sub3A_133, %dma_start3A_134] : memref<144x128xi32, #tpu.memory_space<vmem>> -> memref<1x128xi32, #tpu.memory_space<vmem>>
        %dma_start3A_136 = tpu.memref_squeeze %dma_start3A_135 : memref<1x128xi32, #tpu.memory_space<vmem>> -> memref<128xi32, #tpu.memory_space<vmem>>
        %dma_start3A_137 = arith.constant 0 : i32
        %dma_start3A_138 = arith.constant 0 : i32
        %dma_start3A_139 = tpu.memref_slice %arg2[%dma_start3A_137, %dma_start3A_138] : memref<10240x64xf32, #tpu.memory_space<hbm>> -> memref<10240x64xf32, #tpu.memory_space<hbm>>
        tpu.enqueue_indirect_dma source(%dma_start3A_139 : memref<10240x64xf32, #tpu.memory_space<hbm>>) target(%arg13 : memref<128x64xf32, #tpu.memory_space<vmem>>) offsets(%dma_start3A_136 : memref<128xi32, #tpu.memory_space<vmem>>) semaphore(%arg17 : memref<!tpu.dma_semaphore, #tpu.memory_space<semaphore_mem>>)
      } else {
      }
      %add3A_82 = arith.constant 1 : i32
      %add3A_83 = arith.addi %add3A_67, %add3A_82 : i32
      %dma_wait3A_84 = arith.constant 0 : i32
      %dma_wait3A_85 = tpu.memref_slice %arg8[%add3A_83, %dma_wait3A_84] : memref<144x128xi32, #tpu.memory_space<vmem>> -> memref<1x128xi32, #tpu.memory_space<vmem>>
      %dma_wait3A_86 = tpu.memref_squeeze %dma_wait3A_85 : memref<1x128xi32, #tpu.memory_space<vmem>> -> memref<128xi32, #tpu.memory_space<vmem>>
      %dma_wait3A_87 = arith.constant 0 : i32
      %dma_wait3A_88 = arith.constant 0 : i32
      %dma_wait3A_89 = tpu.memref_slice %arg2[%dma_wait3A_87, %dma_wait3A_88] : memref<10240x64xf32, #tpu.memory_space<hbm>> -> memref<10240x64xf32, #tpu.memory_space<hbm>>
      tpu.wait_indirect_dma semaphore(%arg15 : memref<!tpu.dma_semaphore, #tpu.memory_space<semaphore_mem>>) src(%dma_wait3A_89 : memref<10240x64xf32, #tpu.memory_space<hbm>>) dst(%arg11 : memref<128x64xf32, #tpu.memory_space<vmem>>)
      "tpu.region"() ({
        %run_scoped3A = tpu.sem_alloc : memref<!tpu.dma_semaphore, #tpu.memory_space<semaphore_mem>>
        %dma_start3A_130 = arith.constant 0 : i32
        %dma_start3A_131 = tpu.memref_slice %arg9[%add3A_83, %dma_start3A_130] : memref<144x128xi32, #tpu.memory_space<vmem>> -> memref<1x128xi32, #tpu.memory_space<vmem>>
        %dma_start3A_132 = tpu.memref_squeeze %dma_start3A_131 : memref<1x128xi32, #tpu.memory_space<vmem>> -> memref<128xi32, #tpu.memory_space<vmem>>
        %dma_start3A_133 = arith.constant 0 : i32
        %dma_start3A_134 = arith.constant 0 : i32
        %dma_start3A_135 = tpu.memref_slice %arg18[%dma_start3A_133, %dma_start3A_134] : memref<10240x64xf32, #tpu.memory_space<vmem_shared>> -> memref<10240x64xf32, #tpu.memory_space<vmem_shared>>
        tpu.enqueue_indirect_dma source(%arg11 : memref<128x64xf32, #tpu.memory_space<vmem>>) target(%dma_start3A_135 : memref<10240x64xf32, #tpu.memory_space<vmem_shared>>) offsets(%dma_start3A_132 : memref<128xi32, #tpu.memory_space<vmem>>) semaphore(%run_scoped3A : memref<!tpu.dma_semaphore, #tpu.memory_space<semaphore_mem>>) {add = true}
        %dma_wait3A_136 = arith.constant 0 : i32
        %dma_wait3A_137 = tpu.memref_slice %arg9[%add3A_83, %dma_wait3A_136] : memref<144x128xi32, #tpu.memory_space<vmem>> -> memref<1x128xi32, #tpu.memory_space<vmem>>
        %dma_wait3A_138 = tpu.memref_squeeze %dma_wait3A_137 : memref<1x128xi32, #tpu.memory_space<vmem>> -> memref<128xi32, #tpu.memory_space<vmem>>
        %dma_wait3A_139 = arith.constant 0 : i32
        %dma_wait3A_140 = arith.constant 0 : i32
        %dma_wait3A_141 = tpu.memref_slice %arg18[%dma_wait3A_139, %dma_wait3A_140] : memref<10240x64xf32, #tpu.memory_space<vmem_shared>> -> memref<10240x64xf32, #tpu.memory_space<vmem_shared>>
        tpu.wait_indirect_dma semaphore(%run_scoped3A : memref<!tpu.dma_semaphore, #tpu.memory_space<semaphore_mem>>) src(%arg11 : memref<128x64xf32, #tpu.memory_space<vmem>>) dst(%dma_wait3A_141 : memref<10240x64xf32, #tpu.memory_space<vmem_shared>>)
        tpu.yield
      }) : () -> ()
      %add3A_90 = arith.constant 4 : i32
      %add3A_91 = arith.addi %add3A_83, %add3A_90 : i32
      %sub3A_92 = arith.constant 1 : i32
      %sub3A_93 = arith.subi %add3A_91, %sub3A_92 : i32
      %lt3A_94 = arith.cmpi slt, %sub3A_93, %select_n3A_10 : i32
      %convert_element_type3A_95 = arith.extui %lt3A_94 : i1 to i32
      %cond3A_96 = arith.constant 0 : i32
      %cond3A_97 = arith.cmpi ne, %convert_element_type3A_95, %cond3A_96 : i32
      scf.if %cond3A_97 {
        %add3A_130 = arith.constant 4 : i32
        %add3A_131 = arith.addi %add3A_83, %add3A_130 : i32
        %sub3A_132 = arith.constant 1 : i32
        %sub3A_133 = arith.subi %add3A_131, %sub3A_132 : i32
        %dma_start3A_134 = arith.constant 0 : i32
        %dma_start3A_135 = tpu.memref_slice %arg8[%sub3A_133, %dma_start3A_134] : memref<144x128xi32, #tpu.memory_space<vmem>> -> memref<1x128xi32, #tpu.memory_space<vmem>>
        %dma_start3A_136 = tpu.memref_squeeze %dma_start3A_135 : memref<1x128xi32, #tpu.memory_space<vmem>> -> memref<128xi32, #tpu.memory_space<vmem>>
        %dma_start3A_137 = arith.constant 0 : i32
        %dma_start3A_138 = arith.constant 0 : i32
        %dma_start3A_139 = tpu.memref_slice %arg2[%dma_start3A_137, %dma_start3A_138] : memref<10240x64xf32, #tpu.memory_space<hbm>> -> memref<10240x64xf32, #tpu.memory_space<hbm>>
        tpu.enqueue_indirect_dma source(%dma_start3A_139 : memref<10240x64xf32, #tpu.memory_space<hbm>>) target(%arg10 : memref<128x64xf32, #tpu.memory_space<vmem>>) offsets(%dma_start3A_136 : memref<128xi32, #tpu.memory_space<vmem>>) semaphore(%arg14 : memref<!tpu.dma_semaphore, #tpu.memory_space<semaphore_mem>>)
      } else {
      }
      %add3A_98 = arith.constant 2 : i32
      %add3A_99 = arith.addi %add3A_67, %add3A_98 : i32
      %dma_wait3A_100 = arith.constant 0 : i32
      %dma_wait3A_101 = tpu.memref_slice %arg8[%add3A_99, %dma_wait3A_100] : memref<144x128xi32, #tpu.memory_space<vmem>> -> memref<1x128xi32, #tpu.memory_space<vmem>>
      %dma_wait3A_102 = tpu.memref_squeeze %dma_wait3A_101 : memref<1x128xi32, #tpu.memory_space<vmem>> -> memref<128xi32, #tpu.memory_space<vmem>>
      %dma_wait3A_103 = arith.constant 0 : i32
      %dma_wait3A_104 = arith.constant 0 : i32
      %dma_wait3A_105 = tpu.memref_slice %arg2[%dma_wait3A_103, %dma_wait3A_104] : memref<10240x64xf32, #tpu.memory_space<hbm>> -> memref<10240x64xf32, #tpu.memory_space<hbm>>
      tpu.wait_indirect_dma semaphore(%arg16 : memref<!tpu.dma_semaphore, #tpu.memory_space<semaphore_mem>>) src(%dma_wait3A_105 : memref<10240x64xf32, #tpu.memory_space<hbm>>) dst(%arg12 : memref<128x64xf32, #tpu.memory_space<vmem>>)
      "tpu.region"() ({
        %run_scoped3A = tpu.sem_alloc : memref<!tpu.dma_semaphore, #tpu.memory_space<semaphore_mem>>
        %dma_start3A_130 = arith.constant 0 : i32
        %dma_start3A_131 = tpu.memref_slice %arg9[%add3A_99, %dma_start3A_130] : memref<144x128xi32, #tpu.memory_space<vmem>> -> memref<1x128xi32, #tpu.memory_space<vmem>>
        %dma_start3A_132 = tpu.memref_squeeze %dma_start3A_131 : memref<1x128xi32, #tpu.memory_space<vmem>> -> memref<128xi32, #tpu.memory_space<vmem>>
        %dma_start3A_133 = arith.constant 0 : i32
        %dma_start3A_134 = arith.constant 0 : i32
        %dma_start3A_135 = tpu.memref_slice %arg18[%dma_start3A_133, %dma_start3A_134] : memref<10240x64xf32, #tpu.memory_space<vmem_shared>> -> memref<10240x64xf32, #tpu.memory_space<vmem_shared>>
        tpu.enqueue_indirect_dma source(%arg12 : memref<128x64xf32, #tpu.memory_space<vmem>>) target(%dma_start3A_135 : memref<10240x64xf32, #tpu.memory_space<vmem_shared>>) offsets(%dma_start3A_132 : memref<128xi32, #tpu.memory_space<vmem>>) semaphore(%run_scoped3A : memref<!tpu.dma_semaphore, #tpu.memory_space<semaphore_mem>>) {add = true}
        %dma_wait3A_136 = arith.constant 0 : i32
        %dma_wait3A_137 = tpu.memref_slice %arg9[%add3A_99, %dma_wait3A_136] : memref<144x128xi32, #tpu.memory_space<vmem>> -> memref<1x128xi32, #tpu.memory_space<vmem>>
        %dma_wait3A_138 = tpu.memref_squeeze %dma_wait3A_137 : memref<1x128xi32, #tpu.memory_space<vmem>> -> memref<128xi32, #tpu.memory_space<vmem>>
        %dma_wait3A_139 = arith.constant 0 : i32
        %dma_wait3A_140 = arith.constant 0 : i32
        %dma_wait3A_141 = tpu.memref_slice %arg18[%dma_wait3A_139, %dma_wait3A_140] : memref<10240x64xf32, #tpu.memory_space<vmem_shared>> -> memref<10240x64xf32, #tpu.memory_space<vmem_shared>>
        tpu.wait_indirect_dma semaphore(%run_scoped3A : memref<!tpu.dma_semaphore, #tpu.memory_space<semaphore_mem>>) src(%arg12 : memref<128x64xf32, #tpu.memory_space<vmem>>) dst(%dma_wait3A_141 : memref<10240x64xf32, #tpu.memory_space<vmem_shared>>)
        tpu.yield
      }) : () -> ()
      %add3A_106 = arith.constant 4 : i32
      %add3A_107 = arith.addi %add3A_99, %add3A_106 : i32
      %sub3A_108 = arith.constant 1 : i32
      %sub3A_109 = arith.subi %add3A_107, %sub3A_108 : i32
      %lt3A_110 = arith.cmpi slt, %sub3A_109, %select_n3A_10 : i32
      %convert_element_type3A_111 = arith.extui %lt3A_110 : i1 to i32
      %cond3A_112 = arith.constant 0 : i32
      %cond3A_113 = arith.cmpi ne, %convert_element_type3A_111, %cond3A_112 : i32
      scf.if %cond3A_113 {
        %add3A_130 = arith.constant 4 : i32
        %add3A_131 = arith.addi %add3A_99, %add3A_130 : i32
        %sub3A_132 = arith.constant 1 : i32
        %sub3A_133 = arith.subi %add3A_131, %sub3A_132 : i32
        %dma_start3A_134 = arith.constant 0 : i32
        %dma_start3A_135 = tpu.memref_slice %arg8[%sub3A_133, %dma_start3A_134] : memref<144x128xi32, #tpu.memory_space<vmem>> -> memref<1x128xi32, #tpu.memory_space<vmem>>
        %dma_start3A_136 = tpu.memref_squeeze %dma_start3A_135 : memref<1x128xi32, #tpu.memory_space<vmem>> -> memref<128xi32, #tpu.memory_space<vmem>>
        %dma_start3A_137 = arith.constant 0 : i32
        %dma_start3A_138 = arith.constant 0 : i32
        %dma_start3A_139 = tpu.memref_slice %arg2[%dma_start3A_137, %dma_start3A_138] : memref<10240x64xf32, #tpu.memory_space<hbm>> -> memref<10240x64xf32, #tpu.memory_space<hbm>>
        tpu.enqueue_indirect_dma source(%dma_start3A_139 : memref<10240x64xf32, #tpu.memory_space<hbm>>) target(%arg11 : memref<128x64xf32, #tpu.memory_space<vmem>>) offsets(%dma_start3A_136 : memref<128xi32, #tpu.memory_space<vmem>>) semaphore(%arg15 : memref<!tpu.dma_semaphore, #tpu.memory_space<semaphore_mem>>)
      } else {
      }
      %add3A_114 = arith.constant 3 : i32
      %add3A_115 = arith.addi %add3A_67, %add3A_114 : i32
      %dma_wait3A_116 = arith.constant 0 : i32
      %dma_wait3A_117 = tpu.memref_slice %arg8[%add3A_115, %dma_wait3A_116] : memref<144x128xi32, #tpu.memory_space<vmem>> -> memref<1x128xi32, #tpu.memory_space<vmem>>
      %dma_wait3A_118 = tpu.memref_squeeze %dma_wait3A_117 : memref<1x128xi32, #tpu.memory_space<vmem>> -> memref<128xi32, #tpu.memory_space<vmem>>
      %dma_wait3A_119 = arith.constant 0 : i32
      %dma_wait3A_120 = arith.constant 0 : i32
      %dma_wait3A_121 = tpu.memref_slice %arg2[%dma_wait3A_119, %dma_wait3A_120] : memref<10240x64xf32, #tpu.memory_space<hbm>> -> memref<10240x64xf32, #tpu.memory_space<hbm>>
      tpu.wait_indirect_dma semaphore(%arg17 : memref<!tpu.dma_semaphore, #tpu.memory_space<semaphore_mem>>) src(%dma_wait3A_121 : memref<10240x64xf32, #tpu.memory_space<hbm>>) dst(%arg13 : memref<128x64xf32, #tpu.memory_space<vmem>>)
      "tpu.region"() ({
        %run_scoped3A = tpu.sem_alloc : memref<!tpu.dma_semaphore, #tpu.memory_space<semaphore_mem>>
        %dma_start3A_130 = arith.constant 0 : i32
        %dma_start3A_131 = tpu.memref_slice %arg9[%add3A_115, %dma_start3A_130] : memref<144x128xi32, #tpu.memory_space<vmem>> -> memref<1x128xi32, #tpu.memory_space<vmem>>
        %dma_start3A_132 = tpu.memref_squeeze %dma_start3A_131 : memref<1x128xi32, #tpu.memory_space<vmem>> -> memref<128xi32, #tpu.memory_space<vmem>>
        %dma_start3A_133 = arith.constant 0 : i32
        %dma_start3A_134 = arith.constant 0 : i32
        %dma_start3A_135 = tpu.memref_slice %arg18[%dma_start3A_133, %dma_start3A_134] : memref<10240x64xf32, #tpu.memory_space<vmem_shared>> -> memref<10240x64xf32, #tpu.memory_space<vmem_shared>>
        tpu.enqueue_indirect_dma source(%arg13 : memref<128x64xf32, #tpu.memory_space<vmem>>) target(%dma_start3A_135 : memref<10240x64xf32, #tpu.memory_space<vmem_shared>>) offsets(%dma_start3A_132 : memref<128xi32, #tpu.memory_space<vmem>>) semaphore(%run_scoped3A : memref<!tpu.dma_semaphore, #tpu.memory_space<semaphore_mem>>) {add = true}
        %dma_wait3A_136 = arith.constant 0 : i32
        %dma_wait3A_137 = tpu.memref_slice %arg9[%add3A_115, %dma_wait3A_136] : memref<144x128xi32, #tpu.memory_space<vmem>> -> memref<1x128xi32, #tpu.memory_space<vmem>>
        %dma_wait3A_138 = tpu.memref_squeeze %dma_wait3A_137 : memref<1x128xi32, #tpu.memory_space<vmem>> -> memref<128xi32, #tpu.memory_space<vmem>>
        %dma_wait3A_139 = arith.constant 0 : i32
        %dma_wait3A_140 = arith.constant 0 : i32
        %dma_wait3A_141 = tpu.memref_slice %arg18[%dma_wait3A_139, %dma_wait3A_140] : memref<10240x64xf32, #tpu.memory_space<vmem_shared>> -> memref<10240x64xf32, #tpu.memory_space<vmem_shared>>
        tpu.wait_indirect_dma semaphore(%run_scoped3A : memref<!tpu.dma_semaphore, #tpu.memory_space<semaphore_mem>>) src(%arg13 : memref<128x64xf32, #tpu.memory_space<vmem>>) dst(%dma_wait3A_141 : memref<10240x64xf32, #tpu.memory_space<vmem_shared>>)
        tpu.yield
      }) : () -> ()
      %add3A_122 = arith.constant 4 : i32
      %add3A_123 = arith.addi %add3A_115, %add3A_122 : i32
      %sub3A_124 = arith.constant 1 : i32
      %sub3A_125 = arith.subi %add3A_123, %sub3A_124 : i32
      %lt3A_126 = arith.cmpi slt, %sub3A_125, %select_n3A_10 : i32
      %convert_element_type3A_127 = arith.extui %lt3A_126 : i1 to i32
      %cond3A_128 = arith.constant 0 : i32
      %cond3A_129 = arith.cmpi ne, %convert_element_type3A_127, %cond3A_128 : i32
      scf.if %cond3A_129 {
        %add3A_130 = arith.constant 4 : i32
        %add3A_131 = arith.addi %add3A_115, %add3A_130 : i32
        %sub3A_132 = arith.constant 1 : i32
        %sub3A_133 = arith.subi %add3A_131, %sub3A_132 : i32
        %dma_start3A_134 = arith.constant 0 : i32
        %dma_start3A_135 = tpu.memref_slice %arg8[%sub3A_133, %dma_start3A_134] : memref<144x128xi32, #tpu.memory_space<vmem>> -> memref<1x128xi32, #tpu.memory_space<vmem>>
        %dma_start3A_136 = tpu.memref_squeeze %dma_start3A_135 : memref<1x128xi32, #tpu.memory_space<vmem>> -> memref<128xi32, #tpu.memory_space<vmem>>
        %dma_start3A_137 = arith.constant 0 : i32
        %dma_start3A_138 = arith.constant 0 : i32
        %dma_start3A_139 = tpu.memref_slice %arg2[%dma_start3A_137, %dma_start3A_138] : memref<10240x64xf32, #tpu.memory_space<hbm>> -> memref<10240x64xf32, #tpu.memory_space<hbm>>
        tpu.enqueue_indirect_dma source(%dma_start3A_139 : memref<10240x64xf32, #tpu.memory_space<hbm>>) target(%arg12 : memref<128x64xf32, #tpu.memory_space<vmem>>) offsets(%dma_start3A_136 : memref<128xi32, #tpu.memory_space<vmem>>) semaphore(%arg16 : memref<!tpu.dma_semaphore, #tpu.memory_space<semaphore_mem>>)
      } else {
      }
    }
    %while3A_53 = arith.constant 1 : i32
    scf.for %while3A_65 = %while3A_51 to %while3A_47 step %while3A_53  : i32 {
      %mul3A_66 = arith.muli %while3A_65, %while3A : i32
      %add3A_67 = arith.addi %while3A_44, %mul3A_66 : i32
      %add3A_68 = arith.constant 0 : i32
      %add3A_69 = arith.addi %add3A_67, %add3A_68 : i32
      %dma_wait3A = arith.constant 0 : i32
      %dma_wait3A_70 = tpu.memref_slice %arg8[%add3A_69, %dma_wait3A] : memref<144x128xi32, #tpu.memory_space<vmem>> -> memref<1x128xi32, #tpu.memory_space<vmem>>
      %dma_wait3A_71 = tpu.memref_squeeze %dma_wait3A_70 : memref<1x128xi32, #tpu.memory_space<vmem>> -> memref<128xi32, #tpu.memory_space<vmem>>
      %dma_wait3A_72 = arith.constant 0 : i32
      %dma_wait3A_73 = arith.constant 0 : i32
      %dma_wait3A_74 = tpu.memref_slice %arg2[%dma_wait3A_72, %dma_wait3A_73] : memref<10240x64xf32, #tpu.memory_space<hbm>> -> memref<10240x64xf32, #tpu.memory_space<hbm>>
      tpu.wait_indirect_dma semaphore(%arg14 : memref<!tpu.dma_semaphore, #tpu.memory_space<semaphore_mem>>) src(%dma_wait3A_74 : memref<10240x64xf32, #tpu.memory_space<hbm>>) dst(%arg10 : memref<128x64xf32, #tpu.memory_space<vmem>>)
      "tpu.region"() ({
        %run_scoped3A = tpu.sem_alloc : memref<!tpu.dma_semaphore, #tpu.memory_space<semaphore_mem>>
        %dma_start3A_130 = arith.constant 0 : i32
        %dma_start3A_131 = tpu.memref_slice %arg9[%add3A_69, %dma_start3A_130] : memref<144x128xi32, #tpu.memory_space<vmem>> -> memref<1x128xi32, #tpu.memory_space<vmem>>
        %dma_start3A_132 = tpu.memref_squeeze %dma_start3A_131 : memref<1x128xi32, #tpu.memory_space<vmem>> -> memref<128xi32, #tpu.memory_space<vmem>>
        %dma_start3A_133 = arith.constant 0 : i32
        %dma_start3A_134 = arith.constant 0 : i32
        %dma_start3A_135 = tpu.memref_slice %arg18[%dma_start3A_133, %dma_start3A_134] : memref<10240x64xf32, #tpu.memory_space<vmem_shared>> -> memref<10240x64xf32, #tpu.memory_space<vmem_shared>>
        tpu.enqueue_indirect_dma source(%arg10 : memref<128x64xf32, #tpu.memory_space<vmem>>) target(%dma_start3A_135 : memref<10240x64xf32, #tpu.memory_space<vmem_shared>>) offsets(%dma_start3A_132 : memref<128xi32, #tpu.memory_space<vmem>>) semaphore(%run_scoped3A : memref<!tpu.dma_semaphore, #tpu.memory_space<semaphore_mem>>) {add = true}
        %dma_wait3A_136 = arith.constant 0 : i32
        %dma_wait3A_137 = tpu.memref_slice %arg9[%add3A_69, %dma_wait3A_136] : memref<144x128xi32, #tpu.memory_space<vmem>> -> memref<1x128xi32, #tpu.memory_space<vmem>>
        %dma_wait3A_138 = tpu.memref_squeeze %dma_wait3A_137 : memref<1x128xi32, #tpu.memory_space<vmem>> -> memref<128xi32, #tpu.memory_space<vmem>>
        %dma_wait3A_139 = arith.constant 0 : i32
        %dma_wait3A_140 = arith.constant 0 : i32
        %dma_wait3A_141 = tpu.memref_slice %arg18[%dma_wait3A_139, %dma_wait3A_140] : memref<10240x64xf32, #tpu.memory_space<vmem_shared>> -> memref<10240x64xf32, #tpu.memory_space<vmem_shared>>
        tpu.wait_indirect_dma semaphore(%run_scoped3A : memref<!tpu.dma_semaphore, #tpu.memory_space<semaphore_mem>>) src(%arg10 : memref<128x64xf32, #tpu.memory_space<vmem>>) dst(%dma_wait3A_141 : memref<10240x64xf32, #tpu.memory_space<vmem_shared>>)
        tpu.yield
      }) : () -> ()
      %add3A_75 = arith.constant 4 : i32
      %add3A_76 = arith.addi %add3A_69, %add3A_75 : i32
      %sub3A_77 = arith.constant 1 : i32
      %sub3A_78 = arith.subi %add3A_76, %sub3A_77 : i32
      %lt3A = arith.cmpi slt, %sub3A_78, %select_n3A_10 : i32
      %convert_element_type3A_79 = arith.extui %lt3A : i1 to i32
      %cond3A_80 = arith.constant 0 : i32
      %cond3A_81 = arith.cmpi ne, %convert_element_type3A_79, %cond3A_80 : i32
      scf.if %cond3A_81 {
        %add3A_130 = arith.constant 4 : i32
        %add3A_131 = arith.addi %add3A_69, %add3A_130 : i32
        %sub3A_132 = arith.constant 1 : i32
        %sub3A_133 = arith.subi %add3A_131, %sub3A_132 : i32
        %dma_start3A_134 = arith.constant 0 : i32
        %dma_start3A_135 = tpu.memref_slice %arg8[%sub3A_133, %dma_start3A_134] : memref<144x128xi32, #tpu.memory_space<vmem>> -> memref<1x128xi32, #tpu.memory_space<vmem>>
        %dma_start3A_136 = tpu.memref_squeeze %dma_start3A_135 : memref<1x128xi32, #tpu.memory_space<vmem>> -> memref<128xi32, #tpu.memory_space<vmem>>
        %dma_start3A_137 = arith.constant 0 : i32
        %dma_start3A_138 = arith.constant 0 : i32
        %dma_start3A_139 = tpu.memref_slice %arg2[%dma_start3A_137, %dma_start3A_138] : memref<10240x64xf32, #tpu.memory_space<hbm>> -> memref<10240x64xf32, #tpu.memory_space<hbm>>
        tpu.enqueue_indirect_dma source(%dma_start3A_139 : memref<10240x64xf32, #tpu.memory_space<hbm>>) target(%arg13 : memref<128x64xf32, #tpu.memory_space<vmem>>) offsets(%dma_start3A_136 : memref<128xi32, #tpu.memory_space<vmem>>) semaphore(%arg17 : memref<!tpu.dma_semaphore, #tpu.memory_space<semaphore_mem>>)
      } else {
      }
      %add3A_82 = arith.constant 1 : i32
      %add3A_83 = arith.addi %add3A_67, %add3A_82 : i32
      %dma_wait3A_84 = arith.constant 0 : i32
      %dma_wait3A_85 = tpu.memref_slice %arg8[%add3A_83, %dma_wait3A_84] : memref<144x128xi32, #tpu.memory_space<vmem>> -> memref<1x128xi32, #tpu.memory_space<vmem>>
      %dma_wait3A_86 = tpu.memref_squeeze %dma_wait3A_85 : memref<1x128xi32, #tpu.memory_space<vmem>> -> memref<128xi32, #tpu.memory_space<vmem>>
      %dma_wait3A_87 = arith.constant 0 : i32
      %dma_wait3A_88 = arith.constant 0 : i32
      %dma_wait3A_89 = tpu.memref_slice %arg2[%dma_wait3A_87, %dma_wait3A_88] : memref<10240x64xf32, #tpu.memory_space<hbm>> -> memref<10240x64xf32, #tpu.memory_space<hbm>>
      tpu.wait_indirect_dma semaphore(%arg15 : memref<!tpu.dma_semaphore, #tpu.memory_space<semaphore_mem>>) src(%dma_wait3A_89 : memref<10240x64xf32, #tpu.memory_space<hbm>>) dst(%arg11 : memref<128x64xf32, #tpu.memory_space<vmem>>)
      "tpu.region"() ({
        %run_scoped3A = tpu.sem_alloc : memref<!tpu.dma_semaphore, #tpu.memory_space<semaphore_mem>>
        %dma_start3A_130 = arith.constant 0 : i32
        %dma_start3A_131 = tpu.memref_slice %arg9[%add3A_83, %dma_start3A_130] : memref<144x128xi32, #tpu.memory_space<vmem>> -> memref<1x128xi32, #tpu.memory_space<vmem>>
        %dma_start3A_132 = tpu.memref_squeeze %dma_start3A_131 : memref<1x128xi32, #tpu.memory_space<vmem>> -> memref<128xi32, #tpu.memory_space<vmem>>
        %dma_start3A_133 = arith.constant 0 : i32
        %dma_start3A_134 = arith.constant 0 : i32
        %dma_start3A_135 = tpu.memref_slice %arg18[%dma_start3A_133, %dma_start3A_134] : memref<10240x64xf32, #tpu.memory_space<vmem_shared>> -> memref<10240x64xf32, #tpu.memory_space<vmem_shared>>
        tpu.enqueue_indirect_dma source(%arg11 : memref<128x64xf32, #tpu.memory_space<vmem>>) target(%dma_start3A_135 : memref<10240x64xf32, #tpu.memory_space<vmem_shared>>) offsets(%dma_start3A_132 : memref<128xi32, #tpu.memory_space<vmem>>) semaphore(%run_scoped3A : memref<!tpu.dma_semaphore, #tpu.memory_space<semaphore_mem>>) {add = true}
        %dma_wait3A_136 = arith.constant 0 : i32
        %dma_wait3A_137 = tpu.memref_slice %arg9[%add3A_83, %dma_wait3A_136] : memref<144x128xi32, #tpu.memory_space<vmem>> -> memref<1x128xi32, #tpu.memory_space<vmem>>
        %dma_wait3A_138 = tpu.memref_squeeze %dma_wait3A_137 : memref<1x128xi32, #tpu.memory_space<vmem>> -> memref<128xi32, #tpu.memory_space<vmem>>
        %dma_wait3A_139 = arith.constant 0 : i32
        %dma_wait3A_140 = arith.constant 0 : i32
        %dma_wait3A_141 = tpu.memref_slice %arg18[%dma_wait3A_139, %dma_wait3A_140] : memref<10240x64xf32, #tpu.memory_space<vmem_shared>> -> memref<10240x64xf32, #tpu.memory_space<vmem_shared>>
        tpu.wait_indirect_dma semaphore(%run_scoped3A : memref<!tpu.dma_semaphore, #tpu.memory_space<semaphore_mem>>) src(%arg11 : memref<128x64xf32, #tpu.memory_space<vmem>>) dst(%dma_wait3A_141 : memref<10240x64xf32, #tpu.memory_space<vmem_shared>>)
        tpu.yield
      }) : () -> ()
      %add3A_90 = arith.constant 4 : i32
      %add3A_91 = arith.addi %add3A_83, %add3A_90 : i32
      %sub3A_92 = arith.constant 1 : i32
      %sub3A_93 = arith.subi %add3A_91, %sub3A_92 : i32
      %lt3A_94 = arith.cmpi slt, %sub3A_93, %select_n3A_10 : i32
      %convert_element_type3A_95 = arith.extui %lt3A_94 : i1 to i32
      %cond3A_96 = arith.constant 0 : i32
      %cond3A_97 = arith.cmpi ne, %convert_element_type3A_95, %cond3A_96 : i32
      scf.if %cond3A_97 {
        %add3A_130 = arith.constant 4 : i32
        %add3A_131 = arith.addi %add3A_83, %add3A_130 : i32
        %sub3A_132 = arith.constant 1 : i32
        %sub3A_133 = arith.subi %add3A_131, %sub3A_132 : i32
        %dma_start3A_134 = arith.constant 0 : i32
        %dma_start3A_135 = tpu.memref_slice %arg8[%sub3A_133, %dma_start3A_134] : memref<144x128xi32, #tpu.memory_space<vmem>> -> memref<1x128xi32, #tpu.memory_space<vmem>>
        %dma_start3A_136 = tpu.memref_squeeze %dma_start3A_135 : memref<1x128xi32, #tpu.memory_space<vmem>> -> memref<128xi32, #tpu.memory_space<vmem>>
        %dma_start3A_137 = arith.constant 0 : i32
        %dma_start3A_138 = arith.constant 0 : i32
        %dma_start3A_139 = tpu.memref_slice %arg2[%dma_start3A_137, %dma_start3A_138] : memref<10240x64xf32, #tpu.memory_space<hbm>> -> memref<10240x64xf32, #tpu.memory_space<hbm>>
        tpu.enqueue_indirect_dma source(%dma_start3A_139 : memref<10240x64xf32, #tpu.memory_space<hbm>>) target(%arg10 : memref<128x64xf32, #tpu.memory_space<vmem>>) offsets(%dma_start3A_136 : memref<128xi32, #tpu.memory_space<vmem>>) semaphore(%arg14 : memref<!tpu.dma_semaphore, #tpu.memory_space<semaphore_mem>>)
      } else {
      }
      %add3A_98 = arith.constant 2 : i32
      %add3A_99 = arith.addi %add3A_67, %add3A_98 : i32
      %dma_wait3A_100 = arith.constant 0 : i32
      %dma_wait3A_101 = tpu.memref_slice %arg8[%add3A_99, %dma_wait3A_100] : memref<144x128xi32, #tpu.memory_space<vmem>> -> memref<1x128xi32, #tpu.memory_space<vmem>>
      %dma_wait3A_102 = tpu.memref_squeeze %dma_wait3A_101 : memref<1x128xi32, #tpu.memory_space<vmem>> -> memref<128xi32, #tpu.memory_space<vmem>>
      %dma_wait3A_103 = arith.constant 0 : i32
      %dma_wait3A_104 = arith.constant 0 : i32
      %dma_wait3A_105 = tpu.memref_slice %arg2[%dma_wait3A_103, %dma_wait3A_104] : memref<10240x64xf32, #tpu.memory_space<hbm>> -> memref<10240x64xf32, #tpu.memory_space<hbm>>
      tpu.wait_indirect_dma semaphore(%arg16 : memref<!tpu.dma_semaphore, #tpu.memory_space<semaphore_mem>>) src(%dma_wait3A_105 : memref<10240x64xf32, #tpu.memory_space<hbm>>) dst(%arg12 : memref<128x64xf32, #tpu.memory_space<vmem>>)
      "tpu.region"() ({
        %run_scoped3A = tpu.sem_alloc : memref<!tpu.dma_semaphore, #tpu.memory_space<semaphore_mem>>
        %dma_start3A_130 = arith.constant 0 : i32
        %dma_start3A_131 = tpu.memref_slice %arg9[%add3A_99, %dma_start3A_130] : memref<144x128xi32, #tpu.memory_space<vmem>> -> memref<1x128xi32, #tpu.memory_space<vmem>>
        %dma_start3A_132 = tpu.memref_squeeze %dma_start3A_131 : memref<1x128xi32, #tpu.memory_space<vmem>> -> memref<128xi32, #tpu.memory_space<vmem>>
        %dma_start3A_133 = arith.constant 0 : i32
        %dma_start3A_134 = arith.constant 0 : i32
        %dma_start3A_135 = tpu.memref_slice %arg18[%dma_start3A_133, %dma_start3A_134] : memref<10240x64xf32, #tpu.memory_space<vmem_shared>> -> memref<10240x64xf32, #tpu.memory_space<vmem_shared>>
        tpu.enqueue_indirect_dma source(%arg12 : memref<128x64xf32, #tpu.memory_space<vmem>>) target(%dma_start3A_135 : memref<10240x64xf32, #tpu.memory_space<vmem_shared>>) offsets(%dma_start3A_132 : memref<128xi32, #tpu.memory_space<vmem>>) semaphore(%run_scoped3A : memref<!tpu.dma_semaphore, #tpu.memory_space<semaphore_mem>>) {add = true}
        %dma_wait3A_136 = arith.constant 0 : i32
        %dma_wait3A_137 = tpu.memref_slice %arg9[%add3A_99, %dma_wait3A_136] : memref<144x128xi32, #tpu.memory_space<vmem>> -> memref<1x128xi32, #tpu.memory_space<vmem>>
        %dma_wait3A_138 = tpu.memref_squeeze %dma_wait3A_137 : memref<1x128xi32, #tpu.memory_space<vmem>> -> memref<128xi32, #tpu.memory_space<vmem>>
        %dma_wait3A_139 = arith.constant 0 : i32
        %dma_wait3A_140 = arith.constant 0 : i32
        %dma_wait3A_141 = tpu.memref_slice %arg18[%dma_wait3A_139, %dma_wait3A_140] : memref<10240x64xf32, #tpu.memory_space<vmem_shared>> -> memref<10240x64xf32, #tpu.memory_space<vmem_shared>>
        tpu.wait_indirect_dma semaphore(%run_scoped3A : memref<!tpu.dma_semaphore, #tpu.memory_space<semaphore_mem>>) src(%arg12 : memref<128x64xf32, #tpu.memory_space<vmem>>) dst(%dma_wait3A_141 : memref<10240x64xf32, #tpu.memory_space<vmem_shared>>)
        tpu.yield
      }) : () -> ()
      %add3A_106 = arith.constant 4 : i32
      %add3A_107 = arith.addi %add3A_99, %add3A_106 : i32
      %sub3A_108 = arith.constant 1 : i32
      %sub3A_109 = arith.subi %add3A_107, %sub3A_108 : i32
      %lt3A_110 = arith.cmpi slt, %sub3A_109, %select_n3A_10 : i32
      %convert_element_type3A_111 = arith.extui %lt3A_110 : i1 to i32
      %cond3A_112 = arith.constant 0 : i32
      %cond3A_113 = arith.cmpi ne, %convert_element_type3A_111, %cond3A_112 : i32
      scf.if %cond3A_113 {
        %add3A_130 = arith.constant 4 : i32
        %add3A_131 = arith.addi %add3A_99, %add3A_130 : i32
        %sub3A_132 = arith.constant 1 : i32
        %sub3A_133 = arith.subi %add3A_131, %sub3A_132 : i32
        %dma_start3A_134 = arith.constant 0 : i32
        %dma_start3A_135 = tpu.memref_slice %arg8[%sub3A_133, %dma_start3A_134] : memref<144x128xi32, #tpu.memory_space<vmem>> -> memref<1x128xi32, #tpu.memory_space<vmem>>
        %dma_start3A_136 = tpu.memref_squeeze %dma_start3A_135 : memref<1x128xi32, #tpu.memory_space<vmem>> -> memref<128xi32, #tpu.memory_space<vmem>>
        %dma_start3A_137 = arith.constant 0 : i32
        %dma_start3A_138 = arith.constant 0 : i32
        %dma_start3A_139 = tpu.memref_slice %arg2[%dma_start3A_137, %dma_start3A_138] : memref<10240x64xf32, #tpu.memory_space<hbm>> -> memref<10240x64xf32, #tpu.memory_space<hbm>>
        tpu.enqueue_indirect_dma source(%dma_start3A_139 : memref<10240x64xf32, #tpu.memory_space<hbm>>) target(%arg11 : memref<128x64xf32, #tpu.memory_space<vmem>>) offsets(%dma_start3A_136 : memref<128xi32, #tpu.memory_space<vmem>>) semaphore(%arg15 : memref<!tpu.dma_semaphore, #tpu.memory_space<semaphore_mem>>)
      } else {
      }
      %add3A_114 = arith.constant 3 : i32
      %add3A_115 = arith.addi %add3A_67, %add3A_114 : i32
      %dma_wait3A_116 = arith.constant 0 : i32
      %dma_wait3A_117 = tpu.memref_slice %arg8[%add3A_115, %dma_wait3A_116] : memref<144x128xi32, #tpu.memory_space<vmem>> -> memref<1x128xi32, #tpu.memory_space<vmem>>
      %dma_wait3A_118 = tpu.memref_squeeze %dma_wait3A_117 : memref<1x128xi32, #tpu.memory_space<vmem>> -> memref<128xi32, #tpu.memory_space<vmem>>
      %dma_wait3A_119 = arith.constant 0 : i32
      %dma_wait3A_120 = arith.constant 0 : i32
      %dma_wait3A_121 = tpu.memref_slice %arg2[%dma_wait3A_119, %dma_wait3A_120] : memref<10240x64xf32, #tpu.memory_space<hbm>> -> memref<10240x64xf32, #tpu.memory_space<hbm>>
      tpu.wait_indirect_dma semaphore(%arg17 : memref<!tpu.dma_semaphore, #tpu.memory_space<semaphore_mem>>) src(%dma_wait3A_121 : memref<10240x64xf32, #tpu.memory_space<hbm>>) dst(%arg13 : memref<128x64xf32, #tpu.memory_space<vmem>>)
      "tpu.region"() ({
        %run_scoped3A = tpu.sem_alloc : memref<!tpu.dma_semaphore, #tpu.memory_space<semaphore_mem>>
        %dma_start3A_130 = arith.constant 0 : i32
        %dma_start3A_131 = tpu.memref_slice %arg9[%add3A_115, %dma_start3A_130] : memref<144x128xi32, #tpu.memory_space<vmem>> -> memref<1x128xi32, #tpu.memory_space<vmem>>
        %dma_start3A_132 = tpu.memref_squeeze %dma_start3A_131 : memref<1x128xi32, #tpu.memory_space<vmem>> -> memref<128xi32, #tpu.memory_space<vmem>>
        %dma_start3A_133 = arith.constant 0 : i32
        %dma_start3A_134 = arith.constant 0 : i32
        %dma_start3A_135 = tpu.memref_slice %arg18[%dma_start3A_133, %dma_start3A_134] : memref<10240x64xf32, #tpu.memory_space<vmem_shared>> -> memref<10240x64xf32, #tpu.memory_space<vmem_shared>>
        tpu.enqueue_indirect_dma source(%arg13 : memref<128x64xf32, #tpu.memory_space<vmem>>) target(%dma_start3A_135 : memref<10240x64xf32, #tpu.memory_space<vmem_shared>>) offsets(%dma_start3A_132 : memref<128xi32, #tpu.memory_space<vmem>>) semaphore(%run_scoped3A : memref<!tpu.dma_semaphore, #tpu.memory_space<semaphore_mem>>) {add = true}
        %dma_wait3A_136 = arith.constant 0 : i32
        %dma_wait3A_137 = tpu.memref_slice %arg9[%add3A_115, %dma_wait3A_136] : memref<144x128xi32, #tpu.memory_space<vmem>> -> memref<1x128xi32, #tpu.memory_space<vmem>>
        %dma_wait3A_138 = tpu.memref_squeeze %dma_wait3A_137 : memref<1x128xi32, #tpu.memory_space<vmem>> -> memref<128xi32, #tpu.memory_space<vmem>>
        %dma_wait3A_139 = arith.constant 0 : i32
        %dma_wait3A_140 = arith.constant 0 : i32
        %dma_wait3A_141 = tpu.memref_slice %arg18[%dma_wait3A_139, %dma_wait3A_140] : memref<10240x64xf32, #tpu.memory_space<vmem_shared>> -> memref<10240x64xf32, #tpu.memory_space<vmem_shared>>
        tpu.wait_indirect_dma semaphore(%run_scoped3A : memref<!tpu.dma_semaphore, #tpu.memory_space<semaphore_mem>>) src(%arg13 : memref<128x64xf32, #tpu.memory_space<vmem>>) dst(%dma_wait3A_141 : memref<10240x64xf32, #tpu.memory_space<vmem_shared>>)
        tpu.yield
      }) : () -> ()
      %add3A_122 = arith.constant 4 : i32
      %add3A_123 = arith.addi %add3A_115, %add3A_122 : i32
      %sub3A_124 = arith.constant 1 : i32
      %sub3A_125 = arith.subi %add3A_123, %sub3A_124 : i32
      %lt3A_126 = arith.cmpi slt, %sub3A_125, %select_n3A_10 : i32
      %convert_element_type3A_127 = arith.extui %lt3A_126 : i1 to i32
      %cond3A_128 = arith.constant 0 : i32
      %cond3A_129 = arith.cmpi ne, %convert_element_type3A_127, %cond3A_128 : i32
      scf.if %cond3A_129 {
        %add3A_130 = arith.constant 4 : i32
        %add3A_131 = arith.addi %add3A_115, %add3A_130 : i32
        %sub3A_132 = arith.constant 1 : i32
        %sub3A_133 = arith.subi %add3A_131, %sub3A_132 : i32
        %dma_start3A_134 = arith.constant 0 : i32
        %dma_start3A_135 = tpu.memref_slice %arg8[%sub3A_133, %dma_start3A_134] : memref<144x128xi32, #tpu.memory_space<vmem>> -> memref<1x128xi32, #tpu.memory_space<vmem>>
        %dma_start3A_136 = tpu.memref_squeeze %dma_start3A_135 : memref<1x128xi32, #tpu.memory_space<vmem>> -> memref<128xi32, #tpu.memory_space<vmem>>
        %dma_start3A_137 = arith.constant 0 : i32
        %dma_start3A_138 = arith.constant 0 : i32
        %dma_start3A_139 = tpu.memref_slice %arg2[%dma_start3A_137, %dma_start3A_138] : memref<10240x64xf32, #tpu.memory_space<hbm>> -> memref<10240x64xf32, #tpu.memory_space<hbm>>
        tpu.enqueue_indirect_dma source(%dma_start3A_139 : memref<10240x64xf32, #tpu.memory_space<hbm>>) target(%arg12 : memref<128x64xf32, #tpu.memory_space<vmem>>) offsets(%dma_start3A_136 : memref<128xi32, #tpu.memory_space<vmem>>) semaphore(%arg16 : memref<!tpu.dma_semaphore, #tpu.memory_space<semaphore_mem>>)
      } else {
      }
    }
    %barrier3A_54 = arith.constant 0 : index
    tpu.barrier barrier_id(%barrier3A_54)
    %eq3A_55 = arith.constant 0 : i32
    %eq3A_56 = arith.cmpi eq, %arg0, %eq3A_55 : i32
    %convert_element_type3A_57 = arith.extui %eq3A_56 : i1 to i32
    %cond3A_58 = arith.constant 0 : i32
    %cond3A_59 = arith.cmpi ne, %convert_element_type3A_57, %cond3A_58 : i32
    scf.if %cond3A_59 {
      "tpu.region"() ({
        %run_scoped3A = tpu.sem_alloc : memref<!tpu.dma_semaphore, #tpu.memory_space<semaphore_mem>>
        %dma_start3A_65 = arith.constant 0 : i32
        %dma_start3A_66 = tpu.memref_slice %arg6[%mul3A_0, %dma_start3A_65] : memref<10240x64xf32, #tpu.memory_space<hbm>> -> memref<640x64xf32, #tpu.memory_space<hbm>>
        %dma_start3A_67 = arith.constant 0 : i32
        %dma_start3A_68 = tpu.memref_slice %arg18[%mul3A_0, %dma_start3A_67] : memref<10240x64xf32, #tpu.memory_space<vmem_shared>> -> memref<640x64xf32, #tpu.memory_space<vmem_shared>>
        tpu.enqueue_dma source(%dma_start3A_68 : memref<640x64xf32, #tpu.memory_space<vmem_shared>>) target(%dma_start3A_66 : memref<640x64xf32, #tpu.memory_space<hbm>>) target_semaphore(%run_scoped3A : memref<!tpu.dma_semaphore, #tpu.memory_space<semaphore_mem>>)
        %dma_wait3A = arith.constant 0 : i32
        %dma_wait3A_69 = tpu.memref_slice %arg6[%mul3A_0, %dma_wait3A] : memref<10240x64xf32, #tpu.memory_space<hbm>> -> memref<640x64xf32, #tpu.memory_space<hbm>>
        %dma_wait3A_70 = arith.constant 0 : i32
        %dma_wait3A_71 = tpu.memref_slice %arg18[%mul3A_0, %dma_wait3A_70] : memref<10240x64xf32, #tpu.memory_space<vmem_shared>> -> memref<640x64xf32, #tpu.memory_space<vmem_shared>>
        tpu.wait_dma2 semaphore(%run_scoped3A : memref<!tpu.dma_semaphore, #tpu.memory_space<semaphore_mem>>) src(%dma_wait3A_71 : memref<640x64xf32, #tpu.memory_space<vmem_shared>>) dst(%dma_wait3A_69 : memref<640x64xf32, #tpu.memory_space<hbm>>)
        tpu.yield
      }) : () -> ()
    } else {
    }
    %ne3A_60 = arith.constant 0 : i32
    %ne3A_61 = arith.cmpi ne, %arg0, %ne3A_60 : i32
    %convert_element_type3A_62 = arith.extui %ne3A_61 : i1 to i32
    %cond3A_63 = arith.constant 0 : i32
    %cond3A_64 = arith.cmpi ne, %convert_element_type3A_62, %cond3A_63 : i32
    scf.if %cond3A_64 {
      "tpu.region"() ({
        %run_scoped3A = tpu.sem_alloc : memref<!tpu.dma_semaphore, #tpu.memory_space<semaphore_mem>>
        %dma_start3A_65 = arith.constant 0 : i32
        %dma_start3A_66 = tpu.memref_slice %arg7[%mul3A_0, %dma_start3A_65] : memref<10240x64xf32, #tpu.memory_space<hbm>> -> memref<640x64xf32, #tpu.memory_space<hbm>>
        %dma_start3A_67 = arith.constant 0 : i32
        %dma_start3A_68 = tpu.memref_slice %arg18[%mul3A_0, %dma_start3A_67] : memref<10240x64xf32, #tpu.memory_space<vmem_shared>> -> memref<640x64xf32, #tpu.memory_space<vmem_shared>>
        tpu.enqueue_dma source(%dma_start3A_68 : memref<640x64xf32, #tpu.memory_space<vmem_shared>>) target(%dma_start3A_66 : memref<640x64xf32, #tpu.memory_space<hbm>>) target_semaphore(%run_scoped3A : memref<!tpu.dma_semaphore, #tpu.memory_space<semaphore_mem>>)
        %dma_wait3A = arith.constant 0 : i32
        %dma_wait3A_69 = tpu.memref_slice %arg7[%mul3A_0, %dma_wait3A] : memref<10240x64xf32, #tpu.memory_space<hbm>> -> memref<640x64xf32, #tpu.memory_space<hbm>>
        %dma_wait3A_70 = arith.constant 0 : i32
        %dma_wait3A_71 = tpu.memref_slice %arg18[%mul3A_0, %dma_wait3A_70] : memref<10240x64xf32, #tpu.memory_space<vmem_shared>> -> memref<640x64xf32, #tpu.memory_space<vmem_shared>>
        tpu.wait_dma2 semaphore(%run_scoped3A : memref<!tpu.dma_semaphore, #tpu.memory_space<semaphore_mem>>) src(%dma_wait3A_71 : memref<640x64xf32, #tpu.memory_space<vmem_shared>>) dst(%dma_wait3A_69 : memref<640x64xf32, #tpu.memory_space<hbm>>)
        tpu.yield
      }) : () -> ()
    } else {
    }
    return
  }
}

module attributes {stable_mosaic.version = 14 : i64} {
  func.func @body(%arg0: i32, %arg1: memref<2048x128xf32, #tpu.memory_space<vmem>>, %arg2: memref<128x64xf32, #tpu.memory_space<vmem>>, %arg3: memref<128x64xf32, #tpu.memory_space<vmem>>, %arg4: memref<1x64xf32, #tpu.memory_space<vmem>>, %arg5: memref<2048x64xf32, #tpu.memory_space<vmem>>, %arg6: memref<2048x64xf32, #tpu.memory_space<vmem>>) attributes {dimension_semantics = [#tpu.dimension_semantics<arbitrary>], iteration_bounds = array<i64: 5>, scalar_prefetch = 0 : i64, scratch_operands = 0 : i64, tpu.core_type = #tpu.core_type<tc>, window_params = [{transform_indices = @transform_0, window_bounds = array<i64: 2048, 128>}, {pipeline_mode = #tpu.pipeline_mode<synchronous>, transform_indices = @transform_1, window_bounds = array<i64: 128, 64>}, {pipeline_mode = #tpu.pipeline_mode<synchronous>, transform_indices = @transform_2, window_bounds = array<i64: 128, 64>}, {pipeline_mode = #tpu.pipeline_mode<synchronous>, transform_indices = @transform_3, window_bounds = array<i64: 1, 64>}, {transform_indices = @transform_4, window_bounds = array<i64: 2048, 64>}, {transform_indices = @transform_5, window_bounds = array<i64: 2048, 64>}]} {
    %get3A = arith.constant 0 : index
    %get3A_0 = arith.constant 0 : index
    %get3A_1 = vector.load %arg1[%get3A, %get3A_0] : memref<2048x128xf32, #tpu.memory_space<vmem>>, vector<2048x128xf32>
    %get3A_2 = arith.constant 0 : index
    %get3A_3 = arith.constant 0 : index
    %get3A_4 = vector.load %arg2[%get3A_2, %get3A_3] : memref<128x64xf32, #tpu.memory_space<vmem>>, vector<128x64xf32>
    %dot_general3A = arith.constant dense<0.000000e+00> : vector<2048x64xf32>
    %dot_general3A_5 = tpu.matmul %get3A_1, %get3A_4, %dot_general3A {dimension_numbers = #tpu.dot_dimension_numbers<[1], [0], [0], [1], [0, 0, 1, 1], [], []>, transpose_lhs_hint = false} : vector<2048x128xf32>, vector<128x64xf32>, vector<2048x64xf32> -> vector<2048x64xf32>
    %swap3A = arith.constant 0 : index
    %swap3A_6 = arith.constant 0 : index
    %swap3A_7 = vector.load %arg5[%swap3A, %swap3A_6] : memref<2048x64xf32, #tpu.memory_space<vmem>>, vector<2048x64xf32>
    tpu.vector_store %arg5[%swap3A, %swap3A_6], %dot_general3A_5 {strides = array<i32>} : memref<2048x64xf32, #tpu.memory_space<vmem>>, vector<2048x64xf32>,
    %get3A_8 = arith.constant 0 : index
    %get3A_9 = arith.constant 0 : index
    %get3A_10 = vector.load %arg3[%get3A_8, %get3A_9] : memref<128x64xf32, #tpu.memory_space<vmem>>, vector<128x64xf32>
    %dot_general3A_11 = arith.constant dense<0.000000e+00> : vector<2048x64xf32>
    %dot_general3A_12 = tpu.matmul %get3A_1, %get3A_10, %dot_general3A_11 {dimension_numbers = #tpu.dot_dimension_numbers<[1], [0], [0], [1], [0, 0, 1, 1], [], []>, transpose_lhs_hint = false} : vector<2048x128xf32>, vector<128x64xf32>, vector<2048x64xf32> -> vector<2048x64xf32>
    %get3A_13 = arith.constant 0 : index
    %get3A_14 = arith.constant 0 : index
    %get3A_15 = vector.load %arg4[%get3A_13, %get3A_14] : memref<1x64xf32, #tpu.memory_space<vmem>>, vector<1x64xf32>
    %add3A = vector.broadcast %get3A_15 : vector<1x64xf32> to vector<2048x64xf32>
    %add3A_16 = arith.addf %dot_general3A_12, %add3A : vector<2048x64xf32>
    %logistic3A = arith.negf %add3A_16 : vector<2048x64xf32>
    %logistic3A_17 = math.exp %logistic3A : vector<2048x64xf32>
    %logistic3A_18 = arith.constant 1.000000e+00 : f32
    %logistic3A_19 = vector.broadcast %logistic3A_18 : f32 to vector<2048x64xf32>
    %logistic3A_20 = arith.addf %logistic3A_19, %logistic3A_17 : vector<2048x64xf32>
    %logistic3A_21 = arith.divf %logistic3A_19, %logistic3A_20 : vector<2048x64xf32>
    %mul3A = arith.mulf %add3A_16, %logistic3A_21 : vector<2048x64xf32>
    %swap3A_22 = arith.constant 0 : index
    %swap3A_23 = arith.constant 0 : index
    %swap3A_24 = vector.load %arg6[%swap3A_22, %swap3A_23] : memref<2048x64xf32, #tpu.memory_space<vmem>>, vector<2048x64xf32>
    tpu.vector_store %arg6[%swap3A_22, %swap3A_23], %mul3A {strides = array<i32>} : memref<2048x64xf32, #tpu.memory_space<vmem>>, vector<2048x64xf32>,
    return
  }
  func.func @transform_0(%arg0: i32) -> (i32, i32) {
    %c0_i32 = arith.constant 0 : i32
    %c0_i32_0 = arith.constant 0 : i32
    return %arg0, %c0_i32 : i32, i32
  }
  func.func @transform_1(%arg0: i32) -> (i32, i32) {
    %c0_i32 = arith.constant 0 : i32
    %c0_i32_0 = arith.constant 0 : i32
    %c0_i32_1 = arith.constant 0 : i32
    return %c0_i32, %c0_i32_0 : i32, i32
  }
  func.func @transform_2(%arg0: i32) -> (i32, i32) {
    %c0_i32 = arith.constant 0 : i32
    %c0_i32_0 = arith.constant 0 : i32
    %c0_i32_1 = arith.constant 0 : i32
    return %c0_i32, %c0_i32_0 : i32, i32
  }
  func.func @transform_3(%arg0: i32) -> (i32, i32) {
    %c0_i32 = arith.constant 0 : i32
    %c0_i32_0 = arith.constant 0 : i32
    %c0_i32_1 = arith.constant 0 : i32
    return %c0_i32, %c0_i32_0 : i32, i32
  }
  func.func @transform_4(%arg0: i32) -> (i32, i32) {
    %c0_i32 = arith.constant 0 : i32
    %c0_i32_0 = arith.constant 0 : i32
    return %arg0, %c0_i32 : i32, i32
  }
  func.func @transform_5(%arg0: i32) -> (i32, i32) {
    %c0_i32 = arith.constant 0 : i32
    %c0_i32_0 = arith.constant 0 : i32
    return %arg0, %c0_i32 : i32, i32
  }
}

module attributes {stable_mosaic.version = 14 : i64} {
  func.func @body(%arg0: i32, %arg1: memref<2048x64xf32, #tpu.memory_space<vmem>>, %arg2: memref<2048x16xf32, #tpu.memory_space<vmem>>, %arg3: memref<2048x16xf32, #tpu.memory_space<vmem>>, %arg4: memref<2048x64xf32, #tpu.memory_space<vmem>>) attributes {dimension_semantics = [#tpu.dimension_semantics<arbitrary>], iteration_bounds = array<i64: 5>, scalar_prefetch = 0 : i64, scratch_operands = 0 : i64, tpu.core_type = #tpu.core_type<tc>, window_params = [{transform_indices = @transform_0, window_bounds = array<i64: 2048, 64>}, {transform_indices = @transform_1, window_bounds = array<i64: 2048, 16>}, {transform_indices = @transform_2, window_bounds = array<i64: 2048, 16>}, {transform_indices = @transform_3, window_bounds = array<i64: 2048, 64>}]} {
    %get3A = arith.constant 0 : index
    %get3A_0 = arith.constant 0 : index
    %get3A_1 = vector.load %arg2[%get3A, %get3A_0] : memref<2048x16xf32, #tpu.memory_space<vmem>>, vector<2048x1xf32>
    %get3A_2 = arith.constant 0 : index
    %get3A_3 = arith.constant 0 : index
    %get3A_4 = vector.load %arg3[%get3A_2, %get3A_3] : memref<2048x16xf32, #tpu.memory_space<vmem>>, vector<2048x1xf32>
    %add3A = arith.addf %get3A_1, %get3A_4 : vector<2048x1xf32>
    %rsqrt3A = math.rsqrt %add3A : vector<2048x1xf32>
    %get3A_5 = arith.constant 0 : index
    %get3A_6 = arith.constant 0 : index
    %get3A_7 = vector.load %arg1[%get3A_5, %get3A_6] : memref<2048x64xf32, #tpu.memory_space<vmem>>, vector<2048x64xf32>
    %mul3A = vector.broadcast %rsqrt3A : vector<2048x1xf32> to vector<2048x64xf32>
    %mul3A_8 = arith.mulf %get3A_7, %mul3A : vector<2048x64xf32>
    %swap3A = arith.constant 0 : index
    %swap3A_9 = arith.constant 0 : index
    %swap3A_10 = vector.load %arg4[%swap3A, %swap3A_9] : memref<2048x64xf32, #tpu.memory_space<vmem>>, vector<2048x64xf32>
    tpu.vector_store %arg4[%swap3A, %swap3A_9], %mul3A_8 {strides = array<i32>} : memref<2048x64xf32, #tpu.memory_space<vmem>>, vector<2048x64xf32>,
    return
  }
  func.func @transform_0(%arg0: i32) -> (i32, i32) {
    %c0_i32 = arith.constant 0 : i32
    %c0_i32_0 = arith.constant 0 : i32
    return %arg0, %c0_i32 : i32, i32
  }
  func.func @transform_1(%arg0: i32) -> (i32, i32) {
    %c0_i32 = arith.constant 0 : i32
    %c0_i32_0 = arith.constant 0 : i32
    return %arg0, %c0_i32 : i32, i32
  }
  func.func @transform_2(%arg0: i32) -> (i32, i32) {
    %c0_i32 = arith.constant 0 : i32
    %c0_i32_0 = arith.constant 0 : i32
    return %arg0, %c0_i32 : i32, i32
  }
  func.func @transform_3(%arg0: i32) -> (i32, i32) {
    %c0_i32 = arith.constant 0 : i32
    %c0_i32_0 = arith.constant 0 : i32
    return %arg0, %c0_i32 : i32, i32
  }
}

module attributes {stable_mosaic.version = 14 : i64} {
  func.func @body(%arg0: i32, %arg1: memref<2048x64xf32, #tpu.memory_space<vmem>>, %arg2: memref<2048x64xf32, #tpu.memory_space<vmem>>, %arg3: memref<2048x16xf32, #tpu.memory_space<vmem>>, %arg4: memref<2048x16xf32, #tpu.memory_space<vmem>>, %arg5: memref<1x64xf32, #tpu.memory_space<vmem>>, %arg6: memref<2048x64xf32, #tpu.memory_space<vmem>>, %arg7: memref<1x1xf32, #tpu.memory_space<vmem>>, %arg8: memref<64x16xf32, #tpu.memory_space<vmem>>, %arg9: memref<64x16xf32, #tpu.memory_space<vmem>>, %arg10: memref<1x16xf32, #tpu.memory_space<vmem>>, %arg11: memref<2048x16xf32, #tpu.memory_space<vmem>>, %arg12: memref<2048x16xf32, #tpu.memory_space<vmem>>) attributes {dimension_semantics = [#tpu.dimension_semantics<arbitrary>], iteration_bounds = array<i64: 5>, scalar_prefetch = 0 : i64, scratch_operands = 0 : i64, tpu.core_type = #tpu.core_type<tc>, window_params = [{transform_indices = @transform_0, window_bounds = array<i64: 2048, 64>}, {transform_indices = @transform_1, window_bounds = array<i64: 2048, 64>}, {transform_indices = @transform_2, window_bounds = array<i64: 2048, 16>}, {transform_indices = @transform_3, window_bounds = array<i64: 2048, 16>}, {pipeline_mode = #tpu.pipeline_mode<synchronous>, transform_indices = @transform_4, window_bounds = array<i64: 1, 64>}, {transform_indices = @transform_5, window_bounds = array<i64: 2048, 64>}, {pipeline_mode = #tpu.pipeline_mode<synchronous>, transform_indices = @transform_6, window_bounds = array<i64: 1, 1>}, {pipeline_mode = #tpu.pipeline_mode<synchronous>, transform_indices = @transform_7, window_bounds = array<i64: 64, 16>}, {pipeline_mode = #tpu.pipeline_mode<synchronous>, transform_indices = @transform_8, window_bounds = array<i64: 64, 16>}, {pipeline_mode = #tpu.pipeline_mode<synchronous>, transform_indices = @transform_9, window_bounds = array<i64: 1, 16>}, {transform_indices = @transform_10, window_bounds = array<i64: 2048, 16>}, {transform_indices = @transform_11, window_bounds = array<i64: 2048, 16>}]} {
    %get3A = arith.constant 0 : index
    %get3A_0 = arith.constant 0 : index
    %get3A_1 = vector.load %arg3[%get3A, %get3A_0] : memref<2048x16xf32, #tpu.memory_space<vmem>>, vector<2048x1xf32>
    %get3A_2 = arith.constant 0 : index
    %get3A_3 = arith.constant 0 : index
    %get3A_4 = vector.load %arg4[%get3A_2, %get3A_3] : memref<2048x16xf32, #tpu.memory_space<vmem>>, vector<2048x1xf32>
    %add3A = arith.addf %get3A_1, %get3A_4 : vector<2048x1xf32>
    %rsqrt3A = math.rsqrt %add3A : vector<2048x1xf32>
    %get3A_5 = arith.constant 0 : index
    %get3A_6 = arith.constant 0 : index
    %get3A_7 = vector.load %arg1[%get3A_5, %get3A_6] : memref<2048x64xf32, #tpu.memory_space<vmem>>, vector<2048x64xf32>
    %get3A_8 = arith.constant 0 : index
    %get3A_9 = arith.constant 0 : index
    %get3A_10 = vector.load %arg2[%get3A_8, %get3A_9] : memref<2048x64xf32, #tpu.memory_space<vmem>>, vector<2048x64xf32>
    %add3A_11 = arith.addf %get3A_7, %get3A_10 : vector<2048x64xf32>
    %mul3A = vector.broadcast %rsqrt3A : vector<2048x1xf32> to vector<2048x64xf32>
    %mul3A_12 = arith.mulf %add3A_11, %mul3A : vector<2048x64xf32>
    %get3A_13 = arith.constant 0 : index
    %get3A_14 = arith.constant 0 : index
    %get3A_15 = vector.load %arg5[%get3A_13, %get3A_14] : memref<1x64xf32, #tpu.memory_space<vmem>>, vector<1x64xf32>
    %add3A_16 = vector.broadcast %get3A_15 : vector<1x64xf32> to vector<2048x64xf32>
    %add3A_17 = arith.addf %mul3A_12, %add3A_16 : vector<2048x64xf32>
    %logistic3A = arith.negf %add3A_17 : vector<2048x64xf32>
    %logistic3A_18 = math.exp %logistic3A : vector<2048x64xf32>
    %logistic3A_19 = arith.constant 1.000000e+00 : f32
    %logistic3A_20 = vector.broadcast %logistic3A_19 : f32 to vector<2048x64xf32>
    %logistic3A_21 = arith.addf %logistic3A_20, %logistic3A_18 : vector<2048x64xf32>
    %logistic3A_22 = arith.divf %logistic3A_20, %logistic3A_21 : vector<2048x64xf32>
    %mul3A_23 = arith.mulf %add3A_17, %logistic3A_22 : vector<2048x64xf32>
    %get3A_24 = arith.constant 0 : index
    %get3A_25 = arith.constant 0 : index
    %get3A_26 = vector.load %arg7[%get3A_24, %get3A_25] : memref<1x1xf32, #tpu.memory_space<vmem>>, vector<1x1xf32>
    %get3A_27 = vector.extract %get3A_26[0, 0] : f32 from vector<1x1xf32>
    %get3A_28 = arith.constant 0 : index
    %get3A_29 = arith.constant 0 : index
    %get3A_30 = vector.load %arg6[%get3A_28, %get3A_29] : memref<2048x64xf32, #tpu.memory_space<vmem>>, vector<2048x64xf32>
    %mul3A_31 = vector.broadcast %get3A_27 : f32 to vector<2048x64xf32>
    %mul3A_32 = arith.mulf %mul3A_31, %get3A_30 : vector<2048x64xf32>
    %add3A_33 = arith.addf %mul3A_23, %mul3A_32 : vector<2048x64xf32>
    %get3A_34 = arith.constant 0 : index
    %get3A_35 = arith.constant 0 : index
    %get3A_36 = vector.load %arg8[%get3A_34, %get3A_35] : memref<64x16xf32, #tpu.memory_space<vmem>>, vector<64x16xf32>
    %dot_general3A = arith.constant dense<0.000000e+00> : vector<2048x16xf32>
    %dot_general3A_37 = tpu.matmul %add3A_33, %get3A_36, %dot_general3A {dimension_numbers = #tpu.dot_dimension_numbers<[1], [0], [0], [1], [0, 0, 1, 1], [], []>, transpose_lhs_hint = false} : vector<2048x64xf32>, vector<64x16xf32>, vector<2048x16xf32> -> vector<2048x16xf32>
    %mul3A_38 = vector.broadcast %rsqrt3A : vector<2048x1xf32> to vector<2048x16xf32>
    %mul3A_39 = arith.mulf %dot_general3A_37, %mul3A_38 : vector<2048x16xf32>
    %swap3A = arith.constant 0 : index
    %swap3A_40 = arith.constant 0 : index
    %swap3A_41 = vector.load %arg11[%swap3A, %swap3A_40] : memref<2048x16xf32, #tpu.memory_space<vmem>>, vector<2048x16xf32>
    tpu.vector_store %arg11[%swap3A, %swap3A_40], %mul3A_39 {strides = array<i32>} : memref<2048x16xf32, #tpu.memory_space<vmem>>, vector<2048x16xf32>,
    %get3A_42 = arith.constant 0 : index
    %get3A_43 = arith.constant 0 : index
    %get3A_44 = vector.load %arg9[%get3A_42, %get3A_43] : memref<64x16xf32, #tpu.memory_space<vmem>>, vector<64x16xf32>
    %dot_general3A_45 = arith.constant dense<0.000000e+00> : vector<2048x16xf32>
    %dot_general3A_46 = tpu.matmul %add3A_33, %get3A_44, %dot_general3A_45 {dimension_numbers = #tpu.dot_dimension_numbers<[1], [0], [0], [1], [0, 0, 1, 1], [], []>, transpose_lhs_hint = false} : vector<2048x64xf32>, vector<64x16xf32>, vector<2048x16xf32> -> vector<2048x16xf32>
    %get3A_47 = arith.constant 0 : index
    %get3A_48 = arith.constant 0 : index
    %get3A_49 = vector.load %arg10[%get3A_47, %get3A_48] : memref<1x16xf32, #tpu.memory_space<vmem>>, vector<1x16xf32>
    %add3A_50 = vector.broadcast %get3A_49 : vector<1x16xf32> to vector<2048x16xf32>
    %add3A_51 = arith.addf %dot_general3A_46, %add3A_50 : vector<2048x16xf32>
    %logistic3A_52 = arith.negf %add3A_51 : vector<2048x16xf32>
    %logistic3A_53 = math.exp %logistic3A_52 : vector<2048x16xf32>
    %logistic3A_54 = arith.constant 1.000000e+00 : f32
    %logistic3A_55 = vector.broadcast %logistic3A_54 : f32 to vector<2048x16xf32>
    %logistic3A_56 = arith.addf %logistic3A_55, %logistic3A_53 : vector<2048x16xf32>
    %logistic3A_57 = arith.divf %logistic3A_55, %logistic3A_56 : vector<2048x16xf32>
    %mul3A_58 = arith.mulf %add3A_51, %logistic3A_57 : vector<2048x16xf32>
    %swap3A_59 = arith.constant 0 : index
    %swap3A_60 = arith.constant 0 : index
    %swap3A_61 = vector.load %arg12[%swap3A_59, %swap3A_60] : memref<2048x16xf32, #tpu.memory_space<vmem>>, vector<2048x16xf32>
    tpu.vector_store %arg12[%swap3A_59, %swap3A_60], %mul3A_58 {strides = array<i32>} : memref<2048x16xf32, #tpu.memory_space<vmem>>, vector<2048x16xf32>,
    return
  }
  func.func @transform_0(%arg0: i32) -> (i32, i32) {
    %c0_i32 = arith.constant 0 : i32
    %c0_i32_0 = arith.constant 0 : i32
    return %arg0, %c0_i32 : i32, i32
  }
  func.func @transform_1(%arg0: i32) -> (i32, i32) {
    %c0_i32 = arith.constant 0 : i32
    %c0_i32_0 = arith.constant 0 : i32
    return %arg0, %c0_i32 : i32, i32
  }
  func.func @transform_2(%arg0: i32) -> (i32, i32) {
    %c0_i32 = arith.constant 0 : i32
    %c0_i32_0 = arith.constant 0 : i32
    return %arg0, %c0_i32 : i32, i32
  }
  func.func @transform_3(%arg0: i32) -> (i32, i32) {
    %c0_i32 = arith.constant 0 : i32
    %c0_i32_0 = arith.constant 0 : i32
    return %arg0, %c0_i32 : i32, i32
  }
  func.func @transform_4(%arg0: i32) -> (i32, i32) {
    %c0_i32 = arith.constant 0 : i32
    %c0_i32_0 = arith.constant 0 : i32
    %c0_i32_1 = arith.constant 0 : i32
    return %c0_i32, %c0_i32_0 : i32, i32
  }
  func.func @transform_5(%arg0: i32) -> (i32, i32) {
    %c0_i32 = arith.constant 0 : i32
    %c0_i32_0 = arith.constant 0 : i32
    return %arg0, %c0_i32 : i32, i32
  }
  func.func @transform_6(%arg0: i32) -> (i32, i32) {
    %c0_i32 = arith.constant 0 : i32
    %c0_i32_0 = arith.constant 0 : i32
    %c0_i32_1 = arith.constant 0 : i32
    return %c0_i32, %c0_i32_0 : i32, i32
  }
  func.func @transform_7(%arg0: i32) -> (i32, i32) {
    %c0_i32 = arith.constant 0 : i32
    %c0_i32_0 = arith.constant 0 : i32
    %c0_i32_1 = arith.constant 0 : i32
    return %c0_i32, %c0_i32_0 : i32, i32
  }
  func.func @transform_8(%arg0: i32) -> (i32, i32) {
    %c0_i32 = arith.constant 0 : i32
    %c0_i32_0 = arith.constant 0 : i32
    %c0_i32_1 = arith.constant 0 : i32
    return %c0_i32, %c0_i32_0 : i32, i32
  }
  func.func @transform_9(%arg0: i32) -> (i32, i32) {
    %c0_i32 = arith.constant 0 : i32
    %c0_i32_0 = arith.constant 0 : i32
    %c0_i32_1 = arith.constant 0 : i32
    return %c0_i32, %c0_i32_0 : i32, i32
  }
  func.func @transform_10(%arg0: i32) -> (i32, i32) {
    %c0_i32 = arith.constant 0 : i32
    %c0_i32_0 = arith.constant 0 : i32
    return %arg0, %c0_i32 : i32, i32
  }
  func.func @transform_11(%arg0: i32) -> (i32, i32) {
    %c0_i32 = arith.constant 0 : i32
    %c0_i32_0 = arith.constant 0 : i32
    return %arg0, %c0_i32 : i32, i32
  }
}

module attributes {stable_mosaic.version = 14 : i64} {
  func.func @body(%arg0: i32, %arg1: memref<2048x16xf32, #tpu.memory_space<vmem>>, %arg2: memref<2048x16xf32, #tpu.memory_space<vmem>>, %arg3: memref<2048x16xf32, #tpu.memory_space<vmem>>, %arg4: memref<2048x16xf32, #tpu.memory_space<vmem>>, %arg5: memref<1x16xf32, #tpu.memory_space<vmem>>, %arg6: memref<2048x16xf32, #tpu.memory_space<vmem>>, %arg7: memref<1x1xf32, #tpu.memory_space<vmem>>, %arg8: memref<2048x16xf32, #tpu.memory_space<vmem>>) attributes {dimension_semantics = [#tpu.dimension_semantics<arbitrary>], iteration_bounds = array<i64: 5>, scalar_prefetch = 0 : i64, scratch_operands = 0 : i64, tpu.core_type = #tpu.core_type<tc>, window_params = [{transform_indices = @transform_0, window_bounds = array<i64: 2048, 16>}, {transform_indices = @transform_1, window_bounds = array<i64: 2048, 16>}, {transform_indices = @transform_2, window_bounds = array<i64: 2048, 16>}, {transform_indices = @transform_3, window_bounds = array<i64: 2048, 16>}, {pipeline_mode = #tpu.pipeline_mode<synchronous>, transform_indices = @transform_4, window_bounds = array<i64: 1, 16>}, {transform_indices = @transform_5, window_bounds = array<i64: 2048, 16>}, {pipeline_mode = #tpu.pipeline_mode<synchronous>, transform_indices = @transform_6, window_bounds = array<i64: 1, 1>}, {transform_indices = @transform_7, window_bounds = array<i64: 2048, 16>}]} {
    %get3A = arith.constant 0 : index
    %get3A_0 = arith.constant 0 : index
    %get3A_1 = vector.load %arg3[%get3A, %get3A_0] : memref<2048x16xf32, #tpu.memory_space<vmem>>, vector<2048x1xf32>
    %get3A_2 = arith.constant 0 : index
    %get3A_3 = arith.constant 0 : index
    %get3A_4 = vector.load %arg4[%get3A_2, %get3A_3] : memref<2048x16xf32, #tpu.memory_space<vmem>>, vector<2048x1xf32>
    %add3A = arith.addf %get3A_1, %get3A_4 : vector<2048x1xf32>
    %rsqrt3A = math.rsqrt %add3A : vector<2048x1xf32>
    %get3A_5 = arith.constant 0 : index
    %get3A_6 = arith.constant 0 : index
    %get3A_7 = vector.load %arg1[%get3A_5, %get3A_6] : memref<2048x16xf32, #tpu.memory_space<vmem>>, vector<2048x16xf32>
    %get3A_8 = arith.constant 0 : index
    %get3A_9 = arith.constant 0 : index
    %get3A_10 = vector.load %arg2[%get3A_8, %get3A_9] : memref<2048x16xf32, #tpu.memory_space<vmem>>, vector<2048x16xf32>
    %add3A_11 = arith.addf %get3A_7, %get3A_10 : vector<2048x16xf32>
    %mul3A = vector.broadcast %rsqrt3A : vector<2048x1xf32> to vector<2048x16xf32>
    %mul3A_12 = arith.mulf %add3A_11, %mul3A : vector<2048x16xf32>
    %get3A_13 = arith.constant 0 : index
    %get3A_14 = arith.constant 0 : index
    %get3A_15 = vector.load %arg5[%get3A_13, %get3A_14] : memref<1x16xf32, #tpu.memory_space<vmem>>, vector<1x16xf32>
    %add3A_16 = vector.broadcast %get3A_15 : vector<1x16xf32> to vector<2048x16xf32>
    %add3A_17 = arith.addf %mul3A_12, %add3A_16 : vector<2048x16xf32>
    %get3A_18 = arith.constant 0 : index
    %get3A_19 = arith.constant 0 : index
    %get3A_20 = vector.load %arg7[%get3A_18, %get3A_19] : memref<1x1xf32, #tpu.memory_space<vmem>>, vector<1x1xf32>
    %get3A_21 = vector.extract %get3A_20[0, 0] : f32 from vector<1x1xf32>
    %get3A_22 = arith.constant 0 : index
    %get3A_23 = arith.constant 0 : index
    %get3A_24 = vector.load %arg6[%get3A_22, %get3A_23] : memref<2048x16xf32, #tpu.memory_space<vmem>>, vector<2048x16xf32>
    %mul3A_25 = vector.broadcast %get3A_21 : f32 to vector<2048x16xf32>
    %mul3A_26 = arith.mulf %mul3A_25, %get3A_24 : vector<2048x16xf32>
    %add3A_27 = arith.addf %add3A_17, %mul3A_26 : vector<2048x16xf32>
    %swap3A = arith.constant 0 : index
    %swap3A_28 = arith.constant 0 : index
    %swap3A_29 = vector.load %arg8[%swap3A, %swap3A_28] : memref<2048x16xf32, #tpu.memory_space<vmem>>, vector<2048x16xf32>
    tpu.vector_store %arg8[%swap3A, %swap3A_28], %add3A_27 {strides = array<i32>} : memref<2048x16xf32, #tpu.memory_space<vmem>>, vector<2048x16xf32>,
    return
  }
  func.func @transform_0(%arg0: i32) -> (i32, i32) {
    %c0_i32 = arith.constant 0 : i32
    %c0_i32_0 = arith.constant 0 : i32
    return %arg0, %c0_i32 : i32, i32
  }
  func.func @transform_1(%arg0: i32) -> (i32, i32) {
    %c0_i32 = arith.constant 0 : i32
    %c0_i32_0 = arith.constant 0 : i32
    return %arg0, %c0_i32 : i32, i32
  }
  func.func @transform_2(%arg0: i32) -> (i32, i32) {
    %c0_i32 = arith.constant 0 : i32
    %c0_i32_0 = arith.constant 0 : i32
    return %arg0, %c0_i32 : i32, i32
  }
  func.func @transform_3(%arg0: i32) -> (i32, i32) {
    %c0_i32 = arith.constant 0 : i32
    %c0_i32_0 = arith.constant 0 : i32
    return %arg0, %c0_i32 : i32, i32
  }
  func.func @transform_4(%arg0: i32) -> (i32, i32) {
    %c0_i32 = arith.constant 0 : i32
    %c0_i32_0 = arith.constant 0 : i32
    %c0_i32_1 = arith.constant 0 : i32
    return %c0_i32, %c0_i32_0 : i32, i32
  }
  func.func @transform_5(%arg0: i32) -> (i32, i32) {
    %c0_i32 = arith.constant 0 : i32
    %c0_i32_0 = arith.constant 0 : i32
    return %arg0, %c0_i32 : i32, i32
  }
  func.func @transform_6(%arg0: i32) -> (i32, i32) {
    %c0_i32 = arith.constant 0 : i32
    %c0_i32_0 = arith.constant 0 : i32
    %c0_i32_1 = arith.constant 0 : i32
    return %c0_i32, %c0_i32_0 : i32, i32
  }
  func.func @transform_7(%arg0: i32) -> (i32, i32) {
    %c0_i32 = arith.constant 0 : i32
    %c0_i32_0 = arith.constant 0 : i32
    return %arg0, %c0_i32 : i32, i32
  }
}

</mosaic_0001>

<sc_bundles>
// kernel: kernel.12.cloned.1.call-start
scs
__scs_entry_jumppad:
0x0: {  	(pc) =	sbr.rel $0x88, $3  }
0x1: {  	(tag) =	ssettag $0x0;
	lr =	simm.s32 $0x1  }
0x2: {  	[smem:$0x3F95] =	sst lr;
	_ =	strace $0xD0000000  }
0x3: {  	_ = 	snop  }
0x4: {  	_ = 	snop  }
0x5: {  	_ = 	snop  }
0x6: {  	_ = 	snop  }
0x7: {  	_ = 	snop  }
__scs_overlays_trampoline_lowered:
0x8: {  	[smem:$0x3FA4] =	sst s0  }
0x9: {  	[smem:$0x3FA5] =	sst s1  }
0xa: {  	[smem:$0x3FA6] =	sst s2  }
0xb: {  	[smem:$0x3FA7] =	sst s3  }
0xc: {  	[smem:$0x3FA8] =	sst s4  }
0xd: {  	[smem:$0x3FA9] =	sst s5  }
0xe: {  	[smem:$0x3FAA] =	sst s6  }
0xf: {  	[smem:$0x3FAB] =	sst s7  }
0x10: {  	[smem:$0x3FAC] =	sst s8  }
0x11: {  	[smem:$0x3FAD] =	sst s9;
	s0 =	simm.s32 @!p0 $0x0  }
0x12: {  	s1 =	sld [smem:$0x3F93];
	s0 =	simm.s32 @p0 $0x1  }
0x13: {  	[smem:$0x3FAE] =	sst s0;
	s0 =	simm.s32 @!p1 $0x0  }
0x14: {  	s2 =	sld [smem:$0x3F92];
	s0 =	simm.s32 @p1 $0x1  }
0x15: {  	[smem:$0x3FAF] =	sst s0;
	s0 =	simm.s32 @!p2 $0x0  }
0x16: {  	s3 =	sld [smem:$0x3FDB];
	s0 =	simm.s32 @p2 $0x1  }
0x17: {  	s4 =	simm.s32 $0x1BF5;
	[smem:$0x3FB1] =	sst s0  }
0x18: {  	s0 =	sld [smem:$0x3F94];
	_ =	swait.ge [sflag:s4], $0x0  }
0x19: {  	s7 =	sld [smem:$0x3F95]  }
0x1a: {  	s8 =	sadd.s32 $0xFFFFE003, lr  }
0x1b: {  	s9 =	sadd.s32 $0xFFFFFEF7, lr;
	s5 =	simm.s32 $0xFFFFFFFF;
	p2 =	slt.u32 s8, $0xFFFFF086  }
0x1c: {  	p1 =	slt.u32 s9, $0xF7A;
	s5 =	simm.s32 @!p2 $0x0  }
0x1d: {  	s5 =	simm.s32 @p1 $0x1;
	p0 =	seq.s32 s7, s2  }
0x1e: {  	s7 =	smul.u32 @!p0 $0xF7A, s2;
	p2 =	seq.s32 @!p0 s5, $0x0  }
0x1f: {  	s9 =	smul.u32 $0xF7A, s1;
	s8 =	simm.s32 @!p0 $0x1BF5;
	p2 =	por !p2, p0  }
0x20: {  	[sflag:s8] =	ssyncset.s32 @!p0 $0xFFFFF086;
	s6 =	sadd.s32 @!p0 s3, s7;
	s7 =	simm.s32 @!p0 $0x108  }
0x21: {  	s3 =	sadd.s32 s3, s9;
	s6 =	sadd.s32 @!p0 $0x88, s6;
	s7 =	simm.s32 @p2 $0x1082  }
0x22: {  	[simem:s7], [sflag:s8] =	dma.local @!p0 [hbm:s6], $0xF7A  }
0x23: {  	s9 =	sor.u32 $0xD0000000, s2;
	s6 =	simm.s32 $0x108;
	_ =	swait.ge @!p0 [sflag:s8], $0x0  }
0x24: {  	s3 =	sadd.s32 $0x88, s3;
	s6 =	simm.s32 @!p1 $0x1082;
	[sflag:s4] =	ssyncset.s32 $0xFFFFF086  }
0x25: {  	[simem:s6], [sflag:s4] =	dma.local [hbm:s3], $0xF7A  }
0x26: {  	[smem:$0x3F95] =	sst s1;
	(tag) =	ssettag s2;
	_ =	strace s9  }
0x27: {  	s1 =	sld [smem:$0x3FA5]  }
0x28: {  	s2 =	sld [smem:$0x3FA6]  }
0x29: {  	s4 =	sld [smem:$0x3FA8]  }
0x2a: {  	p0 =	seq.s32 s5, $0x0;
	s5 =	sld [smem:$0x3FA9]  }
0x2b: {  	s6 =	sld [smem:$0x3FAA]  }
0x2c: {  	s7 =	sld [smem:$0x3FAB]  }
0x2d: {  	s3 =	simm.s32 $0x108;
	s8 =	sld [smem:$0x3FAC]  }
0x2e: {  	s3 =	simm.s32 @!p0 $0x1082;
	s9 =	sld [smem:$0x3FAD]  }
0x2f: {  	lr =	sadd.s32 s0, s3;
	s0 =	sld [smem:$0x3FA4]  }
0x30: {  	s3 =	sld [smem:$0x3FA7]  }
0x31: {  	[smem:$0x3FB0] =	sst s10  }
0x32: {  	s10 =	sld [smem:$0x3FAE];
	_ =	sdelay $0x3  }
0x33: {  	p0 =	seq.s32 s10, $0x1;
	s10 =	sld [smem:$0x3FB0];
	_ =	sdelay $0x3  }
0x34: {  	[smem:$0x3FB0] =	sst s10  }
0x35: {  	s10 =	sld [smem:$0x3FAF];
	_ =	sdelay $0x3  }
0x36: {  	p1 =	seq.s32 s10, $0x1;
	s10 =	sld [smem:$0x3FB0];
	_ =	sdelay $0x3  }
0x37: {  	[smem:$0x3FB0] =	sst s10  }
0x38: {  	s10 =	sld [smem:$0x3FB1]  }
0x39: {  	_ = 	snop;
	(pc) =	sbr.ind lr, $3  }
0x3a: {  	_ = 	snop  }
0x3b: {  	_ = 	snop  }
0x3c: {  	p2 =	seq.s32 s10, $0x1;
	s10 =	sld [smem:$0x3FB0]  }
0x3d: {  	_ =	shalt  }
0x3e: {  	_ =	shalt  }
0x3f: {  	_ =	shalt  }
0x40: {  	_ =	shalt  }
0x41: {  	_ =	shalt  }
0x42: {  	_ =	shalt  }
0x43: {  	_ =	shalt  }
0x44: {  	_ =	shalt  }
0x45: {  	_ =	shalt  }
0x46: {  	_ =	shalt  }
0x47: {  	_ =	shalt  }
0x48: {  	_ =	shalt  }
0x49: {  	_ =	shalt  }
0x4a: {  	_ =	shalt  }
0x4b: {  	_ =	shalt  }
0x4c: {  	_ =	shalt  }
0x4d: {  	_ =	shalt  }
0x4e: {  	_ =	shalt  }
0x4f: {  	_ =	shalt  }
0x50: {  	_ =	shalt  }
0x51: {  	_ =	shalt  }
0x52: {  	_ =	shalt  }
0x53: {  	_ =	shalt  }
0x54: {  	_ =	shalt  }
0x55: {  	_ =	shalt  }
0x56: {  	_ =	shalt  }
0x57: {  	_ =	shalt  }
0x58: {  	_ =	shalt  }
0x59: {  	_ =	shalt  }
0x5a: {  	_ =	shalt  }
0x5b: {  	_ =	shalt  }
0x5c: {  	_ =	shalt  }
0x5d: {  	_ =	shalt  }
0x5e: {  	_ =	shalt  }
0x5f: {  	_ =	shalt  }
0x60: {  	_ =	shalt  }
0x61: {  	_ =	shalt  }
0x62: {  	_ =	shalt  }
0x63: {  	_ =	shalt  }
0x64: {  	_ =	shalt  }
0x65: {  	_ =	shalt  }
0x66: {  	_ =	shalt  }
0x67: {  	_ =	shalt  }
0x68: {  	_ =	shalt  }
0x69: {  	_ =	shalt  }
0x6a: {  	_ =	shalt  }
0x6b: {  	_ =	shalt  }
0x6c: {  	_ =	shalt  }
0x6d: {  	_ =	shalt  }
0x6e: {  	_ =	shalt  }
0x6f: {  	_ =	shalt  }
0x70: {  	_ =	shalt  }
0x71: {  	_ =	shalt  }
0x72: {  	_ =	shalt  }
0x73: {  	_ =	shalt  }
0x74: {  	_ =	shalt  }
0x75: {  	_ =	shalt  }
0x76: {  	_ =	shalt  }
0x77: {  	_ =	shalt  }
0x78: {  	_ =	shalt  }
0x79: {  	_ =	shalt  }
0x7a: {  	_ =	shalt  }
0x7b: {  	_ =	shalt  }
0x7c: {  	_ =	shalt  }
0x7d: {  	_ =	shalt  }
0x7e: {  	_ =	shalt  }
0x7f: {  	_ =	shalt  }
0x80: {  	_ =	shalt  }
0x81: {  	_ =	shalt  }
0x82: {  	_ =	shalt  }
0x83: {  	_ =	shalt  }
0x84: {  	_ =	shalt  }
0x85: {  	_ =	shalt  }
0x86: {  	_ =	shalt  }
0x87: {  	_ =	shalt  }
.Lfunc_end0:
.L_simem_size_0:
called_computation.1_lowered:
.L_overlay_start_0:
0x88: {  	s2 =	sld [smem:$0x3FD9]  }
0x89: {  	s3 =	sld [smem:$0x3FFE];
	_ =	sdelay $0x1  }
0x8a: {  	s1 =	srdreg.scid  }
0x8b: {  	s0 =	sand.u32 $0x1, s1  }
0x8c: {  	s16 =	sshll.u32 s0, $0xA;
	s2 =	sadd.s32 s3, s2  }
0x8d: {  	s2 =	sadd.s32 s2, s16  }
0x8e: {  	[smem:$0x3FBC] =	sst s2  }
0x8f: {  	_ = 	snop  }
0x90: {  	(tm) =	ssettm $0x1  }
0x91: {  	s17 =	sld [smem:$0x3FFB];
	_ =	sdelay $0x3  }
0x92: {  	_ =	strace s17  }
0x93: {  	s2 =	sld [smem:$0x3FFC];
	_ =	sdelay $0x3  }
0x94: {  	_ =	strace s2  }
0x95: {  	s2 =	sld [smem:$0x3FFD];
	_ =	sdelay $0x3  }
0x96: {  	_ =	strace s2  }
0x97: {  	_ =	strace $0x8FFFFFFF  }
0x98: {  	s18 =	sld [smem:$0x3FDB];
	_ =	sdelay $0x1  }
0x99: {  	s19 =	simm.s32 $_scs_section_size  }
0x9a: {  	s4 =	simm.s32 $_size__tile_overlayer_lowered;
	s5 =	simm.s32 $_tile_overlayer_lowered  }
0x9b: {  	s22 =	simm.s32 $0x1BFF;
	s21 =	sshll.u32 s5, $0x1;
	s2 =	sadd.s32 s19, s18  }
0x9c: {  	s6 =	simm.s32 $0x0;
	s20 =	sshll.u32 s4, $0x1;
	s4 =	sadd.s32 s21, s2  }
0x9d: {  	[timem:s6], [sflag:s22] =	dma.local [hbm:s4], s20  }
0x9e: {  	_ =	swait.ge [sflag:s22], s20  }
0x9f: {  	s3 =	ssub.s32 $0x0, s20;
	[sflag:s22] =	ssyncset.done $0x0  }
0xa0: {  	[sflag:s22] =	ssyncadd.s32 s3;
	_ =	sdelay $0x1  }
0xa1: {  	s23 =	simm.s32 $0x1B8B  }
0xa2: {  	_ =	swait.ge [sflag:s23], $0x1  }
0xa3: {  	[sflag:s23] =	ssyncset.done $0x0  }
0xa4: {  	s25 =	simm.s32 $0x1B8E;
	s24 =	sld [smem:$0x3FFE];
	[sflag:s23] =	ssyncadd.s32 $0xFFFFFFFF  }
0xa5: {  	s26 =	simm.s32 $execute0_lowered;
	[smem:$0x3FD2] =	sst s25  }
0xa6: {  	s4 =	sshll.u32 s26, $0x1;
	_ =	strace $0x80000049;
	[dreg:$0x1] =	wrdreg $0xFFFFFFFF  }
0xa7: {  	s28 =	simm.s32 $_size_execute0_lowered;
	s2 =	sadd.s32 s2, s4;
	[dreg:$0x0] =	wrdreg $0x0  }
0xa8: {  	s4 =	sshll.u32 s28, $0x1;
	[dreg:$0x2] =	wrdreg s2  }
0xa9: {  	[dreg:$0x3] =	wrdreg s4  }
0xaa: {  	[dreg:$0x4] =	wrdreg $0xC0  }
0xab: {  	_ =	task [dreg:s6], $0x5FFFF  }
0xac: {  	[dreg:$0x1] =	wrdreg $0xFFFFFFFF  }
0xad: {  	[dreg:$0x0] =	wrdreg $0x60  }
0xae: {  	[dreg:$0x2] =	wrdreg s24  }
0xaf: {  	[dreg:$0x3] =	wrdreg $0x110000  }
0xb0: {  	[dreg:$0x4] =	wrdreg $0x9  }
0xb1: {  	_ =	task.clear_ibuf [dreg:s6], $0x5FFFF;
	_ =	strace $0x90000049  }
0xb2: {  	s29 =	simm.s32 $0x9;
	_ =	strace $0x8000004B  }
0xb3: {  	_ =	swait.ge [sflag:s29], $0x1  }
0xb4: {  	[sflag:s29] =	ssyncadd.s32 $0xFFFFFFFF  }
0xb5: {  	_ =	strace $0x9000004B  }
0xb6: {  	_ =	sfence  }
0xb7: {  	s30 =	sld [smem:$0x0];
	_ =	sdelay $0x2  }
0xb8: {  	s31 =	sshll.u32 s1, $0xD;
	s1 =	sshrl.u32 s1, $0x2  }
0xb9: {  	s3 =	sand.u32 $0x4000, s31;
	s1 =	sadd.s32 s1, s30  }
0xba: {  	s0 =	sor.u32 s3, s0;
	s1 =	sshll.u32 s1, $0x11  }
0xbb: {  	s0 =	sor.u32 s1, s0  }
0xbc: {  	s0 =	sadd.s32 $0x8F2B, s0  }
0xbd: {  	[sflag:s0] =	ssyncadd.remote.s32 $0x1  }
0xbe: {  	_ =	sfence.sel $0xFFFF  }
0xbf: {  	[dreg:$0x0] =	wrdreg $0xFFFFFFFF;
	(pc) =	sbr.abs _section_cstart, $3  }
0xc0: {  	[dreg:$0x1] =	wrdreg $0xFFFFFFFF  }
0xc1: {  	_ =	task.clear_ibuf [dreg:s6], $0x2FFFF;
	_ =	strace $0x9FFFFFFF  }
0xc2: {  	(tm) =	ssettm $0x7FFFFFFF  }
0xc3: {  	_ =	shalt  }
tec
execute0_lowered:
.L_overlay_start_1:
0x0: {  	(tag) =	ssettag $0x1  }
0x1: {  	s5 =	rddreg [dreg:$0x0]  }
0x2: {  	s2 =	rddreg [dreg:$0x1]  }
0x3: {  	s3 =	srdreg.scid;
	s1 =	stileid.u32;
	s16 =	simm.s32 $0x9000  }
0x4: {  	s17 =	simm.s32 $0xB000;
	s18 =	simm.s32 $0x100;
	s19 =	simm.s32 $0xD000  }
0x5: {  	s20 =	simm.s32 $0x1;
	s21 =	simm.s32 $0x2;
	s22 =	simm.s32 $0x3  }
0x6: {  	s23 =	simm.s32 $0x4;
	s24 =	simm.s32 $0xF000;
	s25 =	simm.s32 $0x0  }
0x7: {  	s6 =	sand.u32 $0x1, s3;
	s4 =	smul.u32 $0x90, s1;
	s7 =	sshll.u32 s1, $0x4  }
0x8: {  	s3 =	simm.s32 $0x0;
	s9 =	sadd.s32 $0x32600, s5;
	s10 =	sadd.s32 $0xE1600, s5  }
0x9: {  	s8 =	smul.u32 $0xA000, s1;
	s11 =	sadd.s32 $0xCD600, s5;
	s30 =	sshll.u32 s1, $0x6  }
0xa: {  	p0 =	seq.s32 s6, $0x0;
	s7 =	sor.u32 $0x900, s7;
	[smem:$0x7FF] =	sst s3  }
0xb: {  	s6 =	ssub.s32 $0x2, s6;
	s7 =	smov.u32 @p0 s4;
	_ =	strace $0x8000004A  }
0xc: {  	s4 =	sadd.s32 $0x1E600, s5;
	s12 =	sshrl.u32 s6, $0x1;
	s13 =	sadd.s32 s8, s2  }
0xd: {  	s14 =	sshrl.u32 s8, $0x3;
	s11 =	smov.u32 @p0 s10;
	s10 =	sor.u32 $0x1C05, s30  }
0xe: {  	s7 =	sshll.u32 s7, $0x4;
	s12 =	ssub.s32 s6, s12;
	s9 =	smov.u32 @p0 s4  }
0xf: {  	s11 =	sadd.s32 s11, s14;
	s7 =	sadd.s32 s7, s5;
	s5 =	simm.s32 $0x90  }
0x10: {  	s8 =	smax.u32 s12, $0x1;
	s9 =	sadd.s32 s9, s14;
	s5 =	simm.s32 @!p0 $0x10  }
0x11: {  	s12 =	sshrl.u32 s13, $0x3;
	s13 =	simm.s32 $0x5;
	s15 =	sshll.u32 s5, $0x9  }
0x12: {  	s14 =	simm.s32 $0x4800;
	s6 =	sadd.s32 $0xEE00, s7;
	s31 =	sadd.s32 $0xFFFFF800, s15  }
0x13: {  	s7 =	sadd.s32 $0x4600, s7;
	s15 =	simm.s32 $0x80;
	[dreg:$0x3] =	wrdreg s31  }
.LBB2_1:
0x14: {  	[spmem:s12], [sflag:s10] =	dma.local [hbm:s9], $0x1400  }
0x15: {  	_ =	swait.ge [sflag:s13], $0x1400  }
0x16: {  	[sflag:s13] =	ssyncset.done $0x0  }
0x17: {  	[sflag:s13] =	ssyncadd.s32 $0xFFFFEC00  }
0x18: {  	[tilespmem:s3], [sflag:$0x5] =	stream.linear.gather [hbm4b:s6+s3], $0x4800, $0x38;
	[tilespmem:$0x1B000] =	vst v63  }
0x19: {  	_ =	swait.ge [sflag:s13], $0x4800  }
0x1a: {  	[sflag:s13] =	ssyncset.done $0x0  }
0x1b: {  	[sflag:s13] =	ssyncadd.s32 $0xFFFFB800  }
0x1c: {  	[tilespmem:s14], [sflag:$0x5] =	stream.linear.gather [hbm4b:s7+s3], $0x4800, $0x38;
	[tilespmem:$0x1B000] =	vst v63  }
0x1d: {  	_ =	swait.ge [sflag:s13], $0x4800  }
0x1e: {  	[sflag:s13] =	ssyncset.done $0x0  }
0x1f: {  	[sflag:s13] =	ssyncadd.s32 $0xFFFFB800  }
0x20: {  	[bflag:$0x0] =	sbarrier.arrive $0xFFFF  }
0x21: {  	[tilespmem:s16], [sflag:$0x1] =	stream.indirect.gather [hbm4b:s4+s15], $0x40, s3, s15, $0xb8;
	[tilespmem:$0x1B000] =	vst v63  }
0x22: {  	_ = 	snop  }
0x23: {  	[tilespmem:s17], [sflag:$0x2] =	stream.indirect.gather [hbm4b:s4+s15], $0x40, s15, s15, $0xb8;
	[tilespmem:$0x1B000] =	vst v63  }
0x24: {  	s28 =	simm.s32 $0x6;
	s26 =	simm.s32 $0x0  }
0x25: {  	[tilespmem:s19], [sflag:$0x3] =	stream.indirect.gather [hbm4b:s4+s15], $0x40, s18, s15, $0xb8;
	[tilespmem:$0x1B000] =	vst v63  }
.LBB2_2:
0x26: {  	_ =	swait.ge [sflag:s20], $0x2000  }
0x27: {  	s29 =	sshra.s32 s26, $0x2;
	[sflag:s20] =	ssyncset.done $0x0  }
0x28: {  	s0 =	sadd.s32 $0xFFFFFFFD, s28;
	s30 =	sadd.s32 $0x4800, s29;
	[sflag:s20] =	ssyncadd.s32 $0xFFFFE000  }
0x29: {  	[spmem:s2] =	stream.indirect.scatter.add.f32 [tilespmem:s16], [sflag:$0x5], $0x40, s30, s15, $0xb8;
	[tilespmem:$0x1B000] =	vst v63  }
0x2a: {  	p0 =	sge.u32 s0, s5;
	_ =	swait.ge [sflag:s13], $0x2000  }
0x2b: {  	s31 =	simm.s32 @!p0 $0x80;
	s30 =	sshra.s32 @!p0 s26, $0x2;
	[sflag:s13] =	ssyncset.done $0x0  }
0x2c: {  	s0 =	simm.s32 @!p0 $0xF000;
	s30 =	sadd.s32 @!p0 $0x180, s30;
	[sflag:s13] =	ssyncadd.s32 $0xFFFFE000  }
0x2d: {  	[tilespmem:s0], [sflag:$0x4] =	stream.indirect.gather @!p0 [hbm4b:s4+s31], $0x40, s30, s31, $0xb8;
	[tilespmem:$0x1B000] =	vst v63  }
0x2e: {  	_ =	swait.ge [sflag:s21], $0x2000  }
0x2f: {  	[sflag:s21] =	ssyncset.done $0x0  }
0x30: {  	s31 =	sadd.s32 $0x4880, s29;
	s30 =	sadd.s32 $0xFFFFFFFE, s28;
	[sflag:s21] =	ssyncadd.s32 $0xFFFFE000  }
0x31: {  	[spmem:s2] =	stream.indirect.scatter.add.f32 [tilespmem:s17], [sflag:$0x5], $0x40, s31, s15, $0xb8;
	[tilespmem:$0x1B000] =	vst v63  }
0x32: {  	p0 =	sge.u32 s30, s5;
	_ =	swait.ge [sflag:s13], $0x2000  }
0x33: {  	s0 =	sshra.s32 @!p0 s26, $0x2;
	s30 =	simm.s32 @!p0 $0x80;
	[sflag:s13] =	ssyncset.done $0x0  }
0x34: {  	s0 =	sadd.s32 @!p0 $0x200, s0;
	s31 =	simm.s32 @!p0 $0x9000;
	[sflag:s13] =	ssyncadd.s32 $0xFFFFE000  }
0x35: {  	[tilespmem:s31], [sflag:$0x1] =	stream.indirect.gather @!p0 [hbm4b:s4+s30], $0x40, s0, s30, $0xb8;
	[tilespmem:$0x1B000] =	vst v63  }
0x36: {  	_ =	swait.ge [sflag:s22], $0x2000  }
0x37: {  	[sflag:s22] =	ssyncset.done $0x0  }
0x38: {  	s31 =	sadd.s32 $0x4900, s29;
	s30 =	sadd.s32 $0xFFFFFFFF, s28;
	[sflag:s22] =	ssyncadd.s32 $0xFFFFE000  }
0x39: {  	[spmem:s2] =	stream.indirect.scatter.add.f32 [tilespmem:s19], [sflag:$0x5], $0x40, s31, s15, $0xb8;
	[tilespmem:$0x1B000] =	vst v63  }
0x3a: {  	p0 =	sge.u32 s30, s5;
	_ =	swait.ge [sflag:s13], $0x2000  }
0x3b: {  	s0 =	sshra.s32 @!p0 s26, $0x2;
	s30 =	simm.s32 @!p0 $0x80;
	[sflag:s13] =	ssyncset.done $0x0  }
0x3c: {  	s0 =	sadd.s32 @!p0 $0x280, s0;
	s31 =	simm.s32 @!p0 $0xB000;
	[sflag:s13] =	ssyncadd.s32 $0xFFFFE000  }
0x3d: {  	[tilespmem:s31], [sflag:$0x2] =	stream.indirect.gather @!p0 [hbm4b:s4+s30], $0x40, s0, s30, $0xb8;
	[tilespmem:$0x1B000] =	vst v63  }
0x3e: {  	_ =	swait.ge [sflag:s23], $0x2000  }
0x3f: {  	[sflag:s23] =	ssyncset.done $0x0  }
0x40: {  	s31 =	sadd.s32 $0x4980, s29;
	p0 =	sge.u32 s28, s5;
	[sflag:s23] =	ssyncadd.s32 $0xFFFFE000  }
0x41: {  	[spmem:s2] =	stream.indirect.scatter.add.f32 [tilespmem:s24], [sflag:$0x5], $0x40, s31, s15, $0xb8;
	[tilespmem:$0x1B000] =	vst v63  }
0x42: {  	s0 =	sshra.s32 @!p0 s26, $0x2;
	s29 =	simm.s32 @!p0 $0x80;
	_ =	swait.ge [sflag:s13], $0x2000  }
0x43: {  	s30 =	simm.s32 @!p0 $0xD000;
	s26 =	sadd.s32 $0x800, s26;
	[sflag:s13] =	ssyncset.done $0x0  }
0x44: {  	s0 =	sadd.s32 @!p0 $0x300, s0;
	s31 =	rddreg [dreg:$0x3];
	[sflag:s13] =	ssyncadd.s32 $0xFFFFE000  }
0x45: {  	[tilespmem:s30], [sflag:$0x3] =	stream.indirect.gather @!p0 [hbm4b:s4+s29], $0x40, s0, s29, $0xb8;
	[tilespmem:$0x1B000] =	vst v63  }
0x46: {  	p0 =	sne.s32 s31, s26  }
.Ltmp0:
0x47: {  	_ = 	snop;
	(pc) =	sbr.rel @p0 .LBB2_2-.Ltmp0, $2  }
0x48: {  	_ =	sdelay $0x2  }
0x49: {  	s28 =	sadd.s32 $0x4, s28  }
0x4a: {  	_ =	swait.ge [sflag:s20], $0x2000  }
0x4b: {  	s0 =	sshra.s32 s26, $0x2;
	[sflag:s20] =	ssyncset.done $0x0  }
0x4c: {  	s31 =	sadd.s32 $0xFFFFFFFD, s28;
	s29 =	sadd.s32 $0x4800, s0;
	[sflag:s20] =	ssyncadd.s32 $0xFFFFE000  }
0x4d: {  	[spmem:s2] =	stream.indirect.scatter.add.f32 [tilespmem:s16], [sflag:$0x5], $0x40, s29, s15, $0xb8;
	[tilespmem:$0x1B000] =	vst v63  }
0x4e: {  	p0 =	sge.u32 s31, s5;
	_ =	swait.ge [sflag:s13], $0x2000  }
0x4f: {  	s30 =	simm.s32 @!p0 $0x80;
	s29 =	sshra.s32 @!p0 s26, $0x2;
	[sflag:s13] =	ssyncset.done $0x0  }
0x50: {  	s31 =	simm.s32 @!p0 $0xF000;
	s29 =	sadd.s32 @!p0 $0x180, s29;
	[sflag:s13] =	ssyncadd.s32 $0xFFFFE000  }
0x51: {  	[tilespmem:s31], [sflag:$0x4] =	stream.indirect.gather @!p0 [hbm4b:s4+s30], $0x40, s29, s30, $0xb8;
	[tilespmem:$0x1B000] =	vst v63  }
0x52: {  	_ =	swait.ge [sflag:s21], $0x2000  }
0x53: {  	[sflag:s21] =	ssyncset.done $0x0  }
0x54: {  	s30 =	sadd.s32 $0x4880, s0;
	s31 =	sadd.s32 $0xFFFFFFFE, s28;
	[sflag:s21] =	ssyncadd.s32 $0xFFFFE000  }
0x55: {  	[spmem:s2] =	stream.indirect.scatter.add.f32 [tilespmem:s17], [sflag:$0x5], $0x40, s30, s15, $0xb8;
	[tilespmem:$0x1B000] =	vst v63  }
0x56: {  	p0 =	sge.u32 s31, s5;
	_ =	swait.ge [sflag:s13], $0x2000  }
0x57: {  	s29 =	sshra.s32 @!p0 s26, $0x2;
	s31 =	simm.s32 @!p0 $0x9000;
	[sflag:s13] =	ssyncset.done $0x0  }
0x58: {  	s29 =	sadd.s32 @!p0 $0x200, s29;
	s30 =	simm.s32 @!p0 $0x80;
	[sflag:s13] =	ssyncadd.s32 $0xFFFFE000  }
0x59: {  	[tilespmem:s31], [sflag:$0x1] =	stream.indirect.gather @!p0 [hbm4b:s4+s30], $0x40, s29, s30, $0xb8;
	[tilespmem:$0x1B000] =	vst v63  }
0x5a: {  	_ =	swait.ge [sflag:s22], $0x2000  }
0x5b: {  	[sflag:s22] =	ssyncset.done $0x0  }
0x5c: {  	s30 =	sadd.s32 $0x4900, s0;
	s31 =	sadd.s32 $0xFFFFFFFF, s28;
	[sflag:s22] =	ssyncadd.s32 $0xFFFFE000  }
0x5d: {  	[spmem:s2] =	stream.indirect.scatter.add.f32 [tilespmem:s19], [sflag:$0x5], $0x40, s30, s15, $0xb8;
	[tilespmem:$0x1B000] =	vst v63  }
0x5e: {  	p0 =	sge.u32 s31, s5;
	_ =	swait.ge [sflag:s13], $0x2000  }
0x5f: {  	s29 =	sshra.s32 @!p0 s26, $0x2;
	s31 =	simm.s32 @!p0 $0xB000;
	[sflag:s13] =	ssyncset.done $0x0  }
0x60: {  	s29 =	sadd.s32 @!p0 $0x280, s29;
	s30 =	simm.s32 @!p0 $0x80;
	[sflag:s13] =	ssyncadd.s32 $0xFFFFE000  }
0x61: {  	[tilespmem:s31], [sflag:$0x2] =	stream.indirect.gather @!p0 [hbm4b:s4+s30], $0x40, s29, s30, $0xb8;
	[tilespmem:$0x1B000] =	vst v63  }
0x62: {  	_ =	swait.ge [sflag:s23], $0x2000  }
0x63: {  	[sflag:s23] =	ssyncset.done $0x0  }
0x64: {  	s0 =	sadd.s32 $0x4980, s0;
	[sflag:s23] =	ssyncadd.s32 $0xFFFFE000  }
0x65: {  	[spmem:s2] =	stream.indirect.scatter.add.f32 [tilespmem:s24], [sflag:$0x5], $0x40, s0, s15, $0xb8;
	[tilespmem:$0x1B000] =	vst v63  }
0x66: {  	s25 =	sadd.s32 $0x1, s25;
	p0 =	sge.u32 s28, s5;
	_ =	swait.ge [sflag:s13], $0x2000  }
0x67: {  	s28 =	simm.s32 @!p0 $0xD000;
	s0 =	sshra.s32 @!p0 s26, $0x2;
	[sflag:s13] =	ssyncset.done $0x0  }
0x68: {  	s26 =	simm.s32 @!p0 $0x80;
	s0 =	sadd.s32 @!p0 $0x300, s0;
	[sflag:s13] =	ssyncadd.s32 $0xFFFFE000  }
0x69: {  	[tilespmem:s28], [sflag:$0x3] =	stream.indirect.gather @!p0 [hbm4b:s4+s26], $0x40, s0, s26, $0xb8;
	[tilespmem:$0x1B000] =	vst v63  }
0x6a: {  	p0 =	sne.s32 s25, s8  }
.Ltmp1:
0x6b: {  	[bflag:$0x0] =	sbarrier.arrive $0xFFFF;
	(pc) =	sbr.rel @p0 .LBB2_1-.Ltmp1, $4  }
0x6c: {  	[hbm:s11], [sflag:s10] =	dma.local [spmem:s12], $0x1400  }
0x6d: {  	_ =	swait.ge [sflag:s13], $0x1400  }
0x6e: {  	[sflag:s13] =	ssyncset.done $0x0  }
0x6f: {  	[sflag:s13] =	ssyncadd.s32 $0xFFFFEC00  }
0x70: {  	_ =	sfence.sel $0x180000  }
0x71: {  	[bflag:$0x0] =	sbarrier.arrive $0xFFFF  }
0x72: {  	_ =	strace $0x9000004A  }
0x73: {  	[bflag:$0x2] =	sbarrier.arrive $0xFFFF  }
0x74: {  	p0 =	sne.s32 s1, $0x0;
	s0 =	rddreg [dreg:$0x2]  }
0x75: {  	s0 =	sadd.s32 @!p0 $0x100000, s0  }
0x76: {  	[sflag:s0] =	ssyncadd.tile.s32 @!p0 $0x1;
	_ =	shalt  }
.Lfunc_end2:
_tile_overlayer_lowered:
.L_overlay_start_2:
0x77: {  	(tag) =	ssettag $0x2  }
0x78: {  	s0 =	rddreg [dreg:$0x0];
	s2 =	stileid.u32  }
0x79: {  	s1 =	rddreg [dreg:$0x1];
	p0 =	sne.s32 s2, $0x0  }
0x7a: {  	s3 =	rddreg [dreg:$0x2];
	[bflag:$0x3] =	sbarrier.arrive $0xFFFF;
	s2 =	simm.s32 @!p0 $0x1C05  }
0x7b: {  	[timem:s3], [sflag:s2] =	dma.local @!p0 [hbm:s0], s1  }
0x7c: {  	s0 =	simm.s32 @!p0 $0x5  }
0x7d: {  	_ =	swait.ge @!p0 [sflag:s0], s1  }
0x7e: {  	s1 =	ssub.s32 @!p0 $0x0, s1;
	[sflag:s0] =	ssyncset.done @!p0 $0x0  }
0x7f: {  	[sflag:s0] =	ssyncadd.s32 @!p0 s1  }
0x80: {  	[bflag:$0x3] =	sbarrier.arrive $0xFFFF  }
0x81: {  	_ =	shalt  }

// kernel: kernel.15.cloned.1.call-start
scs
__scs_entry_jumppad:
0x0: {  	(pc) =	sbr.rel $0x88, $3  }
0x1: {  	(tag) =	ssettag $0x0;
	lr =	simm.s32 $0x1  }
0x2: {  	[smem:$0x3F95] =	sst lr;
	_ =	strace $0xD0000000  }
0x3: {  	_ = 	snop  }
0x4: {  	_ = 	snop  }
0x5: {  	_ = 	snop  }
0x6: {  	_ = 	snop  }
0x7: {  	_ = 	snop  }
__scs_overlays_trampoline_lowered:
0x8: {  	[smem:$0x3FA4] =	sst s0  }
0x9: {  	[smem:$0x3FA5] =	sst s1  }
0xa: {  	[smem:$0x3FA6] =	sst s2  }
0xb: {  	[smem:$0x3FA7] =	sst s3  }
0xc: {  	[smem:$0x3FA8] =	sst s4  }
0xd: {  	[smem:$0x3FA9] =	sst s5  }
0xe: {  	[smem:$0x3FAA] =	sst s6  }
0xf: {  	[smem:$0x3FAB] =	sst s7  }
0x10: {  	[smem:$0x3FAC] =	sst s8  }
0x11: {  	[smem:$0x3FAD] =	sst s9;
	s0 =	simm.s32 @!p0 $0x0  }
0x12: {  	s1 =	sld [smem:$0x3F93];
	s0 =	simm.s32 @p0 $0x1  }
0x13: {  	[smem:$0x3FAE] =	sst s0;
	s0 =	simm.s32 @!p1 $0x0  }
0x14: {  	s2 =	sld [smem:$0x3F92];
	s0 =	simm.s32 @p1 $0x1  }
0x15: {  	[smem:$0x3FAF] =	sst s0;
	s0 =	simm.s32 @!p2 $0x0  }
0x16: {  	s3 =	sld [smem:$0x3FDB];
	s0 =	simm.s32 @p2 $0x1  }
0x17: {  	s4 =	simm.s32 $0x1BF5;
	[smem:$0x3FB1] =	sst s0  }
0x18: {  	s0 =	sld [smem:$0x3F94];
	_ =	swait.ge [sflag:s4], $0x0  }
0x19: {  	s7 =	sld [smem:$0x3F95]  }
0x1a: {  	s8 =	sadd.s32 $0xFFFFE003, lr  }
0x1b: {  	s9 =	sadd.s32 $0xFFFFFEF7, lr;
	s5 =	simm.s32 $0xFFFFFFFF;
	p2 =	slt.u32 s8, $0xFFFFF086  }
0x1c: {  	p1 =	slt.u32 s9, $0xF7A;
	s5 =	simm.s32 @!p2 $0x0  }
0x1d: {  	s5 =	simm.s32 @p1 $0x1;
	p0 =	seq.s32 s7, s2  }
0x1e: {  	s7 =	smul.u32 @!p0 $0xF7A, s2;
	p2 =	seq.s32 @!p0 s5, $0x0  }
0x1f: {  	s9 =	smul.u32 $0xF7A, s1;
	s8 =	simm.s32 @!p0 $0x1BF5;
	p2 =	por !p2, p0  }
0x20: {  	[sflag:s8] =	ssyncset.s32 @!p0 $0xFFFFF086;
	s6 =	sadd.s32 @!p0 s3, s7;
	s7 =	simm.s32 @!p0 $0x108  }
0x21: {  	s3 =	sadd.s32 s3, s9;
	s6 =	sadd.s32 @!p0 $0x88, s6;
	s7 =	simm.s32 @p2 $0x1082  }
0x22: {  	[simem:s7], [sflag:s8] =	dma.local @!p0 [hbm:s6], $0xF7A  }
0x23: {  	s9 =	sor.u32 $0xD0000000, s2;
	s6 =	simm.s32 $0x108;
	_ =	swait.ge @!p0 [sflag:s8], $0x0  }
0x24: {  	s3 =	sadd.s32 $0x88, s3;
	s6 =	simm.s32 @!p1 $0x1082;
	[sflag:s4] =	ssyncset.s32 $0xFFFFF086  }
0x25: {  	[simem:s6], [sflag:s4] =	dma.local [hbm:s3], $0xF7A  }
0x26: {  	[smem:$0x3F95] =	sst s1;
	(tag) =	ssettag s2;
	_ =	strace s9  }
0x27: {  	s1 =	sld [smem:$0x3FA5]  }
0x28: {  	s2 =	sld [smem:$0x3FA6]  }
0x29: {  	s4 =	sld [smem:$0x3FA8]  }
0x2a: {  	p0 =	seq.s32 s5, $0x0;
	s5 =	sld [smem:$0x3FA9]  }
0x2b: {  	s6 =	sld [smem:$0x3FAA]  }
0x2c: {  	s7 =	sld [smem:$0x3FAB]  }
0x2d: {  	s3 =	simm.s32 $0x108;
	s8 =	sld [smem:$0x3FAC]  }
0x2e: {  	s3 =	simm.s32 @!p0 $0x1082;
	s9 =	sld [smem:$0x3FAD]  }
0x2f: {  	lr =	sadd.s32 s0, s3;
	s0 =	sld [smem:$0x3FA4]  }
0x30: {  	s3 =	sld [smem:$0x3FA7]  }
0x31: {  	[smem:$0x3FB0] =	sst s10  }
0x32: {  	s10 =	sld [smem:$0x3FAE];
	_ =	sdelay $0x3  }
0x33: {  	p0 =	seq.s32 s10, $0x1;
	s10 =	sld [smem:$0x3FB0];
	_ =	sdelay $0x3  }
0x34: {  	[smem:$0x3FB0] =	sst s10  }
0x35: {  	s10 =	sld [smem:$0x3FAF];
	_ =	sdelay $0x3  }
0x36: {  	p1 =	seq.s32 s10, $0x1;
	s10 =	sld [smem:$0x3FB0];
	_ =	sdelay $0x3  }
0x37: {  	[smem:$0x3FB0] =	sst s10  }
0x38: {  	s10 =	sld [smem:$0x3FB1]  }
0x39: {  	_ = 	snop;
	(pc) =	sbr.ind lr, $3  }
0x3a: {  	_ = 	snop  }
0x3b: {  	_ = 	snop  }
0x3c: {  	p2 =	seq.s32 s10, $0x1;
	s10 =	sld [smem:$0x3FB0]  }
0x3d: {  	_ =	shalt  }
0x3e: {  	_ =	shalt  }
0x3f: {  	_ =	shalt  }
0x40: {  	_ =	shalt  }
0x41: {  	_ =	shalt  }
0x42: {  	_ =	shalt  }
0x43: {  	_ =	shalt  }
0x44: {  	_ =	shalt  }
0x45: {  	_ =	shalt  }
0x46: {  	_ =	shalt  }
0x47: {  	_ =	shalt  }
0x48: {  	_ =	shalt  }
0x49: {  	_ =	shalt  }
0x4a: {  	_ =	shalt  }
0x4b: {  	_ =	shalt  }
0x4c: {  	_ =	shalt  }
0x4d: {  	_ =	shalt  }
0x4e: {  	_ =	shalt  }
0x4f: {  	_ =	shalt  }
0x50: {  	_ =	shalt  }
0x51: {  	_ =	shalt  }
0x52: {  	_ =	shalt  }
0x53: {  	_ =	shalt  }
0x54: {  	_ =	shalt  }
0x55: {  	_ =	shalt  }
0x56: {  	_ =	shalt  }
0x57: {  	_ =	shalt  }
0x58: {  	_ =	shalt  }
0x59: {  	_ =	shalt  }
0x5a: {  	_ =	shalt  }
0x5b: {  	_ =	shalt  }
0x5c: {  	_ =	shalt  }
0x5d: {  	_ =	shalt  }
0x5e: {  	_ =	shalt  }
0x5f: {  	_ =	shalt  }
0x60: {  	_ =	shalt  }
0x61: {  	_ =	shalt  }
0x62: {  	_ =	shalt  }
0x63: {  	_ =	shalt  }
0x64: {  	_ =	shalt  }
0x65: {  	_ =	shalt  }
0x66: {  	_ =	shalt  }
0x67: {  	_ =	shalt  }
0x68: {  	_ =	shalt  }
0x69: {  	_ =	shalt  }
0x6a: {  	_ =	shalt  }
0x6b: {  	_ =	shalt  }
0x6c: {  	_ =	shalt  }
0x6d: {  	_ =	shalt  }
0x6e: {  	_ =	shalt  }
0x6f: {  	_ =	shalt  }
0x70: {  	_ =	shalt  }
0x71: {  	_ =	shalt  }
0x72: {  	_ =	shalt  }
0x73: {  	_ =	shalt  }
0x74: {  	_ =	shalt  }
0x75: {  	_ =	shalt  }
0x76: {  	_ =	shalt  }
0x77: {  	_ =	shalt  }
0x78: {  	_ =	shalt  }
0x79: {  	_ =	shalt  }
0x7a: {  	_ =	shalt  }
0x7b: {  	_ =	shalt  }
0x7c: {  	_ =	shalt  }
0x7d: {  	_ =	shalt  }
0x7e: {  	_ =	shalt  }
0x7f: {  	_ =	shalt  }
0x80: {  	_ =	shalt  }
0x81: {  	_ =	shalt  }
0x82: {  	_ =	shalt  }
0x83: {  	_ =	shalt  }
0x84: {  	_ =	shalt  }
0x85: {  	_ =	shalt  }
0x86: {  	_ =	shalt  }
0x87: {  	_ =	shalt  }
.Lfunc_end0:
.L_simem_size_0:
called_computation.2_lowered:
.L_overlay_start_0:
0x88: {  	s2 =	sld [smem:$0x3FD9]  }
0x89: {  	s3 =	sld [smem:$0x3FFE];
	_ =	sdelay $0x1  }
0x8a: {  	s1 =	srdreg.scid  }
0x8b: {  	s0 =	sand.u32 $0x1, s1  }
0x8c: {  	s16 =	sshll.u32 s0, $0xA;
	s2 =	sadd.s32 s3, s2  }
0x8d: {  	s2 =	sadd.s32 s2, s16  }
0x8e: {  	[smem:$0x3FBC] =	sst s2  }
0x8f: {  	_ = 	snop  }
0x90: {  	(tm) =	ssettm $0x1  }
0x91: {  	s17 =	sld [smem:$0x3FFB];
	_ =	sdelay $0x3  }
0x92: {  	_ =	strace s17  }
0x93: {  	s2 =	sld [smem:$0x3FFC];
	_ =	sdelay $0x3  }
0x94: {  	_ =	strace s2  }
0x95: {  	s2 =	sld [smem:$0x3FFD];
	_ =	sdelay $0x3  }
0x96: {  	_ =	strace s2  }
0x97: {  	_ =	strace $0x8FFFFFFF  }
0x98: {  	s18 =	sld [smem:$0x3FDB];
	_ =	sdelay $0x1  }
0x99: {  	s19 =	simm.s32 $_scs_section_size  }
0x9a: {  	s4 =	simm.s32 $_size__tile_overlayer_lowered;
	s5 =	simm.s32 $_tile_overlayer_lowered  }
0x9b: {  	s22 =	simm.s32 $0x1BFF;
	s21 =	sshll.u32 s5, $0x1;
	s2 =	sadd.s32 s19, s18  }
0x9c: {  	s6 =	simm.s32 $0x0;
	s20 =	sshll.u32 s4, $0x1;
	s4 =	sadd.s32 s21, s2  }
0x9d: {  	[timem:s6], [sflag:s22] =	dma.local [hbm:s4], s20  }
0x9e: {  	_ =	swait.ge [sflag:s22], s20  }
0x9f: {  	s3 =	ssub.s32 $0x0, s20;
	[sflag:s22] =	ssyncset.done $0x0  }
0xa0: {  	[sflag:s22] =	ssyncadd.s32 s3;
	_ =	sdelay $0x1  }
0xa1: {  	s23 =	simm.s32 $0x1B8B  }
0xa2: {  	_ =	swait.ge [sflag:s23], $0x1  }
0xa3: {  	[sflag:s23] =	ssyncset.done $0x0  }
0xa4: {  	s25 =	simm.s32 $0x1B8E;
	s24 =	sld [smem:$0x3FFE];
	[sflag:s23] =	ssyncadd.s32 $0xFFFFFFFF  }
0xa5: {  	s26 =	simm.s32 $execute0_lowered;
	[smem:$0x3FD2] =	sst s25  }
0xa6: {  	s4 =	sshll.u32 s26, $0x1;
	_ =	strace $0x8000004C;
	[dreg:$0x1] =	wrdreg $0xFFFFFFFF  }
0xa7: {  	s28 =	simm.s32 $_size_execute0_lowered;
	s2 =	sadd.s32 s2, s4;
	[dreg:$0x0] =	wrdreg $0x0  }
0xa8: {  	s4 =	sshll.u32 s28, $0x1;
	[dreg:$0x2] =	wrdreg s2  }
0xa9: {  	[dreg:$0x3] =	wrdreg s4  }
0xaa: {  	[dreg:$0x4] =	wrdreg $0xC0  }
0xab: {  	_ =	task [dreg:s6], $0x5FFFF  }
0xac: {  	[dreg:$0x1] =	wrdreg $0xFFFFFFFF  }
0xad: {  	[dreg:$0x0] =	wrdreg $0x60  }
0xae: {  	[dreg:$0x2] =	wrdreg s24  }
0xaf: {  	[dreg:$0x3] =	wrdreg $0x90000  }
0xb0: {  	[dreg:$0x4] =	wrdreg $0x9  }
0xb1: {  	_ =	task.clear_ibuf [dreg:s6], $0x5FFFF;
	_ =	strace $0x9000004C  }
0xb2: {  	s29 =	simm.s32 $0x9;
	_ =	strace $0x8000004E  }
0xb3: {  	_ =	swait.ge [sflag:s29], $0x1  }
0xb4: {  	[sflag:s29] =	ssyncadd.s32 $0xFFFFFFFF  }
0xb5: {  	_ =	strace $0x9000004E  }
0xb6: {  	_ =	sfence  }
0xb7: {  	s30 =	sld [smem:$0x0];
	_ =	sdelay $0x2  }
0xb8: {  	s31 =	sshll.u32 s1, $0xD;
	s1 =	sshrl.u32 s1, $0x2  }
0xb9: {  	s3 =	sand.u32 $0x4000, s31;
	s1 =	sadd.s32 s1, s30  }
0xba: {  	s0 =	sor.u32 s3, s0;
	s1 =	sshll.u32 s1, $0x11  }
0xbb: {  	s0 =	sor.u32 s1, s0  }
0xbc: {  	s0 =	sadd.s32 $0x8F2B, s0  }
0xbd: {  	[sflag:s0] =	ssyncadd.remote.s32 $0x1  }
0xbe: {  	_ =	sfence.sel $0xFFFF  }
0xbf: {  	[dreg:$0x0] =	wrdreg $0xFFFFFFFF;
	(pc) =	sbr.abs _section_cstart, $3  }
0xc0: {  	[dreg:$0x1] =	wrdreg $0xFFFFFFFF  }
0xc1: {  	_ =	task.clear_ibuf [dreg:s6], $0x2FFFF;
	_ =	strace $0x9FFFFFFF  }
0xc2: {  	(tm) =	ssettm $0x7FFFFFFF  }
0xc3: {  	_ =	shalt  }
tec
execute0_lowered:
.L_overlay_start_1:
0x0: {  	(tag) =	ssettag $0x1  }
0x1: {  	s5 =	rddreg [dreg:$0x0]  }
0x2: {  	s2 =	rddreg [dreg:$0x1]  }
0x3: {  	s0 =	stileid.u32;
	s3 =	srdreg.scid;
	s16 =	simm.s32 $0x7000  }
0x4: {  	s17 =	simm.s32 $0x7800;
	s18 =	simm.s32 $0x100;
	s19 =	simm.s32 $0x8000  }
0x5: {  	s20 =	simm.s32 $0x1;
	s21 =	simm.s32 $0x2;
	s22 =	simm.s32 $0x3  }
0x6: {  	s23 =	simm.s32 $0x4;
	s24 =	simm.s32 $0x8800;
	s4 =	smul.u32 $0x30, s0  }
0x7: {  	s25 =	simm.s32 $0x0;
	s6 =	sand.u32 $0x1, s3;
	s7 =	smul.u32 $0x70, s0  }
0x8: {  	s3 =	simm.s32 $0x0;
	s9 =	sadd.s32 $0x19600, s5;
	s10 =	sadd.s32 $0x50600, s5  }
0x9: {  	s8 =	smul.u32 $0x2800, s0;
	s11 =	sadd.s32 $0x4B600, s5;
	s30 =	sshll.u32 s0, $0x6  }
0xa: {  	p0 =	seq.s32 s6, $0x0;
	[smem:$0x7FF] =	sst s3;
	s6 =	ssub.s32 $0x2, s6  }
0xb: {  	s4 =	sadd.s32 $0x700, s4;
	_ =	strace $0x8000004D;
	s12 =	sshrl.u32 s6, $0x1  }
0xc: {  	s13 =	sadd.s32 s8, s2;
	s14 =	sshrl.u32 s8, $0x3;
	s11 =	smov.u32 @p0 s10  }
0xd: {  	s10 =	sor.u32 $0x1C05, s30;
	s4 =	smov.u32 @p0 s7;
	s12 =	ssub.s32 s6, s12  }
0xe: {  	s11 =	sadd.s32 s11, s14;
	s7 =	sshll.u32 s4, $0x4;
	s4 =	sadd.s32 $0x46600, s5  }
0xf: {  	s8 =	smax.u32 s12, $0x1;
	s7 =	sadd.s32 s7, s5;
	s5 =	simm.s32 $0x70  }
0x10: {  	s12 =	sshrl.u32 s13, $0x3;
	s13 =	simm.s32 $0x5;
	s5 =	simm.s32 @!p0 $0x30  }
0x11: {  	s9 =	smov.u32 @p0 s4;
	s6 =	sadd.s32 $0xEE00, s7;
	s15 =	sshll.u32 s5, $0x9  }
0x12: {  	s7 =	sadd.s32 $0x4600, s7;
	s9 =	sadd.s32 s9, s14;
	s31 =	sadd.s32 $0xFFFFF800, s15  }
0x13: {  	s14 =	simm.s32 $0x3800;
	s15 =	simm.s32 $0x80;
	[dreg:$0x3] =	wrdreg s31  }
.LBB2_1:
0x14: {  	[spmem:s12], [sflag:s10] =	dma.local [hbm:s9], $0x500  }
0x15: {  	_ =	swait.ge [sflag:s13], $0x500  }
0x16: {  	[sflag:s13] =	ssyncset.done $0x0  }
0x17: {  	[sflag:s13] =	ssyncadd.s32 $0xFFFFFB00  }
0x18: {  	[tilespmem:s3], [sflag:$0x5] =	stream.linear.gather [hbm4b:s6+s3], $0x3800, $0x38;
	[tilespmem:$0xB800] =	vst v63  }
0x19: {  	_ =	swait.ge [sflag:s13], $0x3800  }
0x1a: {  	[sflag:s13] =	ssyncset.done $0x0  }
0x1b: {  	[sflag:s13] =	ssyncadd.s32 $0xFFFFC800  }
0x1c: {  	[tilespmem:s14], [sflag:$0x5] =	stream.linear.gather [hbm4b:s7+s3], $0x3800, $0x38;
	[tilespmem:$0xB800] =	vst v63  }
0x1d: {  	_ =	swait.ge [sflag:s13], $0x3800  }
0x1e: {  	[sflag:s13] =	ssyncset.done $0x0  }
0x1f: {  	[sflag:s13] =	ssyncadd.s32 $0xFFFFC800  }
0x20: {  	[bflag:$0x0] =	sbarrier.arrive $0xFFFF  }
0x21: {  	[tilespmem:s16], [sflag:$0x1] =	stream.indirect.gather [hbm4b:s4+s15], $0x10, s3, s15, $0xb8;
	[tilespmem:$0xB800] =	vst v63  }
0x22: {  	_ = 	snop  }
0x23: {  	[tilespmem:s17], [sflag:$0x2] =	stream.indirect.gather [hbm4b:s4+s15], $0x10, s15, s15, $0xb8;
	[tilespmem:$0xB800] =	vst v63  }
0x24: {  	s28 =	simm.s32 $0x6;
	s26 =	simm.s32 $0x0  }
0x25: {  	[tilespmem:s19], [sflag:$0x3] =	stream.indirect.gather [hbm4b:s4+s15], $0x10, s18, s15, $0xb8;
	[tilespmem:$0xB800] =	vst v63  }
.LBB2_2:
0x26: {  	_ =	swait.ge [sflag:s20], $0x800  }
0x27: {  	s29 =	sshra.s32 s26, $0x2;
	[sflag:s20] =	ssyncset.done $0x0  }
0x28: {  	s1 =	sadd.s32 $0xFFFFFFFD, s28;
	s30 =	sadd.s32 $0x3800, s29;
	[sflag:s20] =	ssyncadd.s32 $0xFFFFF800  }
0x29: {  	[spmem:s2] =	stream.indirect.scatter.add.f32 [tilespmem:s16], [sflag:$0x5], $0x10, s30, s15, $0xb8;
	[tilespmem:$0xB800] =	vst v63  }
0x2a: {  	p0 =	sge.u32 s1, s5;
	_ =	swait.ge [sflag:s13], $0x800  }
0x2b: {  	s31 =	simm.s32 @!p0 $0x80;
	s30 =	sshra.s32 @!p0 s26, $0x2;
	[sflag:s13] =	ssyncset.done $0x0  }
0x2c: {  	s1 =	simm.s32 @!p0 $0x8800;
	s30 =	sadd.s32 @!p0 $0x180, s30;
	[sflag:s13] =	ssyncadd.s32 $0xFFFFF800  }
0x2d: {  	[tilespmem:s1], [sflag:$0x4] =	stream.indirect.gather @!p0 [hbm4b:s4+s31], $0x10, s30, s31, $0xb8;
	[tilespmem:$0xB800] =	vst v63  }
0x2e: {  	_ =	swait.ge [sflag:s21], $0x800  }
0x2f: {  	[sflag:s21] =	ssyncset.done $0x0  }
0x30: {  	s31 =	sadd.s32 $0x3880, s29;
	s30 =	sadd.s32 $0xFFFFFFFE, s28;
	[sflag:s21] =	ssyncadd.s32 $0xFFFFF800  }
0x31: {  	[spmem:s2] =	stream.indirect.scatter.add.f32 [tilespmem:s17], [sflag:$0x5], $0x10, s31, s15, $0xb8;
	[tilespmem:$0xB800] =	vst v63  }
0x32: {  	p0 =	sge.u32 s30, s5;
	_ =	swait.ge [sflag:s13], $0x800  }
0x33: {  	s1 =	sshra.s32 @!p0 s26, $0x2;
	s30 =	simm.s32 @!p0 $0x80;
	[sflag:s13] =	ssyncset.done $0x0  }
0x34: {  	s1 =	sadd.s32 @!p0 $0x200, s1;
	s31 =	simm.s32 @!p0 $0x7000;
	[sflag:s13] =	ssyncadd.s32 $0xFFFFF800  }
0x35: {  	[tilespmem:s31], [sflag:$0x1] =	stream.indirect.gather @!p0 [hbm4b:s4+s30], $0x10, s1, s30, $0xb8;
	[tilespmem:$0xB800] =	vst v63  }
0x36: {  	_ =	swait.ge [sflag:s22], $0x800  }
0x37: {  	[sflag:s22] =	ssyncset.done $0x0  }
0x38: {  	s31 =	sadd.s32 $0x3900, s29;
	s30 =	sadd.s32 $0xFFFFFFFF, s28;
	[sflag:s22] =	ssyncadd.s32 $0xFFFFF800  }
0x39: {  	[spmem:s2] =	stream.indirect.scatter.add.f32 [tilespmem:s19], [sflag:$0x5], $0x10, s31, s15, $0xb8;
	[tilespmem:$0xB800] =	vst v63  }
0x3a: {  	p0 =	sge.u32 s30, s5;
	_ =	swait.ge [sflag:s13], $0x800  }
0x3b: {  	s1 =	sshra.s32 @!p0 s26, $0x2;
	s30 =	simm.s32 @!p0 $0x80;
	[sflag:s13] =	ssyncset.done $0x0  }
0x3c: {  	s1 =	sadd.s32 @!p0 $0x280, s1;
	s31 =	simm.s32 @!p0 $0x7800;
	[sflag:s13] =	ssyncadd.s32 $0xFFFFF800  }
0x3d: {  	[tilespmem:s31], [sflag:$0x2] =	stream.indirect.gather @!p0 [hbm4b:s4+s30], $0x10, s1, s30, $0xb8;
	[tilespmem:$0xB800] =	vst v63  }
0x3e: {  	_ =	swait.ge [sflag:s23], $0x800  }
0x3f: {  	[sflag:s23] =	ssyncset.done $0x0  }
0x40: {  	s31 =	sadd.s32 $0x3980, s29;
	p0 =	sge.u32 s28, s5;
	[sflag:s23] =	ssyncadd.s32 $0xFFFFF800  }
0x41: {  	[spmem:s2] =	stream.indirect.scatter.add.f32 [tilespmem:s24], [sflag:$0x5], $0x10, s31, s15, $0xb8;
	[tilespmem:$0xB800] =	vst v63  }
0x42: {  	s1 =	sshra.s32 @!p0 s26, $0x2;
	s29 =	simm.s32 @!p0 $0x80;
	_ =	swait.ge [sflag:s13], $0x800  }
0x43: {  	s30 =	simm.s32 @!p0 $0x8000;
	s26 =	sadd.s32 $0x800, s26;
	[sflag:s13] =	ssyncset.done $0x0  }
0x44: {  	s1 =	sadd.s32 @!p0 $0x300, s1;
	s31 =	rddreg [dreg:$0x3];
	[sflag:s13] =	ssyncadd.s32 $0xFFFFF800  }
0x45: {  	[tilespmem:s30], [sflag:$0x3] =	stream.indirect.gather @!p0 [hbm4b:s4+s29], $0x10, s1, s29, $0xb8;
	[tilespmem:$0xB800] =	vst v63  }
0x46: {  	p0 =	sne.s32 s31, s26  }
.Ltmp0:
0x47: {  	_ = 	snop;
	(pc) =	sbr.rel @p0 .LBB2_2-.Ltmp0, $2  }
0x48: {  	_ =	sdelay $0x2  }
0x49: {  	s28 =	sadd.s32 $0x4, s28  }
0x4a: {  	_ =	swait.ge [sflag:s20], $0x800  }
0x4b: {  	s1 =	sshra.s32 s26, $0x2;
	[sflag:s20] =	ssyncset.done $0x0  }
0x4c: {  	s31 =	sadd.s32 $0xFFFFFFFD, s28;
	s29 =	sadd.s32 $0x3800, s1;
	[sflag:s20] =	ssyncadd.s32 $0xFFFFF800  }
0x4d: {  	[spmem:s2] =	stream.indirect.scatter.add.f32 [tilespmem:s16], [sflag:$0x5], $0x10, s29, s15, $0xb8;
	[tilespmem:$0xB800] =	vst v63  }
0x4e: {  	p0 =	sge.u32 s31, s5;
	_ =	swait.ge [sflag:s13], $0x800  }
0x4f: {  	s30 =	simm.s32 @!p0 $0x80;
	s29 =	sshra.s32 @!p0 s26, $0x2;
	[sflag:s13] =	ssyncset.done $0x0  }
0x50: {  	s31 =	simm.s32 @!p0 $0x8800;
	s29 =	sadd.s32 @!p0 $0x180, s29;
	[sflag:s13] =	ssyncadd.s32 $0xFFFFF800  }
0x51: {  	[tilespmem:s31], [sflag:$0x4] =	stream.indirect.gather @!p0 [hbm4b:s4+s30], $0x10, s29, s30, $0xb8;
	[tilespmem:$0xB800] =	vst v63  }
0x52: {  	_ =	swait.ge [sflag:s21], $0x800  }
0x53: {  	[sflag:s21] =	ssyncset.done $0x0  }
0x54: {  	s30 =	sadd.s32 $0x3880, s1;
	s31 =	sadd.s32 $0xFFFFFFFE, s28;
	[sflag:s21] =	ssyncadd.s32 $0xFFFFF800  }
0x55: {  	[spmem:s2] =	stream.indirect.scatter.add.f32 [tilespmem:s17], [sflag:$0x5], $0x10, s30, s15, $0xb8;
	[tilespmem:$0xB800] =	vst v63  }
0x56: {  	p0 =	sge.u32 s31, s5;
	_ =	swait.ge [sflag:s13], $0x800  }
0x57: {  	s29 =	sshra.s32 @!p0 s26, $0x2;
	s31 =	simm.s32 @!p0 $0x7000;
	[sflag:s13] =	ssyncset.done $0x0  }
0x58: {  	s29 =	sadd.s32 @!p0 $0x200, s29;
	s30 =	simm.s32 @!p0 $0x80;
	[sflag:s13] =	ssyncadd.s32 $0xFFFFF800  }
0x59: {  	[tilespmem:s31], [sflag:$0x1] =	stream.indirect.gather @!p0 [hbm4b:s4+s30], $0x10, s29, s30, $0xb8;
	[tilespmem:$0xB800] =	vst v63  }
0x5a: {  	_ =	swait.ge [sflag:s22], $0x800  }
0x5b: {  	[sflag:s22] =	ssyncset.done $0x0  }
0x5c: {  	s30 =	sadd.s32 $0x3900, s1;
	s31 =	sadd.s32 $0xFFFFFFFF, s28;
	[sflag:s22] =	ssyncadd.s32 $0xFFFFF800  }
0x5d: {  	[spmem:s2] =	stream.indirect.scatter.add.f32 [tilespmem:s19], [sflag:$0x5], $0x10, s30, s15, $0xb8;
	[tilespmem:$0xB800] =	vst v63  }
0x5e: {  	p0 =	sge.u32 s31, s5;
	_ =	swait.ge [sflag:s13], $0x800  }
0x5f: {  	s29 =	sshra.s32 @!p0 s26, $0x2;
	s31 =	simm.s32 @!p0 $0x7800;
	[sflag:s13] =	ssyncset.done $0x0  }
0x60: {  	s29 =	sadd.s32 @!p0 $0x280, s29;
	s30 =	simm.s32 @!p0 $0x80;
	[sflag:s13] =	ssyncadd.s32 $0xFFFFF800  }
0x61: {  	[tilespmem:s31], [sflag:$0x2] =	stream.indirect.gather @!p0 [hbm4b:s4+s30], $0x10, s29, s30, $0xb8;
	[tilespmem:$0xB800] =	vst v63  }
0x62: {  	_ =	swait.ge [sflag:s23], $0x800  }
0x63: {  	[sflag:s23] =	ssyncset.done $0x0  }
0x64: {  	s1 =	sadd.s32 $0x3980, s1;
	[sflag:s23] =	ssyncadd.s32 $0xFFFFF800  }
0x65: {  	[spmem:s2] =	stream.indirect.scatter.add.f32 [tilespmem:s24], [sflag:$0x5], $0x10, s1, s15, $0xb8;
	[tilespmem:$0xB800] =	vst v63  }
0x66: {  	s25 =	sadd.s32 $0x1, s25;
	p0 =	sge.u32 s28, s5;
	_ =	swait.ge [sflag:s13], $0x800  }
0x67: {  	s28 =	simm.s32 @!p0 $0x8000;
	s1 =	sshra.s32 @!p0 s26, $0x2;
	[sflag:s13] =	ssyncset.done $0x0  }
0x68: {  	s26 =	simm.s32 @!p0 $0x80;
	s1 =	sadd.s32 @!p0 $0x300, s1;
	[sflag:s13] =	ssyncadd.s32 $0xFFFFF800  }
0x69: {  	[tilespmem:s28], [sflag:$0x3] =	stream.indirect.gather @!p0 [hbm4b:s4+s26], $0x10, s1, s26, $0xb8;
	[tilespmem:$0xB800] =	vst v63  }
0x6a: {  	p0 =	sne.s32 s25, s8  }
.Ltmp1:
0x6b: {  	[bflag:$0x0] =	sbarrier.arrive $0xFFFF;
	(pc) =	sbr.rel @p0 .LBB2_1-.Ltmp1, $4  }
0x6c: {  	[hbm:s11], [sflag:s10] =	dma.local [spmem:s12], $0x500  }
0x6d: {  	_ =	swait.ge [sflag:s13], $0x500  }
0x6e: {  	[sflag:s13] =	ssyncset.done $0x0  }
0x6f: {  	[sflag:s13] =	ssyncadd.s32 $0xFFFFFB00  }
0x70: {  	_ =	sfence.sel $0x180000  }
0x71: {  	[bflag:$0x0] =	sbarrier.arrive $0xFFFF  }
0x72: {  	_ =	strace $0x9000004D  }
0x73: {  	[bflag:$0x2] =	sbarrier.arrive $0xFFFF  }
0x74: {  	p0 =	sne.s32 s0, $0x0;
	s0 =	rddreg [dreg:$0x2]  }
0x75: {  	s0 =	sadd.s32 @!p0 $0x100000, s0  }
0x76: {  	[sflag:s0] =	ssyncadd.tile.s32 @!p0 $0x1;
	_ =	shalt  }
.Lfunc_end2:
_tile_overlayer_lowered:
.L_overlay_start_2:
0x77: {  	(tag) =	ssettag $0x2  }
0x78: {  	s0 =	rddreg [dreg:$0x0];
	s2 =	stileid.u32  }
0x79: {  	s1 =	rddreg [dreg:$0x1];
	p0 =	sne.s32 s2, $0x0  }
0x7a: {  	s3 =	rddreg [dreg:$0x2];
	[bflag:$0x3] =	sbarrier.arrive $0xFFFF;
	s2 =	simm.s32 @!p0 $0x1C05  }
0x7b: {  	[timem:s3], [sflag:s2] =	dma.local @!p0 [hbm:s0], s1  }
0x7c: {  	s0 =	simm.s32 @!p0 $0x5  }
0x7d: {  	_ =	swait.ge @!p0 [sflag:s0], s1  }
0x7e: {  	s1 =	ssub.s32 @!p0 $0x0, s1;
	[sflag:s0] =	ssyncset.done @!p0 $0x0  }
0x7f: {  	[sflag:s0] =	ssyncadd.s32 @!p0 s1  }
0x80: {  	[bflag:$0x3] =	sbarrier.arrive $0xFFFF  }
0x81: {  	_ =	shalt  }

// kernel: kernel.9.cloned.1.call-start
scs
__scs_entry_jumppad:
0x0: {  	(pc) =	sbr.rel $0x88, $3  }
0x1: {  	(tag) =	ssettag $0x0;
	lr =	simm.s32 $0x1  }
0x2: {  	[smem:$0x3F95] =	sst lr;
	_ =	strace $0xD0000000  }
0x3: {  	_ = 	snop  }
0x4: {  	_ = 	snop  }
0x5: {  	_ = 	snop  }
0x6: {  	_ = 	snop  }
0x7: {  	_ = 	snop  }
__scs_overlays_trampoline_lowered:
0x8: {  	[smem:$0x3FA4] =	sst s0  }
0x9: {  	[smem:$0x3FA5] =	sst s1  }
0xa: {  	[smem:$0x3FA6] =	sst s2  }
0xb: {  	[smem:$0x3FA7] =	sst s3  }
0xc: {  	[smem:$0x3FA8] =	sst s4  }
0xd: {  	[smem:$0x3FA9] =	sst s5  }
0xe: {  	[smem:$0x3FAA] =	sst s6  }
0xf: {  	[smem:$0x3FAB] =	sst s7  }
0x10: {  	[smem:$0x3FAC] =	sst s8  }
0x11: {  	[smem:$0x3FAD] =	sst s9;
	s0 =	simm.s32 @!p0 $0x0  }
0x12: {  	s1 =	sld [smem:$0x3F93];
	s0 =	simm.s32 @p0 $0x1  }
0x13: {  	[smem:$0x3FAE] =	sst s0;
	s0 =	simm.s32 @!p1 $0x0  }
0x14: {  	s2 =	sld [smem:$0x3F92];
	s0 =	simm.s32 @p1 $0x1  }
0x15: {  	[smem:$0x3FAF] =	sst s0;
	s0 =	simm.s32 @!p2 $0x0  }
0x16: {  	s3 =	sld [smem:$0x3FDB];
	s0 =	simm.s32 @p2 $0x1  }
0x17: {  	s4 =	simm.s32 $0x1BF5;
	[smem:$0x3FB1] =	sst s0  }
0x18: {  	s0 =	sld [smem:$0x3F94];
	_ =	swait.ge [sflag:s4], $0x0  }
0x19: {  	s7 =	sld [smem:$0x3F95]  }
0x1a: {  	s8 =	sadd.s32 $0xFFFFE003, lr  }
0x1b: {  	s9 =	sadd.s32 $0xFFFFFEF7, lr;
	s5 =	simm.s32 $0xFFFFFFFF;
	p2 =	slt.u32 s8, $0xFFFFF086  }
0x1c: {  	p1 =	slt.u32 s9, $0xF7A;
	s5 =	simm.s32 @!p2 $0x0  }
0x1d: {  	s5 =	simm.s32 @p1 $0x1;
	p0 =	seq.s32 s7, s2  }
0x1e: {  	s7 =	smul.u32 @!p0 $0xF7A, s2;
	p2 =	seq.s32 @!p0 s5, $0x0  }
0x1f: {  	s9 =	smul.u32 $0xF7A, s1;
	s8 =	simm.s32 @!p0 $0x1BF5;
	p2 =	por !p2, p0  }
0x20: {  	[sflag:s8] =	ssyncset.s32 @!p0 $0xFFFFF086;
	s6 =	sadd.s32 @!p0 s3, s7;
	s7 =	simm.s32 @!p0 $0x108  }
0x21: {  	s3 =	sadd.s32 s3, s9;
	s6 =	sadd.s32 @!p0 $0x88, s6;
	s7 =	simm.s32 @p2 $0x1082  }
0x22: {  	[simem:s7], [sflag:s8] =	dma.local @!p0 [hbm:s6], $0xF7A  }
0x23: {  	s9 =	sor.u32 $0xD0000000, s2;
	s6 =	simm.s32 $0x108;
	_ =	swait.ge @!p0 [sflag:s8], $0x0  }
0x24: {  	s3 =	sadd.s32 $0x88, s3;
	s6 =	simm.s32 @!p1 $0x1082;
	[sflag:s4] =	ssyncset.s32 $0xFFFFF086  }
0x25: {  	[simem:s6], [sflag:s4] =	dma.local [hbm:s3], $0xF7A  }
0x26: {  	[smem:$0x3F95] =	sst s1;
	(tag) =	ssettag s2;
	_ =	strace s9  }
0x27: {  	s1 =	sld [smem:$0x3FA5]  }
0x28: {  	s2 =	sld [smem:$0x3FA6]  }
0x29: {  	s4 =	sld [smem:$0x3FA8]  }
0x2a: {  	p0 =	seq.s32 s5, $0x0;
	s5 =	sld [smem:$0x3FA9]  }
0x2b: {  	s6 =	sld [smem:$0x3FAA]  }
0x2c: {  	s7 =	sld [smem:$0x3FAB]  }
0x2d: {  	s3 =	simm.s32 $0x108;
	s8 =	sld [smem:$0x3FAC]  }
0x2e: {  	s3 =	simm.s32 @!p0 $0x1082;
	s9 =	sld [smem:$0x3FAD]  }
0x2f: {  	lr =	sadd.s32 s0, s3;
	s0 =	sld [smem:$0x3FA4]  }
0x30: {  	s3 =	sld [smem:$0x3FA7]  }
0x31: {  	[smem:$0x3FB0] =	sst s10  }
0x32: {  	s10 =	sld [smem:$0x3FAE];
	_ =	sdelay $0x3  }
0x33: {  	p0 =	seq.s32 s10, $0x1;
	s10 =	sld [smem:$0x3FB0];
	_ =	sdelay $0x3  }
0x34: {  	[smem:$0x3FB0] =	sst s10  }
0x35: {  	s10 =	sld [smem:$0x3FAF];
	_ =	sdelay $0x3  }
0x36: {  	p1 =	seq.s32 s10, $0x1;
	s10 =	sld [smem:$0x3FB0];
	_ =	sdelay $0x3  }
0x37: {  	[smem:$0x3FB0] =	sst s10  }
0x38: {  	s10 =	sld [smem:$0x3FB1]  }
0x39: {  	_ = 	snop;
	(pc) =	sbr.ind lr, $3  }
0x3a: {  	_ = 	snop  }
0x3b: {  	_ = 	snop  }
0x3c: {  	p2 =	seq.s32 s10, $0x1;
	s10 =	sld [smem:$0x3FB0]  }
0x3d: {  	_ =	shalt  }
0x3e: {  	_ =	shalt  }
0x3f: {  	_ =	shalt  }
0x40: {  	_ =	shalt  }
0x41: {  	_ =	shalt  }
0x42: {  	_ =	shalt  }
0x43: {  	_ =	shalt  }
0x44: {  	_ =	shalt  }
0x45: {  	_ =	shalt  }
0x46: {  	_ =	shalt  }
0x47: {  	_ =	shalt  }
0x48: {  	_ =	shalt  }
0x49: {  	_ =	shalt  }
0x4a: {  	_ =	shalt  }
0x4b: {  	_ =	shalt  }
0x4c: {  	_ =	shalt  }
0x4d: {  	_ =	shalt  }
0x4e: {  	_ =	shalt  }
0x4f: {  	_ =	shalt  }
0x50: {  	_ =	shalt  }
0x51: {  	_ =	shalt  }
0x52: {  	_ =	shalt  }
0x53: {  	_ =	shalt  }
0x54: {  	_ =	shalt  }
0x55: {  	_ =	shalt  }
0x56: {  	_ =	shalt  }
0x57: {  	_ =	shalt  }
0x58: {  	_ =	shalt  }
0x59: {  	_ =	shalt  }
0x5a: {  	_ =	shalt  }
0x5b: {  	_ =	shalt  }
0x5c: {  	_ =	shalt  }
0x5d: {  	_ =	shalt  }
0x5e: {  	_ =	shalt  }
0x5f: {  	_ =	shalt  }
0x60: {  	_ =	shalt  }
0x61: {  	_ =	shalt  }
0x62: {  	_ =	shalt  }
0x63: {  	_ =	shalt  }
0x64: {  	_ =	shalt  }
0x65: {  	_ =	shalt  }
0x66: {  	_ =	shalt  }
0x67: {  	_ =	shalt  }
0x68: {  	_ =	shalt  }
0x69: {  	_ =	shalt  }
0x6a: {  	_ =	shalt  }
0x6b: {  	_ =	shalt  }
0x6c: {  	_ =	shalt  }
0x6d: {  	_ =	shalt  }
0x6e: {  	_ =	shalt  }
0x6f: {  	_ =	shalt  }
0x70: {  	_ =	shalt  }
0x71: {  	_ =	shalt  }
0x72: {  	_ =	shalt  }
0x73: {  	_ =	shalt  }
0x74: {  	_ =	shalt  }
0x75: {  	_ =	shalt  }
0x76: {  	_ =	shalt  }
0x77: {  	_ =	shalt  }
0x78: {  	_ =	shalt  }
0x79: {  	_ =	shalt  }
0x7a: {  	_ =	shalt  }
0x7b: {  	_ =	shalt  }
0x7c: {  	_ =	shalt  }
0x7d: {  	_ =	shalt  }
0x7e: {  	_ =	shalt  }
0x7f: {  	_ =	shalt  }
0x80: {  	_ =	shalt  }
0x81: {  	_ =	shalt  }
0x82: {  	_ =	shalt  }
0x83: {  	_ =	shalt  }
0x84: {  	_ =	shalt  }
0x85: {  	_ =	shalt  }
0x86: {  	_ =	shalt  }
0x87: {  	_ =	shalt  }
.Lfunc_end0:
.L_simem_size_0:
called_computation_lowered:
.L_overlay_start_0:
0x88: {  	s2 =	sld [smem:$0x3FD9]  }
0x89: {  	s3 =	sld [smem:$0x3FFE];
	_ =	sdelay $0x1  }
0x8a: {  	s1 =	srdreg.scid  }
0x8b: {  	s0 =	sand.u32 $0x1, s1  }
0x8c: {  	s16 =	sshll.u32 s0, $0xA;
	s2 =	sadd.s32 s3, s2  }
0x8d: {  	s2 =	sadd.s32 s2, s16  }
0x8e: {  	[smem:$0x3FBC] =	sst s2  }
0x8f: {  	_ = 	snop  }
0x90: {  	(tm) =	ssettm $0x1  }
0x91: {  	s17 =	sld [smem:$0x3FFB];
	_ =	sdelay $0x3  }
0x92: {  	_ =	strace s17  }
0x93: {  	s2 =	sld [smem:$0x3FFC];
	_ =	sdelay $0x3  }
0x94: {  	_ =	strace s2  }
0x95: {  	s2 =	sld [smem:$0x3FFD];
	_ =	sdelay $0x3  }
0x96: {  	_ =	strace s2  }
0x97: {  	_ =	strace $0x8FFFFFFF  }
0x98: {  	s18 =	sld [smem:$0x3FDB];
	_ =	sdelay $0x1  }
0x99: {  	s19 =	simm.s32 $_scs_section_size  }
0x9a: {  	s4 =	simm.s32 $_size__tile_overlayer_lowered;
	s5 =	simm.s32 $_tile_overlayer_lowered  }
0x9b: {  	s22 =	simm.s32 $0x1BFF;
	s21 =	sshll.u32 s5, $0x1;
	s2 =	sadd.s32 s19, s18  }
0x9c: {  	s6 =	simm.s32 $0x0;
	s20 =	sshll.u32 s4, $0x1;
	s4 =	sadd.s32 s21, s2  }
0x9d: {  	[timem:s6], [sflag:s22] =	dma.local [hbm:s4], s20  }
0x9e: {  	_ =	swait.ge [sflag:s22], s20  }
0x9f: {  	s3 =	ssub.s32 $0x0, s20;
	[sflag:s22] =	ssyncset.done $0x0  }
0xa0: {  	[sflag:s22] =	ssyncadd.s32 s3;
	_ =	sdelay $0x1  }
0xa1: {  	s23 =	simm.s32 $0x1B8B  }
0xa2: {  	_ =	swait.ge [sflag:s23], $0x1  }
0xa3: {  	[sflag:s23] =	ssyncset.done $0x0  }
0xa4: {  	s25 =	simm.s32 $0x1B8E;
	s24 =	sld [smem:$0x3FFE];
	[sflag:s23] =	ssyncadd.s32 $0xFFFFFFFF  }
0xa5: {  	s26 =	simm.s32 $execute0_lowered;
	[smem:$0x3FD2] =	sst s25  }
0xa6: {  	s4 =	sshll.u32 s26, $0x1;
	_ =	strace $0x80000046;
	[dreg:$0x1] =	wrdreg $0xFFFFFFFF  }
0xa7: {  	s28 =	simm.s32 $_size_execute0_lowered;
	s2 =	sadd.s32 s2, s4;
	[dreg:$0x0] =	wrdreg $0x0  }
0xa8: {  	s4 =	sshll.u32 s28, $0x1;
	[dreg:$0x2] =	wrdreg s2  }
0xa9: {  	[dreg:$0x3] =	wrdreg s4  }
0xaa: {  	[dreg:$0x4] =	wrdreg $0xC0  }
0xab: {  	_ =	task [dreg:s6], $0x5FFFF  }
0xac: {  	[dreg:$0x1] =	wrdreg $0xFFFFFFFF  }
0xad: {  	[dreg:$0x0] =	wrdreg $0x60  }
0xae: {  	[dreg:$0x2] =	wrdreg s24  }
0xaf: {  	[dreg:$0x3] =	wrdreg $0x3A000  }
0xb0: {  	[dreg:$0x4] =	wrdreg $0x9  }
0xb1: {  	_ =	task.clear_ibuf [dreg:s6], $0x5FFFF;
	_ =	strace $0x90000046  }
0xb2: {  	s29 =	simm.s32 $0x9;
	_ =	strace $0x80000048  }
0xb3: {  	_ =	swait.ge [sflag:s29], $0x1  }
0xb4: {  	[sflag:s29] =	ssyncadd.s32 $0xFFFFFFFF  }
0xb5: {  	_ =	strace $0x90000048  }
0xb6: {  	_ =	sfence  }
0xb7: {  	s30 =	sld [smem:$0x0];
	_ =	sdelay $0x2  }
0xb8: {  	s31 =	sshll.u32 s1, $0xD;
	s1 =	sshrl.u32 s1, $0x2  }
0xb9: {  	s3 =	sand.u32 $0x4000, s31;
	s1 =	sadd.s32 s1, s30  }
0xba: {  	s0 =	sor.u32 s3, s0;
	s1 =	sshll.u32 s1, $0x11  }
0xbb: {  	s0 =	sor.u32 s1, s0  }
0xbc: {  	s0 =	sadd.s32 $0x8F2B, s0  }
0xbd: {  	[sflag:s0] =	ssyncadd.remote.s32 $0x1  }
0xbe: {  	_ =	sfence.sel $0xFFFF  }
0xbf: {  	[dreg:$0x0] =	wrdreg $0xFFFFFFFF;
	(pc) =	sbr.abs _section_cstart, $3  }
0xc0: {  	[dreg:$0x1] =	wrdreg $0xFFFFFFFF  }
0xc1: {  	_ =	task.clear_ibuf [dreg:s6], $0x2FFFF;
	_ =	strace $0x9FFFFFFF  }
0xc2: {  	(tm) =	ssettm $0x7FFFFFFF  }
0xc3: {  	_ =	shalt  }
tec
execute0_lowered:
.L_overlay_start_1:
0x0: {  	(tag) =	ssettag $0x1  }
0x1: {  	s5 =	rddreg [dreg:$0x0]  }
0x2: {  	s2 =	rddreg [dreg:$0x1];
	s0 =	stileid.u32  }
0x3: {  	s3 =	srdreg.scid;
	s1 =	rddreg [dreg:$0x2];
	s14 =	simm.s32 $0x80  }
0x4: {  	s15 =	simm.s32 $0x1;
	s16 =	simm.s32 $0x0;
	s4 =	smul.u32 $0x3C, s0  }
0x5: {  	s6 =	sand.u32 $0x1, s3;
	s7 =	smul.u32 $0x64, s0;
	s3 =	simm.s32 $0x0  }
0x6: {  	s8 =	sadd.s32 $0x19600, s5;
	s10 =	smul.u32 $0x2800, s0;
	s11 =	sadd.s32 $0x28600, s5  }
0x7: {  	s12 =	sadd.s32 $0x23600, s5;
	s31 =	sshll.u32 s0, $0x6;
	p0 =	seq.s32 s6, $0x0  }
0x8: {  	[smem:$0x7FF] =	sst s3;
	s6 =	ssub.s32 $0x2, s6;
	s4 =	sadd.s32 $0x640, s4  }
0x9: {  	_ =	strace $0x80000047;
	s9 =	sshrl.u32 s6, $0x1;
	s13 =	sadd.s32 s10, s2  }
0xa: {  	s10 =	sshrl.u32 s10, $0x3;
	s12 =	smov.u32 @p0 s11;
	s4 =	smov.u32 @p0 s7  }
0xb: {  	s6 =	ssub.s32 s6, s9;
	s9 =	sor.u32 $0x1C02, s31;
	s11 =	sshrl.u32 s13, $0x3  }
0xc: {  	s13 =	simm.s32 $0x3200;
	s7 =	sshll.u32 s4, $0x4;
	s4 =	sadd.s32 $0x1E600, s5  }
0xd: {  	s6 =	smax.u32 s6, $0x1;
	s7 =	sadd.s32 s7, s5;
	s8 =	smov.u32 @p0 s4  }
0xe: {  	s5 =	sadd.s32 $0x4600, s7;
	s7 =	sadd.s32 s8, s10;
	s8 =	simm.s32 $0x19  }
0xf: {  	s10 =	sadd.s32 s12, s10;
	s12 =	simm.s32 $0x2;
	s8 =	simm.s32 @!p0 $0xF  }
.LBB2_1:
0x10: {  	[spmem:s11], [sflag:s9] =	dma.local [hbm:s7], $0x500  }
0x11: {  	_ =	swait.ge [sflag:s12], $0x500  }
0x12: {  	[sflag:s12] =	ssyncset.done $0x0  }
0x13: {  	[sflag:s12] =	ssyncadd.s32 $0xFFFFFB00  }
0x14: {  	[tilespmem:s13], [sflag:$0x2] =	stream.linear.gather [hbm4b:s4+s3], $0x800, $0x38;
	[tilespmem:$0x6200] =	vst v63  }
0x15: {  	_ =	swait.ge [sflag:s12], $0x800  }
0x16: {  	[sflag:s12] =	ssyncset.done $0x0  }
0x17: {  	p1 =	sne.s32 s8, $0x1;
	[sflag:s12] =	ssyncadd.s32 $0xFFFFF800  }
0x18: {  	[tilespmem:s3], [sflag:$0x2] =	stream.linear.gather [hbm4b:s5+s3], $0x3200, $0x38;
	[tilespmem:$0x6200] =	vst v63  }
.Ltmp0:
0x19: {  	_ =	swait.ge [sflag:s12], $0x3200;
	(pc) =	sbr.rel @!p1 .LBB2_4-.Ltmp0, $4  }
0x1a: {  	[sflag:s12] =	ssyncset.done $0x0  }
0x1b: {  	[sflag:s12] =	ssyncadd.s32 $0xFFFFCE00  }
0x1c: {  	[bflag:$0x0] =	sbarrier.arrive $0xFFFF  }
0x1d: {  	s17 =	simm.s32 $0x180;
	s18 =	sadd.s32 $0xFFFFFFFF, s8;
	p0 =	por $0x0, $0x0  }
0x1e: {  	s19 =	simm.s32 $0x0  }
0x1f: {  	[spmem:s2] =	stream.indirect.scatter.add.f32 [tilespmem:s13], [sflag:$0x1], $0x10, s19, s14, $0xb8;
	[tilespmem:$0x6200] =	vst v63  }
0x20: {  	s30 =	simm.s32 $0x80  }
0x21: {  	[spmem:s2] =	stream.indirect.scatter.add.f32 [tilespmem:s13], [sflag:$0x1], $0x10, s30, s14, $0xb8;
	[tilespmem:$0x6200] =	vst v63  }
0x22: {  	s31 =	simm.s32 $0x100  }
0x23: {  	[spmem:s2] =	stream.indirect.scatter.add.f32 [tilespmem:s13], [sflag:$0x1], $0x10, s31, s14, $0xb8;
	[tilespmem:$0x6200] =	vst v63  }
0x24: {  	_ = 	snop  }
0x25: {  	[spmem:s2] =	stream.indirect.scatter.add.f32 [tilespmem:s13], [sflag:$0x1], $0x10, s17, s14, $0xb8;
	[tilespmem:$0x6200] =	vst v63  }
0x26: {  	_ =	swait.ge [sflag:s15], $0x800  }
0x27: {  	[sflag:s15] =	ssyncset.done $0x0  }
0x28: {  	[sflag:s15] =	ssyncadd.s32 $0xFFFFF800  }
0x29: {  	_ =	swait.ge [sflag:s15], $0x800  }
0x2a: {  	[sflag:s15] =	ssyncset.done $0x0  }
0x2b: {  	p1 =	sne.s32 s18, $0x1;
	[sflag:s15] =	ssyncadd.s32 $0xFFFFF800  }
.Ltmp1:
0x2c: {  	_ =	swait.ge [sflag:s15], $0x800;
	(pc) =	sbr.rel @!p1 .LBB2_4-.Ltmp1, $4  }
0x2d: {  	[sflag:s15] =	ssyncset.done $0x0  }
0x2e: {  	[sflag:s15] =	ssyncadd.s32 $0xFFFFF800  }
0x2f: {  	s18 =	sadd.s32 $0xFFFFFFFF, s18;
	_ =	swait.ge [sflag:s15], $0x800  }
0x30: {  	p0 =	por $0x1, $0x1;
	s17 =	simm.s32 $0x380;
	[sflag:s15] =	ssyncset.done $0x0  }
.LBB2_3:
0x31: {  	p1 =	sne.s32 s18, $0x1;
	s19 =	sadd.s32 $0xFFFFFE80, s17;
	[sflag:s15] =	ssyncadd.s32 $0xFFFFF800  }
0x32: {  	[spmem:s2] =	stream.indirect.scatter.add.f32 [tilespmem:s13], [sflag:$0x1], $0x10, s19, s14, $0xb8;
	[tilespmem:$0x6200] =	vst v63  }
0x33: {  	s18 =	sadd.s32 $0xFFFFFFFF, s18;
	s19 =	sadd.s32 $0xFFFFFF00, s17  }
0x34: {  	[spmem:s2] =	stream.indirect.scatter.add.f32 [tilespmem:s13], [sflag:$0x1], $0x10, s19, s14, $0xb8;
	[tilespmem:$0x6200] =	vst v63  }
0x35: {  	s19 =	sadd.s32 $0xFFFFFF80, s17  }
0x36: {  	[spmem:s2] =	stream.indirect.scatter.add.f32 [tilespmem:s13], [sflag:$0x1], $0x10, s19, s14, $0xb8;
	[tilespmem:$0x6200] =	vst v63  }
0x37: {  	_ = 	snop  }
0x38: {  	[spmem:s2] =	stream.indirect.scatter.add.f32 [tilespmem:s13], [sflag:$0x1], $0x10, s17, s14, $0xb8;
	[tilespmem:$0x6200] =	vst v63  }
0x39: {  	_ =	swait.ge [sflag:s15], $0x800  }
0x3a: {  	[sflag:s15] =	ssyncset.done $0x0  }
0x3b: {  	[sflag:s15] =	ssyncadd.s32 $0xFFFFF800  }
0x3c: {  	_ =	swait.ge [sflag:s15], $0x800  }
0x3d: {  	[sflag:s15] =	ssyncset.done $0x0  }
0x3e: {  	[sflag:s15] =	ssyncadd.s32 $0xFFFFF800  }
.Ltmp2:
0x3f: {  	_ =	swait.ge [sflag:s15], $0x800;
	(pc) =	sbr.rel @p1 .LBB2_3-.Ltmp2, $4  }
0x40: {  	[sflag:s15] =	ssyncset.done $0x0  }
0x41: {  	[sflag:s15] =	ssyncadd.s32 $0xFFFFF800  }
0x42: {  	_ =	swait.ge [sflag:s15], $0x800  }
0x43: {  	s17 =	sadd.s32 $0x200, s17;
	[sflag:s15] =	ssyncset.done $0x0  }
.LBB2_4:
0x44: {  	s18 =	sadd.s32 $0xFFFFFE80, s17;
	[sflag:s15] =	ssyncadd.s32 @p0 $0xFFFFF800  }
0x45: {  	[spmem:s2] =	stream.indirect.scatter.add.f32 [tilespmem:s13], [sflag:$0x1], $0x10, s18, s14, $0xb8;
	[tilespmem:$0x6200] =	vst v63  }
0x46: {  	s30 =	sadd.s32 $0xFFFFFF00, s17  }
0x47: {  	[spmem:s2] =	stream.indirect.scatter.add.f32 [tilespmem:s13], [sflag:$0x1], $0x10, s30, s14, $0xb8;
	[tilespmem:$0x6200] =	vst v63  }
0x48: {  	s31 =	sadd.s32 $0xFFFFFF80, s17  }
0x49: {  	[spmem:s2] =	stream.indirect.scatter.add.f32 [tilespmem:s13], [sflag:$0x1], $0x10, s31, s14, $0xb8;
	[tilespmem:$0x6200] =	vst v63  }
0x4a: {  	_ = 	snop  }
0x4b: {  	[spmem:s2] =	stream.indirect.scatter.add.f32 [tilespmem:s13], [sflag:$0x1], $0x10, s17, s14, $0xb8;
	[tilespmem:$0x6200] =	vst v63  }
0x4c: {  	_ =	swait.ge [sflag:s15], $0x800  }
0x4d: {  	[sflag:s15] =	ssyncset.done $0x0  }
0x4e: {  	[sflag:s15] =	ssyncadd.s32 $0xFFFFF800  }
0x4f: {  	_ =	swait.ge [sflag:s15], $0x800  }
0x50: {  	[sflag:s15] =	ssyncset.done $0x0  }
0x51: {  	[sflag:s15] =	ssyncadd.s32 $0xFFFFF800  }
0x52: {  	_ =	swait.ge [sflag:s15], $0x800  }
0x53: {  	[sflag:s15] =	ssyncset.done $0x0  }
0x54: {  	[sflag:s15] =	ssyncadd.s32 $0xFFFFF800  }
0x55: {  	_ =	swait.ge [sflag:s15], $0x800  }
0x56: {  	s16 =	sadd.s32 $0x1, s16;
	[sflag:s15] =	ssyncset.done $0x0  }
0x57: {  	p0 =	sne.s32 s16, s6;
	[sflag:s15] =	ssyncadd.s32 $0xFFFFF800  }
.Ltmp3:
0x58: {  	[bflag:$0x0] =	sbarrier.arrive $0xFFFF;
	(pc) =	sbr.rel @p0 .LBB2_1-.Ltmp3, $4  }
0x59: {  	[hbm:s10], [sflag:s9] =	dma.local [spmem:s11], $0x500  }
0x5a: {  	_ =	swait.ge [sflag:s12], $0x500  }
0x5b: {  	[sflag:s12] =	ssyncset.done $0x0  }
0x5c: {  	[sflag:s12] =	ssyncadd.s32 $0xFFFFFB00  }
0x5d: {  	_ =	sfence.sel $0x180000  }
0x5e: {  	[bflag:$0x0] =	sbarrier.arrive $0xFFFF  }
0x5f: {  	p0 =	sne.s32 s0, $0x0;
	_ =	strace $0x90000047  }
0x60: {  	s0 =	sadd.s32 @!p0 $0x100000, s1;
	[bflag:$0x2] =	sbarrier.arrive $0xFFFF  }
0x61: {  	[sflag:s0] =	ssyncadd.tile.s32 @!p0 $0x1;
	_ =	shalt  }
.Lfunc_end2:
_tile_overlayer_lowered:
.L_overlay_start_2:
0x62: {  	(tag) =	ssettag $0x2  }
0x63: {  	s0 =	rddreg [dreg:$0x0];
	s2 =	stileid.u32  }
0x64: {  	s1 =	rddreg [dreg:$0x1];
	p0 =	sne.s32 s2, $0x0  }
0x65: {  	s3 =	rddreg [dreg:$0x2];
	[bflag:$0x3] =	sbarrier.arrive $0xFFFF;
	s2 =	simm.s32 @!p0 $0x1C02  }
0x66: {  	[timem:s3], [sflag:s2] =	dma.local @!p0 [hbm:s0], s1  }
0x67: {  	s0 =	simm.s32 @!p0 $0x2  }
0x68: {  	_ =	swait.ge @!p0 [sflag:s0], s1  }
0x69: {  	s1 =	ssub.s32 @!p0 $0x0, s1;
	[sflag:s0] =	ssyncset.done @!p0 $0x0  }
0x6a: {  	[sflag:s0] =	ssyncadd.s32 @!p0 s1  }
0x6b: {  	[bflag:$0x3] =	sbarrier.arrive $0xFFFF  }
0x6c: {  	_ =	shalt  }

</sc_bundles>
